<compile_context>
chip_gen: v7x
topology: tpu7x:2x2x1
jax: 0.10.2.dev20260603
libtpu: 0.0.44.dev20260713+nightly
codegen_flags: <defaults>
</compile_context>

<pallas_src>
import functools

import jax
import jax.numpy as jnp
from jax import lax
from jax.experimental import pallas as pl
from jax.experimental.pallas import tpu as pltpu
from jax.experimental.pallas import tpu_sc as plsc

_N = 10000
_D = 128
_NC, _NS = 2, 16
_NW = _NC * _NS
_CHUNK = 128
_CPT = 80
_NCHUNKS = _NW * _CPT
_EPAD = _NCHUNKS * _CHUNK
_CPT0, _CPT1 = 144, 16
_ROWS_PT = 640
_ACC_ROWS = _NS * _ROWS_PT
_TRASH = _N

_f32 = jnp.float32

_mesh = plsc.VectorSubcoreMesh(core_axis_name="c", subcore_axis_name="s")


def _sc_degree(dst3):

    @functools.partial(
        pl.kernel,
        out_type=jax.ShapeDtypeStruct((_NC, _ACC_ROWS, 16), _f32),
        mesh=_mesh,
        scratch_types=[
            pltpu.VMEM((_CPT, _CHUNK), jnp.int32),
            pltpu.VMEM((_CHUNK, 16), _f32),
            pltpu.VMEM((_CHUNK, 16), _f32),
            pltpu.VMEM_SHARED((_ACC_ROWS, 16), _f32),
        ],
    )
    def k(dst_hbm, out_hbm, idx_d, ones, zbuf, acc):
        c = lax.axis_index("c")
        s = lax.axis_index("s")
        w = c * _NS + s
        pltpu.sync_copy(dst_hbm.at[pl.ds(w * _CPT, _CPT)], idx_d)

        @pl.loop(0, _CHUNK)
        def _(i):
            ones[i, :] = jnp.full((16,), 1.0, _f32)
            zbuf[i, :] = jnp.zeros((16,), _f32)

        row0 = s * _ROWS_PT

        @pl.loop(0, _ROWS_PT // _CHUNK)
        def _(t):
            pltpu.sync_copy(zbuf, acc.at[pl.ds(row0 + t * _CHUNK, _CHUNK)])

        plsc.subcore_barrier()

        @pl.loop(0, _CPT)
        def _(j):
            pltpu.sync_copy(ones, acc.at[idx_d.at[j]], add=True)

        plsc.subcore_barrier()
        pltpu.sync_copy(acc.at[pl.ds(row0, _ROWS_PT)],
                        out_hbm.at[c, pl.ds(row0, _ROWS_PT)])

    return k(dst3)


_NBUF = 2
_SEG = 16
_ZROWS = 16


def _sc_aggregate(hs, src3, dst3):

    @functools.partial(
        pl.kernel,
        out_type=jax.ShapeDtypeStruct((_NC, _ACC_ROWS, _D), _f32),
        mesh=_mesh,
        scratch_types=[
            pltpu.VMEM((_SEG, _CHUNK), jnp.int32),
            pltpu.VMEM((_SEG, _CHUNK), jnp.int32),
        ] + [pltpu.VMEM((_CHUNK, _D), _f32)] * _NBUF + [
            pltpu.VMEM((_ZROWS, _D), _f32),
            pltpu.VMEM_SHARED((_ACC_ROWS, _D), _f32),
        ] + [pltpu.SemaphoreType.DMA] * _NBUF,
    )
    def k(hs_hbm, src_hbm, dst_hbm, out_hbm,
          idx_s, idx_d, *rest):
        rows = rest[:_NBUF]
        zbuf = rest[_NBUF]
        acc = rest[_NBUF + 1]
        sems = rest[_NBUF + 2:]
        c = lax.axis_index("c")
        s = lax.axis_index("s")
        row0 = s * _ROWS_PT
        base = (1 - c) * (s * _CPT0) + c * (_NS * _CPT0 + s * _CPT1)
        nseg = ((1 - c) * _CPT0 + c * _CPT1) // _SEG

        @pl.loop(0, _ZROWS)
        def _(i):
            @pl.loop(0, _D, step=16)
            def _(kk):
                zbuf[i, pl.ds(kk, 16)] = jnp.zeros((16,), _f32)

        @pl.loop(0, _ROWS_PT // _ZROWS)
        def _(t):
            pltpu.sync_copy(zbuf, acc.at[pl.ds(row0 + t * _ZROWS, _ZROWS)])

        plsc.subcore_barrier()

        @pl.loop(0, nseg)
        def _(seg):
            pltpu.sync_copy(
                src_hbm.at[pl.ds(base + seg * _SEG, _SEG)], idx_s)
            pltpu.sync_copy(
                dst_hbm.at[pl.ds(base + seg * _SEG, _SEG)], idx_d)

            for b in range(_NBUF):
                pltpu.async_copy(hs_hbm.at[idx_s.at[b]], rows[b], sems[b])

            @pl.loop(0, _SEG // _NBUF)
            def _(g):
                j0 = g * _NBUF
                for b in range(_NBUF):
                    j = j0 + b
                    pltpu.make_async_copy(
                        hs_hbm.at[idx_s.at[j]], rows[b], sems[b]).wait()
                    pltpu.sync_copy(rows[b], acc.at[idx_d.at[j]], add=True)

                    @pl.when(j + _NBUF < _SEG)
                    def _():
                        pltpu.async_copy(
                            hs_hbm.at[idx_s.at[j + _NBUF]], rows[b], sems[b])

        plsc.subcore_barrier()
        pltpu.sync_copy(acc.at[pl.ds(row0, _ROWS_PT)],
                        out_hbm.at[c, pl.ds(row0, _ROWS_PT)])

    return k(hs, src3, dst3)


def _tc_encoder(x, W, b, g, be):
    def body(x_ref, w_ref, b_ref, g_ref, be_ref, o_ref):
        h = jnp.dot(x_ref[...], w_ref[...], preferred_element_type=_f32)
        h = h + b_ref[...]
        m = jnp.mean(h, axis=0, keepdims=True)
        v = jnp.mean((h - m) * (h - m), axis=0, keepdims=True)
        h = (h - m) * lax.rsqrt(v + 1e-5) * g_ref[...] + be_ref[...]
        o_ref[...] = jnp.maximum(h, 0.0)

    return pl.pallas_call(
        body, out_shape=jax.ShapeDtypeStruct((_N, _D), _f32))(
            x, W, b.reshape(1, _D), g.reshape(1, _D), be.reshape(1, _D))


def _tc_dinv(degp):
    def body(p_ref, o_ref):
        d = 1.0 + p_ref[0, :_N, :1] + p_ref[1, :_N, :1]
        o_ref[...] = lax.rsqrt(d)

    return pl.pallas_call(
        body, out_shape=jax.ShapeDtypeStruct((_N, 1), _f32))(degp)


def _store_padded(o_ref, hs):
    o_ref[: _N, :] = hs
    o_ref[_N:, :] = jnp.zeros((_ACC_ROWS - _N, _D), _f32)


_HS_T = jax.ShapeDtypeStruct((_ACC_ROWS, _D), _f32)


def _tc_mm_scale(h, W, dinv):
    def body(h_ref, w_ref, di_ref, o_ref):
        _store_padded(o_ref, jnp.dot(h_ref[...], w_ref[...],
                                     preferred_element_type=_f32) * di_ref[...])

    return pl.pallas_call(body, out_shape=_HS_T)(h, W, dinv)


def _tc_comb_mm(p, hs, bvec, dinv, W):
    def body(p_ref, hs_ref, b_ref, di_ref, w_ref, o_ref):
        h = (p_ref[0, :_N, :] + p_ref[1, :_N, :] + hs_ref[:_N, :]) * di_ref[...]
        h = h + b_ref[...]
        _store_padded(o_ref, jnp.dot(h, w_ref[...],
                                     preferred_element_type=_f32) * di_ref[...])

    return pl.pallas_call(body, out_shape=_HS_T)(
        p, hs, bvec.reshape(1, _D), dinv, W)


def _tc_epilogue(p, hs, bvec, dinv):
    def body(p_ref, hs_ref, b_ref, di_ref, o_ref):
        h = (p_ref[0, :_N, :] + p_ref[1, :_N, :] + hs_ref[:_N, :]) * di_ref[...]
        o_ref[...] = h + b_ref[...]

    return pl.pallas_call(
        body, out_shape=jax.ShapeDtypeStruct((_N, _D), _f32))(
            p, hs, bvec.reshape(1, _D), dinv)


def kernel(x, adj_t, W_enc, b_enc, gamma, beta, Wc0, bc0, Wc1, bc1, Wc2, bc2):
    src = adj_t[0]
    dst = adj_t[1]
    pad = _EPAD - src.shape[0]
    src_pad = jnp.arange(pad, dtype=jnp.int32) % _N
    src3 = jnp.concatenate([src, src_pad]).reshape(_NCHUNKS, _CHUNK)
    trash = _TRASH + (jnp.arange(pad, dtype=jnp.int32) % (_ACC_ROWS - _N))
    dst3 = jnp.concatenate([dst, trash]).reshape(_NCHUNKS, _CHUNK)

    degp = _sc_degree(dst3)
    h0 = _tc_encoder(x, W_enc, b_enc, gamma, beta)
    dinv = _tc_dinv(degp)

    hs0 = _tc_mm_scale(h0, Wc0, dinv)
    p0 = _sc_aggregate(hs0, src3, dst3)
    hs1 = _tc_comb_mm(p0, hs0, bc0, dinv, Wc1)
    p1 = _sc_aggregate(hs1, src3, dst3)
    hs2 = _tc_comb_mm(p1, hs1, bc1, dinv, Wc2)
    p2 = _sc_aggregate(hs2, src3, dst3)
    return _tc_epilogue(p2, hs2, bc2, dinv)

# --- scband reference (transcript-rebuilt; emitter-appended) ---
"""Pipeline reference for scband-gcn-91233695301995 (READ-ONLY COPY).

The authoritative reference and input builder live on the scoring server;
editing this copy changes nothing except your own understanding.
"""

import jax, jax.numpy as jnp
import numpy as np

N = 10000
E = 320000
D = 128
H = 128
O = 128


def _glorot(key, shape):
    lim = np.sqrt(6.0 / (shape[0] + shape[1]))
    return jax.random.uniform(key, shape, dtype=jnp.float32, minval=-lim, maxval=lim)


def setup_inputs(seed: int = 0):
    key = jax.random.key(seed)
    ks = jax.random.split(key, 8)
    x = jax.random.normal(ks[0], (N, D), dtype=jnp.float32)
    adj_t = jax.random.randint(ks[1], (2, E), 0, N, dtype=jnp.int32)
    W_enc = _glorot(ks[2], (D, D))
    b_enc = jnp.zeros((D,), jnp.float32)
    gamma = jnp.ones((D,), jnp.float32)
    beta = jnp.zeros((D,), jnp.float32)
    Wc0 = _glorot(ks[3], (D, H)); bc0 = jnp.zeros((H,), jnp.float32)
    Wc1 = _glorot(ks[4], (H, H)); bc1 = jnp.zeros((H,), jnp.float32)
    Wc2 = _glorot(ks[5], (H, O)); bc2 = jnp.zeros((O,), jnp.float32)
    return {"x": x, "adj_t": adj_t, "W_enc": W_enc, "b_enc": b_enc,
            "gamma": gamma, "beta": beta, "Wc0": Wc0, "bc0": bc0,
            "Wc1": Wc1, "bc1": bc1, "Wc2": Wc2, "bc2": bc2}


def _gcn_conv(h, src, dst, norm, W, b):
    # PyG GCNConv: linear transform, then normalized scatter-add aggregation
    hw = h @ W
    msg = hw[src] * norm[:, None]
    out = jnp.zeros((h.shape[0], W.shape[1]), h.dtype).at[dst].add(msg)
    return out + b


def reference(x, adj_t, W_enc, b_enc, gamma, beta, Wc0, bc0, Wc1, bc1, Wc2, bc2):
    # feat_encode: Linear + BatchNorm1d (training-mode batch stats) + ReLU + Dropout(p=0)
    h = x @ W_enc + b_enc
    mean = jnp.mean(h, axis=0)
    var = jnp.var(h, axis=0)
    h = (h - mean) / jnp.sqrt(var + 1e-5) * gamma + beta
    h = jax.nn.relu(h)
    # GCN normalization with self-loops (symmetric D^-1/2 (A+I) D^-1/2)
    loops = jnp.arange(N, dtype=adj_t.dtype)
    src = jnp.concatenate([adj_t[0], loops])
    dst = jnp.concatenate([adj_t[1], loops])
    deg = jnp.zeros((N,), h.dtype).at[dst].add(1.0)
    dinv = jnp.where(deg > 0, deg ** -0.5, 0.0)
    norm = dinv[src] * dinv[dst]
    # 3 GCNConv layers, dropout p=0.0 between layers is identity
    h = _gcn_conv(h, src, dst, norm, Wc0, bc0)
    h = _gcn_conv(h, src, dst, norm, Wc1, bc1)
    h = _gcn_conv(h, src, dst, norm, Wc2, bc2)
    return h

if __name__ == "__main__":
    import jax
    _d = setup_inputs()
    print(jax.jit(kernel)(*tuple(_d.values())))

</pallas_src>

<mosaic_0001>
#map = affine_map<(d0, d1) -> (0, 0)>
#map1 = affine_map<(d0, d1) -> (0, 0, 0)>
module attributes {stable_mosaic.version = 14 : i64} {
  func.func @k(%arg0: i32, %arg1: i32, %arg2: memref<2560x128xi32, #tpu.memory_space<hbm>>, %arg3: memref<2x10240x16xf32, #tpu.memory_space<hbm>>, %arg4: memref<80x128xi32, #tpu.memory_space<vmem>>, %arg5: memref<128x16xf32, #tpu.memory_space<vmem>>, %arg6: memref<128x16xf32, #tpu.memory_space<vmem>>, %arg7: memref<10240x16xf32, #tpu.memory_space<vmem_shared>>) attributes {dimension_semantics = [#tpu.dimension_semantics<core_parallel>, #tpu.dimension_semantics<subcore_parallel>], iteration_bounds = array<i64: 2, 16>, scalar_prefetch = 0 : i64, scratch_operands = 4 : i64, tpu.core_type = #tpu.core_type<sc_vector_subcore>, window_params = [{transform_indices = #map}, {transform_indices = #map1}]} {
    %mul3A = arith.constant 16 : i32
    %mul3A_0 = arith.muli %arg0, %mul3A : i32
    %add3A = arith.addi %mul3A_0, %arg1 : i32
    %mul3A_1 = arith.constant 80 : i32
    %mul3A_2 = arith.muli %add3A, %mul3A_1 : i32
    "tpu.region"() ({
      %run_scoped3A = tpu.sem_alloc : memref<!tpu.dma_semaphore, #tpu.memory_space<semaphore_mem>>
      %dma_start3A = arith.constant 0 : i32
      %dma_start3A_20 = tpu.memref_slice %arg2[%mul3A_2, %dma_start3A] : memref<2560x128xi32, #tpu.memory_space<hbm>> -> memref<80x128xi32, #tpu.memory_space<hbm>>
      %dma_start3A_21 = arith.constant 0 : i32
      %dma_start3A_22 = tpu.memref_slice %arg2[%mul3A_2, %dma_start3A_21] : memref<2560x128xi32, #tpu.memory_space<hbm>> -> memref<80x128xi32, #tpu.memory_space<hbm>>
      tpu.enqueue_dma source(%dma_start3A_22 : memref<80x128xi32, #tpu.memory_space<hbm>>) target(%arg4 : memref<80x128xi32, #tpu.memory_space<vmem>>) target_semaphore(%run_scoped3A : memref<!tpu.dma_semaphore, #tpu.memory_space<semaphore_mem>>)
      %dma_wait3A = arith.constant 0 : i32
      %dma_wait3A_23 = tpu.memref_slice %arg2[%mul3A_2, %dma_wait3A] : memref<2560x128xi32, #tpu.memory_space<hbm>> -> memref<80x128xi32, #tpu.memory_space<hbm>>
      %dma_wait3A_24 = arith.constant 0 : i32
      %dma_wait3A_25 = tpu.memref_slice %arg2[%mul3A_2, %dma_wait3A_24] : memref<2560x128xi32, #tpu.memory_space<hbm>> -> memref<80x128xi32, #tpu.memory_space<hbm>>
      tpu.wait_dma2 semaphore(%run_scoped3A : memref<!tpu.dma_semaphore, #tpu.memory_space<semaphore_mem>>) src(%dma_wait3A_25 : memref<80x128xi32, #tpu.memory_space<hbm>>) dst(%arg4 : memref<80x128xi32, #tpu.memory_space<vmem>>)
      tpu.yield
    }) : () -> ()
    %scan3A = arith.constant 0 : i32
    %scan3A_3 = arith.constant 128 : i32
    %scan3A_4 = arith.addi %scan3A, %scan3A_3 : i32
    %scan3A_5 = arith.constant 1 : i32
    scf.for %scan3A_20 = %scan3A to %scan3A_4 step %scan3A_5  : i32 {
      %mul3A_21 = arith.constant 1 : i32
      %mul3A_22 = arith.muli %scan3A_20, %mul3A_21 : i32
      %add3A_23 = arith.constant 0 : i32
      %add3A_24 = arith.addi %add3A_23, %mul3A_22 : i32
      %broadcast_in_dim3A = arith.constant 1.000000e+00 : f32
      %broadcast_in_dim3A_25 = vector.broadcast %broadcast_in_dim3A : f32 to vector<16xf32>
      %swap3A = arith.index_cast %add3A_24 : i32 to index
      %swap3A_26 = arith.constant 0 : index
      %swap3A_27 = tpu.vector_load %arg5[%swap3A, %swap3A_26] {strides = array<i32>} : memref<128x16xf32, #tpu.memory_space<vmem>>, vector<1x16xf32>,
      %swap3A_28 = vector.shape_cast %swap3A_27 : vector<1x16xf32> to vector<16xf32>
      %swap3A_29 = vector.shape_cast %broadcast_in_dim3A_25 : vector<16xf32> to vector<1x16xf32>
      tpu.vector_store %arg5[%swap3A, %swap3A_26], %swap3A_29 {strides = array<i32>} : memref<128x16xf32, #tpu.memory_space<vmem>>, vector<1x16xf32>,
      %broadcast_in_dim3A_30 = arith.constant 0.000000e+00 : f32
      %broadcast_in_dim3A_31 = vector.broadcast %broadcast_in_dim3A_30 : f32 to vector<16xf32>
      %swap3A_32 = arith.index_cast %add3A_24 : i32 to index
      %swap3A_33 = arith.constant 0 : index
      %swap3A_34 = tpu.vector_load %arg6[%swap3A_32, %swap3A_33] {strides = array<i32>} : memref<128x16xf32, #tpu.memory_space<vmem>>, vector<1x16xf32>,
      %swap3A_35 = vector.shape_cast %swap3A_34 : vector<1x16xf32> to vector<16xf32>
      %swap3A_36 = vector.shape_cast %broadcast_in_dim3A_31 : vector<16xf32> to vector<1x16xf32>
      tpu.vector_store %arg6[%swap3A_32, %swap3A_33], %swap3A_36 {strides = array<i32>} : memref<128x16xf32, #tpu.memory_space<vmem>>, vector<1x16xf32>,
    }
    %scan3A_6 = arith.constant 128 : i32
    %mul3A_7 = arith.constant 640 : i32
    %mul3A_8 = arith.muli %arg1, %mul3A_7 : i32
    %scan3A_9 = arith.constant 0 : i32
    %scan3A_10 = arith.constant 5 : i32
    %scan3A_11 = arith.addi %scan3A_9, %scan3A_10 : i32
    %scan3A_12 = arith.constant 1 : i32
    scf.for %scan3A_20 = %scan3A_9 to %scan3A_11 step %scan3A_12  : i32 {
      %mul3A_21 = arith.constant 1 : i32
      %mul3A_22 = arith.muli %scan3A_20, %mul3A_21 : i32
      %add3A_23 = arith.constant 0 : i32
      %add3A_24 = arith.addi %add3A_23, %mul3A_22 : i32
      %mul3A_25 = arith.constant 128 : i32
      %mul3A_26 = arith.muli %add3A_24, %mul3A_25 : i32
      %add3A_27 = arith.addi %mul3A_8, %mul3A_26 : i32
      "tpu.region"() ({
        %run_scoped3A = tpu.sem_alloc : memref<!tpu.dma_semaphore, #tpu.memory_space<semaphore_mem>>
        %dma_start3A = arith.constant 0 : i32
        %dma_start3A_28 = tpu.memref_slice %arg7[%add3A_27, %dma_start3A] : memref<10240x16xf32, #tpu.memory_space<vmem_shared>> -> memref<128x16xf32, #tpu.memory_space<vmem_shared>>
        %dma_start3A_29 = arith.constant 0 : i32
        %dma_start3A_30 = tpu.memref_slice %arg7[%add3A_27, %dma_start3A_29] : memref<10240x16xf32, #tpu.memory_space<vmem_shared>> -> memref<128x16xf32, #tpu.memory_space<vmem_shared>>
        tpu.enqueue_dma source(%arg6 : memref<128x16xf32, #tpu.memory_space<vmem>>) target(%dma_start3A_30 : memref<128x16xf32, #tpu.memory_space<vmem_shared>>) target_semaphore(%run_scoped3A : memref<!tpu.dma_semaphore, #tpu.memory_space<semaphore_mem>>)
        %dma_wait3A = arith.constant 0 : i32
        %dma_wait3A_31 = tpu.memref_slice %arg7[%add3A_27, %dma_wait3A] : memref<10240x16xf32, #tpu.memory_space<vmem_shared>> -> memref<128x16xf32, #tpu.memory_space<vmem_shared>>
        %dma_wait3A_32 = arith.constant 0 : i32
        %dma_wait3A_33 = tpu.memref_slice %arg7[%add3A_27, %dma_wait3A_32] : memref<10240x16xf32, #tpu.memory_space<vmem_shared>> -> memref<128x16xf32, #tpu.memory_space<vmem_shared>>
        tpu.wait_dma2 semaphore(%run_scoped3A : memref<!tpu.dma_semaphore, #tpu.memory_space<semaphore_mem>>) src(%arg6 : memref<128x16xf32, #tpu.memory_space<vmem>>) dst(%dma_wait3A_33 : memref<128x16xf32, #tpu.memory_space<vmem_shared>>)
        tpu.yield
      }) : () -> ()
    }
    %scan3A_13 = arith.constant 5 : i32
    %barrier3A = arith.constant 0 : index
    tpu.barrier barrier_id(%barrier3A)
    %scan3A_14 = arith.constant 0 : i32
    %scan3A_15 = arith.constant 80 : i32
    %scan3A_16 = arith.addi %scan3A_14, %scan3A_15 : i32
    %scan3A_17 = arith.constant 1 : i32
    scf.for %scan3A_20 = %scan3A_14 to %scan3A_16 step %scan3A_17  : i32 {
      %mul3A_21 = arith.constant 1 : i32
      %mul3A_22 = arith.muli %scan3A_20, %mul3A_21 : i32
      %add3A_23 = arith.constant 0 : i32
      %add3A_24 = arith.addi %add3A_23, %mul3A_22 : i32
      "tpu.region"() ({
        %run_scoped3A = tpu.sem_alloc : memref<!tpu.dma_semaphore, #tpu.memory_space<semaphore_mem>>
        %dma_start3A = arith.constant 0 : i32
        %dma_start3A_25 = tpu.memref_slice %arg4[%add3A_24, %dma_start3A] : memref<80x128xi32, #tpu.memory_space<vmem>> -> memref<1x128xi32, #tpu.memory_space<vmem>>
        %dma_start3A_26 = tpu.memref_squeeze %dma_start3A_25 : memref<1x128xi32, #tpu.memory_space<vmem>> -> memref<128xi32, #tpu.memory_space<vmem>>
        %dma_start3A_27 = arith.constant 0 : i32
        %dma_start3A_28 = arith.constant 0 : i32
        %dma_start3A_29 = tpu.memref_slice %arg7[%dma_start3A_27, %dma_start3A_28] : memref<10240x16xf32, #tpu.memory_space<vmem_shared>> -> memref<10240x16xf32, #tpu.memory_space<vmem_shared>>
        tpu.enqueue_indirect_dma source(%arg5 : memref<128x16xf32, #tpu.memory_space<vmem>>) target(%dma_start3A_29 : memref<10240x16xf32, #tpu.memory_space<vmem_shared>>) offsets(%dma_start3A_26 : memref<128xi32, #tpu.memory_space<vmem>>) semaphore(%run_scoped3A : memref<!tpu.dma_semaphore, #tpu.memory_space<semaphore_mem>>) {add = true}
        %dma_wait3A = arith.constant 0 : i32
        %dma_wait3A_30 = tpu.memref_slice %arg4[%add3A_24, %dma_wait3A] : memref<80x128xi32, #tpu.memory_space<vmem>> -> memref<1x128xi32, #tpu.memory_space<vmem>>
        %dma_wait3A_31 = tpu.memref_squeeze %dma_wait3A_30 : memref<1x128xi32, #tpu.memory_space<vmem>> -> memref<128xi32, #tpu.memory_space<vmem>>
        %dma_wait3A_32 = arith.constant 0 : i32
        %dma_wait3A_33 = arith.constant 0 : i32
        %dma_wait3A_34 = tpu.memref_slice %arg7[%dma_wait3A_32, %dma_wait3A_33] : memref<10240x16xf32, #tpu.memory_space<vmem_shared>> -> memref<10240x16xf32, #tpu.memory_space<vmem_shared>>
        tpu.wait_indirect_dma semaphore(%run_scoped3A : memref<!tpu.dma_semaphore, #tpu.memory_space<semaphore_mem>>) src(%arg5 : memref<128x16xf32, #tpu.memory_space<vmem>>) dst(%dma_wait3A_34 : memref<10240x16xf32, #tpu.memory_space<vmem_shared>>)
        tpu.yield
      }) : () -> ()
    }
    %scan3A_18 = arith.constant 80 : i32
    %barrier3A_19 = arith.constant 0 : index
    tpu.barrier barrier_id(%barrier3A_19)
    "tpu.region"() ({
      %run_scoped3A = tpu.sem_alloc : memref<!tpu.dma_semaphore, #tpu.memory_space<semaphore_mem>>
      %dma_start3A = arith.constant 0 : i32
      %dma_start3A_20 = tpu.memref_slice %arg3[%arg0, %mul3A_8, %dma_start3A] : memref<2x10240x16xf32, #tpu.memory_space<hbm>> -> memref<1x640x16xf32, #tpu.memory_space<hbm>>
      %dma_start3A_21 = tpu.memref_squeeze %dma_start3A_20 : memref<1x640x16xf32, #tpu.memory_space<hbm>> -> memref<640x16xf32, #tpu.memory_space<hbm>>
      %dma_start3A_22 = arith.constant 0 : i32
      %dma_start3A_23 = tpu.memref_slice %arg7[%mul3A_8, %dma_start3A_22] : memref<10240x16xf32, #tpu.memory_space<vmem_shared>> -> memref<640x16xf32, #tpu.memory_space<vmem_shared>>
      tpu.enqueue_dma source(%dma_start3A_23 : memref<640x16xf32, #tpu.memory_space<vmem_shared>>) target(%dma_start3A_21 : memref<640x16xf32, #tpu.memory_space<hbm>>) target_semaphore(%run_scoped3A : memref<!tpu.dma_semaphore, #tpu.memory_space<semaphore_mem>>)
      %dma_wait3A = arith.constant 0 : i32
      %dma_wait3A_24 = tpu.memref_slice %arg3[%arg0, %mul3A_8, %dma_wait3A] : memref<2x10240x16xf32, #tpu.memory_space<hbm>> -> memref<1x640x16xf32, #tpu.memory_space<hbm>>
      %dma_wait3A_25 = tpu.memref_squeeze %dma_wait3A_24 : memref<1x640x16xf32, #tpu.memory_space<hbm>> -> memref<640x16xf32, #tpu.memory_space<hbm>>
      %dma_wait3A_26 = arith.constant 0 : i32
      %dma_wait3A_27 = tpu.memref_slice %arg7[%mul3A_8, %dma_wait3A_26] : memref<10240x16xf32, #tpu.memory_space<vmem_shared>> -> memref<640x16xf32, #tpu.memory_space<vmem_shared>>
      tpu.wait_dma2 semaphore(%run_scoped3A : memref<!tpu.dma_semaphore, #tpu.memory_space<semaphore_mem>>) src(%dma_wait3A_27 : memref<640x16xf32, #tpu.memory_space<vmem_shared>>) dst(%dma_wait3A_25 : memref<640x16xf32, #tpu.memory_space<hbm>>)
      tpu.yield
    }) : () -> ()
    return
  }
}

#map = affine_map<(d0, d1) -> (0, 0)>
#map1 = affine_map<(d0, d1) -> (0, 0, 0)>
module attributes {stable_mosaic.version = 14 : i64} {
  func.func @k(%arg0: i32, %arg1: i32, %arg2: memref<10240x128xf32, #tpu.memory_space<hbm>>, %arg3: memref<2560x128xi32, #tpu.memory_space<hbm>>, %arg4: memref<2560x128xi32, #tpu.memory_space<hbm>>, %arg5: memref<2x10240x128xf32, #tpu.memory_space<hbm>>, %arg6: memref<16x128xi32, #tpu.memory_space<vmem>>, %arg7: memref<16x128xi32, #tpu.memory_space<vmem>>, %arg8: memref<128x128xf32, #tpu.memory_space<vmem>>, %arg9: memref<128x128xf32, #tpu.memory_space<vmem>>, %arg10: memref<16x128xf32, #tpu.memory_space<vmem>>, %arg11: memref<10240x128xf32, #tpu.memory_space<vmem_shared>>, %arg12: memref<!tpu.dma_semaphore, #tpu.memory_space<semaphore_mem>>, %arg13: memref<!tpu.dma_semaphore, #tpu.memory_space<semaphore_mem>>) attributes {dimension_semantics = [#tpu.dimension_semantics<core_parallel>, #tpu.dimension_semantics<subcore_parallel>], iteration_bounds = array<i64: 2, 16>, scalar_prefetch = 0 : i64, scratch_operands = 8 : i64, tpu.core_type = #tpu.core_type<sc_vector_subcore>, window_params = [{transform_indices = #map}, {transform_indices = #map}, {transform_indices = #map}, {transform_indices = #map1}]} {
    %mul3A = arith.constant 640 : i32
    %mul3A_0 = arith.muli %arg1, %mul3A : i32
    %sub3A = arith.constant 1 : i32
    %sub3A_1 = arith.subi %sub3A, %arg0 : i32
    %mul3A_2 = arith.constant 144 : i32
    %mul3A_3 = arith.muli %arg1, %mul3A_2 : i32
    %mul3A_4 = arith.muli %sub3A_1, %mul3A_3 : i32
    %mul3A_5 = arith.constant 16 : i32
    %mul3A_6 = arith.muli %arg1, %mul3A_5 : i32
    %add3A = arith.constant 2304 : i32
    %add3A_7 = arith.addi %add3A, %mul3A_6 : i32
    %mul3A_8 = arith.muli %arg0, %add3A_7 : i32
    %add3A_9 = arith.addi %mul3A_4, %mul3A_8 : i32
    %sub3A_10 = arith.constant 1 : i32
    %sub3A_11 = arith.subi %sub3A_10, %arg0 : i32
    %mul3A_12 = arith.constant 144 : i32
    %mul3A_13 = arith.muli %sub3A_11, %mul3A_12 : i32
    %mul3A_14 = arith.constant 16 : i32
    %mul3A_15 = arith.muli %arg0, %mul3A_14 : i32
    %add3A_16 = arith.addi %mul3A_13, %mul3A_15 : i32
    %jit3A = arith.constant 16 : i32
    %div3A = arith.divsi %add3A_16, %jit3A : i32
    %sign3A = arith.constant 0 : i32
    %sign3A_17 = arith.cmpi sgt, %add3A_16, %sign3A : i32
    %sign3A_18 = arith.extui %sign3A_17 : i1 to i32
    %sign3A_19 = arith.constant 0 : i32
    %sign3A_20 = arith.cmpi slt, %add3A_16, %sign3A_19 : i32
    %sign3A_21 = arith.extui %sign3A_20 : i1 to i32
    %sign3A_22 = arith.subi %sign3A_18, %sign3A_21 : i32
    %sign3A_23 = arith.constant 0 : i32
    %sign3A_24 = arith.cmpi sgt, %jit3A, %sign3A_23 : i32
    %sign3A_25 = arith.extui %sign3A_24 : i1 to i32
    %sign3A_26 = arith.constant 0 : i32
    %sign3A_27 = arith.cmpi slt, %jit3A, %sign3A_26 : i32
    %sign3A_28 = arith.extui %sign3A_27 : i1 to i32
    %sign3A_29 = arith.subi %sign3A_25, %sign3A_28 : i32
    %ne3A = arith.cmpi ne, %sign3A_22, %sign3A_29 : i32
    %rem3A = arith.remsi %add3A_16, %jit3A : i32
    %ne3A_30 = arith.constant 0 : i32
    %ne3A_31 = arith.cmpi ne, %rem3A, %ne3A_30 : i32
    %and3A = arith.andi %ne3A, %ne3A_31 : i1
    %sub3A_32 = arith.constant 1 : i32
    %sub3A_33 = arith.subi %div3A, %sub3A_32 : i32
    %select_n3A = arith.select %and3A, %sub3A_33, %div3A : i32
    %scan3A = arith.constant 0 : i32
    %scan3A_34 = arith.constant 16 : i32
    %scan3A_35 = arith.addi %scan3A, %scan3A_34 : i32
    %scan3A_36 = arith.constant 1 : i32
    scf.for %scan3A_62 = %scan3A to %scan3A_35 step %scan3A_36  : i32 {
      %mul3A_63 = arith.constant 1 : i32
      %mul3A_64 = arith.muli %scan3A_62, %mul3A_63 : i32
      %add3A_65 = arith.constant 0 : i32
      %add3A_66 = arith.addi %add3A_65, %mul3A_64 : i32
      %scan3A_67 = arith.constant 0 : i32
      %scan3A_68 = arith.constant 8 : i32
      %scan3A_69 = arith.addi %scan3A_67, %scan3A_68 : i32
      %scan3A_70 = arith.constant 1 : i32
      scf.for %scan3A_72 = %scan3A_67 to %scan3A_69 step %scan3A_70  : i32 {
        %mul3A_73 = arith.constant 16 : i32
        %mul3A_74 = arith.muli %scan3A_72, %mul3A_73 : i32
        %add3A_75 = arith.constant 0 : i32
        %add3A_76 = arith.addi %add3A_75, %mul3A_74 : i32
        %broadcast_in_dim3A = arith.constant 0.000000e+00 : f32
        %broadcast_in_dim3A_77 = vector.broadcast %broadcast_in_dim3A : f32 to vector<16xf32>
        %swap3A = arith.index_cast %add3A_66 : i32 to index
        %swap3A_78 = arith.index_cast %add3A_76 : i32 to index
        %swap3A_79 = tpu.vector_load %arg10[%swap3A, %swap3A_78] {strides = array<i32>} : memref<16x128xf32, #tpu.memory_space<vmem>>, vector<1x16xf32>,
        %swap3A_80 = vector.shape_cast %swap3A_79 : vector<1x16xf32> to vector<16xf32>
        %swap3A_81 = vector.shape_cast %broadcast_in_dim3A_77 : vector<16xf32> to vector<1x16xf32>
        tpu.vector_store %arg10[%swap3A, %swap3A_78], %swap3A_81 {strides = array<i32>} : memref<16x128xf32, #tpu.memory_space<vmem>>, vector<1x16xf32>,
      }
      %scan3A_71 = arith.constant 8 : i32
    }
    %scan3A_37 = arith.constant 16 : i32
    %scan3A_38 = arith.constant 0 : i32
    %scan3A_39 = arith.constant 40 : i32
    %scan3A_40 = arith.addi %scan3A_38, %scan3A_39 : i32
    %scan3A_41 = arith.constant 1 : i32
    scf.for %scan3A_62 = %scan3A_38 to %scan3A_40 step %scan3A_41  : i32 {
      %mul3A_63 = arith.constant 1 : i32
      %mul3A_64 = arith.muli %scan3A_62, %mul3A_63 : i32
      %add3A_65 = arith.constant 0 : i32
      %add3A_66 = arith.addi %add3A_65, %mul3A_64 : i32
      %mul3A_67 = arith.constant 16 : i32
      %mul3A_68 = arith.muli %add3A_66, %mul3A_67 : i32
      %add3A_69 = arith.addi %mul3A_0, %mul3A_68 : i32
      "tpu.region"() ({
        %run_scoped3A = tpu.sem_alloc : memref<!tpu.dma_semaphore, #tpu.memory_space<semaphore_mem>>
        %dma_start3A = arith.constant 0 : i32
        %dma_start3A_70 = tpu.memref_slice %arg11[%add3A_69, %dma_start3A] : memref<10240x128xf32, #tpu.memory_space<vmem_shared>> -> memref<16x128xf32, #tpu.memory_space<vmem_shared>>
        %dma_start3A_71 = arith.constant 0 : i32
        %dma_start3A_72 = tpu.memref_slice %arg11[%add3A_69, %dma_start3A_71] : memref<10240x128xf32, #tpu.memory_space<vmem_shared>> -> memref<16x128xf32, #tpu.memory_space<vmem_shared>>
        tpu.enqueue_dma source(%arg10 : memref<16x128xf32, #tpu.memory_space<vmem>>) target(%dma_start3A_72 : memref<16x128xf32, #tpu.memory_space<vmem_shared>>) target_semaphore(%run_scoped3A : memref<!tpu.dma_semaphore, #tpu.memory_space<semaphore_mem>>)
        %dma_wait3A = arith.constant 0 : i32
        %dma_wait3A_73 = tpu.memref_slice %arg11[%add3A_69, %dma_wait3A] : memref<10240x128xf32, #tpu.memory_space<vmem_shared>> -> memref<16x128xf32, #tpu.memory_space<vmem_shared>>
        %dma_wait3A_74 = arith.constant 0 : i32
        %dma_wait3A_75 = tpu.memref_slice %arg11[%add3A_69, %dma_wait3A_74] : memref<10240x128xf32, #tpu.memory_space<vmem_shared>> -> memref<16x128xf32, #tpu.memory_space<vmem_shared>>
        tpu.wait_dma2 semaphore(%run_scoped3A : memref<!tpu.dma_semaphore, #tpu.memory_space<semaphore_mem>>) src(%arg10 : memref<16x128xf32, #tpu.memory_space<vmem>>) dst(%dma_wait3A_75 : memref<16x128xf32, #tpu.memory_space<vmem_shared>>)
        tpu.yield
      }) : () -> ()
    }
    %scan3A_42 = arith.constant 40 : i32
    %barrier3A = arith.constant 0 : index
    tpu.barrier barrier_id(%barrier3A)
    %sub3A_43 = arith.constant 0 : i32
    %sub3A_44 = arith.subi %select_n3A, %sub3A_43 : i32
    %sub3A_45 = arith.constant 1 : i32
    %sub3A_46 = arith.constant 1 : i32
    %sub3A_47 = arith.subi %sub3A_45, %sub3A_46 : i32
    %add3A_48 = arith.addi %sub3A_44, %sub3A_47 : i32
    %div3A_49 = arith.constant 1 : i32
    %div3A_50 = arith.divsi %add3A_48, %div3A_49 : i32
    %while3A = arith.constant 1 : i32
    %while3A_51 = arith.constant 0 : i32
    %while3A_52 = arith.constant 0 : i32
    %while3A_53 = arith.subi %div3A_50, %while3A_52 : i32
    %while3A_54 = arith.addi %while3A_52, %while3A_53 : i32
    %while3A_55 = arith.constant 1 : i32
    %while3A_56 = arith.divsi %while3A_53, %while3A_55 : i32
    %while3A_57 = arith.muli %while3A_56, %while3A_55 : i32
    %while3A_58 = arith.addi %while3A_52, %while3A_57 : i32
    %while3A_59 = arith.constant 1 : i32
    scf.for %while3A_62 = %while3A_52 to %while3A_58 step %while3A_59  : i32 {
      %mul3A_63 = arith.muli %while3A_62, %while3A : i32
      %add3A_64 = arith.addi %while3A_51, %mul3A_63 : i32
      %mul3A_65 = arith.constant 16 : i32
      %mul3A_66 = arith.muli %add3A_64, %mul3A_65 : i32
      %add3A_67 = arith.addi %add3A_9, %mul3A_66 : i32
      "tpu.region"() ({
        %run_scoped3A = tpu.sem_alloc : memref<!tpu.dma_semaphore, #tpu.memory_space<semaphore_mem>>
        %dma_start3A_89 = arith.constant 0 : i32
        %dma_start3A_90 = tpu.memref_slice %arg3[%add3A_67, %dma_start3A_89] : memref<2560x128xi32, #tpu.memory_space<hbm>> -> memref<16x128xi32, #tpu.memory_space<hbm>>
        %dma_start3A_91 = arith.constant 0 : i32
        %dma_start3A_92 = tpu.memref_slice %arg3[%add3A_67, %dma_start3A_91] : memref<2560x128xi32, #tpu.memory_space<hbm>> -> memref<16x128xi32, #tpu.memory_space<hbm>>
        tpu.enqueue_dma source(%dma_start3A_92 : memref<16x128xi32, #tpu.memory_space<hbm>>) target(%arg6 : memref<16x128xi32, #tpu.memory_space<vmem>>) target_semaphore(%run_scoped3A : memref<!tpu.dma_semaphore, #tpu.memory_space<semaphore_mem>>)
        %dma_wait3A = arith.constant 0 : i32
        %dma_wait3A_93 = tpu.memref_slice %arg3[%add3A_67, %dma_wait3A] : memref<2560x128xi32, #tpu.memory_space<hbm>> -> memref<16x128xi32, #tpu.memory_space<hbm>>
        %dma_wait3A_94 = arith.constant 0 : i32
        %dma_wait3A_95 = tpu.memref_slice %arg3[%add3A_67, %dma_wait3A_94] : memref<2560x128xi32, #tpu.memory_space<hbm>> -> memref<16x128xi32, #tpu.memory_space<hbm>>
        tpu.wait_dma2 semaphore(%run_scoped3A : memref<!tpu.dma_semaphore, #tpu.memory_space<semaphore_mem>>) src(%dma_wait3A_95 : memref<16x128xi32, #tpu.memory_space<hbm>>) dst(%arg6 : memref<16x128xi32, #tpu.memory_space<vmem>>)
        tpu.yield
      }) : () -> ()
      %mul3A_68 = arith.constant 16 : i32
      %mul3A_69 = arith.muli %add3A_64, %mul3A_68 : i32
      %add3A_70 = arith.addi %add3A_9, %mul3A_69 : i32
      "tpu.region"() ({
        %run_scoped3A = tpu.sem_alloc : memref<!tpu.dma_semaphore, #tpu.memory_space<semaphore_mem>>
        %dma_start3A_89 = arith.constant 0 : i32
        %dma_start3A_90 = tpu.memref_slice %arg4[%add3A_70, %dma_start3A_89] : memref<2560x128xi32, #tpu.memory_space<hbm>> -> memref<16x128xi32, #tpu.memory_space<hbm>>
        %dma_start3A_91 = arith.constant 0 : i32
        %dma_start3A_92 = tpu.memref_slice %arg4[%add3A_70, %dma_start3A_91] : memref<2560x128xi32, #tpu.memory_space<hbm>> -> memref<16x128xi32, #tpu.memory_space<hbm>>
        tpu.enqueue_dma source(%dma_start3A_92 : memref<16x128xi32, #tpu.memory_space<hbm>>) target(%arg7 : memref<16x128xi32, #tpu.memory_space<vmem>>) target_semaphore(%run_scoped3A : memref<!tpu.dma_semaphore, #tpu.memory_space<semaphore_mem>>)
        %dma_wait3A = arith.constant 0 : i32
        %dma_wait3A_93 = tpu.memref_slice %arg4[%add3A_70, %dma_wait3A] : memref<2560x128xi32, #tpu.memory_space<hbm>> -> memref<16x128xi32, #tpu.memory_space<hbm>>
        %dma_wait3A_94 = arith.constant 0 : i32
        %dma_wait3A_95 = tpu.memref_slice %arg4[%add3A_70, %dma_wait3A_94] : memref<2560x128xi32, #tpu.memory_space<hbm>> -> memref<16x128xi32, #tpu.memory_space<hbm>>
        tpu.wait_dma2 semaphore(%run_scoped3A : memref<!tpu.dma_semaphore, #tpu.memory_space<semaphore_mem>>) src(%dma_wait3A_95 : memref<16x128xi32, #tpu.memory_space<hbm>>) dst(%arg7 : memref<16x128xi32, #tpu.memory_space<vmem>>)
        tpu.yield
      }) : () -> ()
      %dma_start3A = arith.constant 0 : i32
      %dma_start3A_71 = arith.constant 0 : i32
      %dma_start3A_72 = tpu.memref_slice %arg6[%dma_start3A, %dma_start3A_71] : memref<16x128xi32, #tpu.memory_space<vmem>> -> memref<1x128xi32, #tpu.memory_space<vmem>>
      %dma_start3A_73 = tpu.memref_squeeze %dma_start3A_72 : memref<1x128xi32, #tpu.memory_space<vmem>> -> memref<128xi32, #tpu.memory_space<vmem>>
      %dma_start3A_74 = arith.constant 0 : i32
      %dma_start3A_75 = arith.constant 0 : i32
      %dma_start3A_76 = tpu.memref_slice %arg2[%dma_start3A_74, %dma_start3A_75] : memref<10240x128xf32, #tpu.memory_space<hbm>> -> memref<10240x128xf32, #tpu.memory_space<hbm>>
      tpu.enqueue_indirect_dma source(%dma_start3A_76 : memref<10240x128xf32, #tpu.memory_space<hbm>>) target(%arg8 : memref<128x128xf32, #tpu.memory_space<vmem>>) offsets(%dma_start3A_73 : memref<128xi32, #tpu.memory_space<vmem>>) semaphore(%arg12 : memref<!tpu.dma_semaphore, #tpu.memory_space<semaphore_mem>>)
      %dma_start3A_77 = arith.constant 1 : i32
      %dma_start3A_78 = arith.constant 0 : i32
      %dma_start3A_79 = tpu.memref_slice %arg6[%dma_start3A_77, %dma_start3A_78] : memref<16x128xi32, #tpu.memory_space<vmem>> -> memref<1x128xi32, #tpu.memory_space<vmem>>
      %dma_start3A_80 = tpu.memref_squeeze %dma_start3A_79 : memref<1x128xi32, #tpu.memory_space<vmem>> -> memref<128xi32, #tpu.memory_space<vmem>>
      %dma_start3A_81 = arith.constant 0 : i32
      %dma_start3A_82 = arith.constant 0 : i32
      %dma_start3A_83 = tpu.memref_slice %arg2[%dma_start3A_81, %dma_start3A_82] : memref<10240x128xf32, #tpu.memory_space<hbm>> -> memref<10240x128xf32, #tpu.memory_space<hbm>>
      tpu.enqueue_indirect_dma source(%dma_start3A_83 : memref<10240x128xf32, #tpu.memory_space<hbm>>) target(%arg9 : memref<128x128xf32, #tpu.memory_space<vmem>>) offsets(%dma_start3A_80 : memref<128xi32, #tpu.memory_space<vmem>>) semaphore(%arg13 : memref<!tpu.dma_semaphore, #tpu.memory_space<semaphore_mem>>)
      %scan3A_84 = arith.constant 0 : i32
      %scan3A_85 = arith.constant 8 : i32
      %scan3A_86 = arith.addi %scan3A_84, %scan3A_85 : i32
      %scan3A_87 = arith.constant 1 : i32
      scf.for %scan3A_89 = %scan3A_84 to %scan3A_86 step %scan3A_87  : i32 {
        %mul3A_90 = arith.constant 1 : i32
        %mul3A_91 = arith.muli %scan3A_89, %mul3A_90 : i32
        %add3A_92 = arith.constant 0 : i32
        %add3A_93 = arith.addi %add3A_92, %mul3A_91 : i32
        %mul3A_94 = arith.constant 2 : i32
        %mul3A_95 = arith.muli %add3A_93, %mul3A_94 : i32
        %add3A_96 = arith.constant 0 : i32
        %add3A_97 = arith.addi %mul3A_95, %add3A_96 : i32
        %dma_wait3A = arith.constant 0 : i32
        %dma_wait3A_98 = tpu.memref_slice %arg6[%add3A_97, %dma_wait3A] : memref<16x128xi32, #tpu.memory_space<vmem>> -> memref<1x128xi32, #tpu.memory_space<vmem>>
        %dma_wait3A_99 = tpu.memref_squeeze %dma_wait3A_98 : memref<1x128xi32, #tpu.memory_space<vmem>> -> memref<128xi32, #tpu.memory_space<vmem>>
        %dma_wait3A_100 = arith.constant 0 : i32
        %dma_wait3A_101 = arith.constant 0 : i32
        %dma_wait3A_102 = tpu.memref_slice %arg2[%dma_wait3A_100, %dma_wait3A_101] : memref<10240x128xf32, #tpu.memory_space<hbm>> -> memref<10240x128xf32, #tpu.memory_space<hbm>>
        tpu.wait_indirect_dma semaphore(%arg12 : memref<!tpu.dma_semaphore, #tpu.memory_space<semaphore_mem>>) src(%dma_wait3A_102 : memref<10240x128xf32, #tpu.memory_space<hbm>>) dst(%arg8 : memref<128x128xf32, #tpu.memory_space<vmem>>)
        "tpu.region"() ({
          %run_scoped3A = tpu.sem_alloc : memref<!tpu.dma_semaphore, #tpu.memory_space<semaphore_mem>>
          %dma_start3A_122 = arith.constant 0 : i32
          %dma_start3A_123 = tpu.memref_slice %arg7[%add3A_97, %dma_start3A_122] : memref<16x128xi32, #tpu.memory_space<vmem>> -> memref<1x128xi32, #tpu.memory_space<vmem>>
          %dma_start3A_124 = tpu.memref_squeeze %dma_start3A_123 : memref<1x128xi32, #tpu.memory_space<vmem>> -> memref<128xi32, #tpu.memory_space<vmem>>
          %dma_start3A_125 = arith.constant 0 : i32
          %dma_start3A_126 = arith.constant 0 : i32
          %dma_start3A_127 = tpu.memref_slice %arg11[%dma_start3A_125, %dma_start3A_126] : memref<10240x128xf32, #tpu.memory_space<vmem_shared>> -> memref<10240x128xf32, #tpu.memory_space<vmem_shared>>
          tpu.enqueue_indirect_dma source(%arg8 : memref<128x128xf32, #tpu.memory_space<vmem>>) target(%dma_start3A_127 : memref<10240x128xf32, #tpu.memory_space<vmem_shared>>) offsets(%dma_start3A_124 : memref<128xi32, #tpu.memory_space<vmem>>) semaphore(%run_scoped3A : memref<!tpu.dma_semaphore, #tpu.memory_space<semaphore_mem>>) {add = true}
          %dma_wait3A_128 = arith.constant 0 : i32
          %dma_wait3A_129 = tpu.memref_slice %arg7[%add3A_97, %dma_wait3A_128] : memref<16x128xi32, #tpu.memory_space<vmem>> -> memref<1x128xi32, #tpu.memory_space<vmem>>
          %dma_wait3A_130 = tpu.memref_squeeze %dma_wait3A_129 : memref<1x128xi32, #tpu.memory_space<vmem>> -> memref<128xi32, #tpu.memory_space<vmem>>
          %dma_wait3A_131 = arith.constant 0 : i32
          %dma_wait3A_132 = arith.constant 0 : i32
          %dma_wait3A_133 = tpu.memref_slice %arg11[%dma_wait3A_131, %dma_wait3A_132] : memref<10240x128xf32, #tpu.memory_space<vmem_shared>> -> memref<10240x128xf32, #tpu.memory_space<vmem_shared>>
          tpu.wait_indirect_dma semaphore(%run_scoped3A : memref<!tpu.dma_semaphore, #tpu.memory_space<semaphore_mem>>) src(%arg8 : memref<128x128xf32, #tpu.memory_space<vmem>>) dst(%dma_wait3A_133 : memref<10240x128xf32, #tpu.memory_space<vmem_shared>>)
          tpu.yield
        }) : () -> ()
        %add3A_103 = arith.constant 2 : i32
        %add3A_104 = arith.addi %add3A_97, %add3A_103 : i32
        %lt3A = arith.constant 16 : i32
        %lt3A_105 = arith.cmpi slt, %add3A_104, %lt3A : i32
        %convert_element_type3A = arith.extui %lt3A_105 : i1 to i32
        %cond3A = arith.constant 0 : i32
        %cond3A_106 = arith.cmpi ne, %convert_element_type3A, %cond3A : i32
        scf.if %cond3A_106 {
          %add3A_122 = arith.constant 2 : i32
          %add3A_123 = arith.addi %add3A_97, %add3A_122 : i32
          %dma_start3A_124 = arith.constant 0 : i32
          %dma_start3A_125 = tpu.memref_slice %arg6[%add3A_123, %dma_start3A_124] : memref<16x128xi32, #tpu.memory_space<vmem>> -> memref<1x128xi32, #tpu.memory_space<vmem>>
          %dma_start3A_126 = tpu.memref_squeeze %dma_start3A_125 : memref<1x128xi32, #tpu.memory_space<vmem>> -> memref<128xi32, #tpu.memory_space<vmem>>
          %dma_start3A_127 = arith.constant 0 : i32
          %dma_start3A_128 = arith.constant 0 : i32
          %dma_start3A_129 = tpu.memref_slice %arg2[%dma_start3A_127, %dma_start3A_128] : memref<10240x128xf32, #tpu.memory_space<hbm>> -> memref<10240x128xf32, #tpu.memory_space<hbm>>
          tpu.enqueue_indirect_dma source(%dma_start3A_129 : memref<10240x128xf32, #tpu.memory_space<hbm>>) target(%arg8 : memref<128x128xf32, #tpu.memory_space<vmem>>) offsets(%dma_start3A_126 : memref<128xi32, #tpu.memory_space<vmem>>) semaphore(%arg12 : memref<!tpu.dma_semaphore, #tpu.memory_space<semaphore_mem>>)
        } else {
        }
        %add3A_107 = arith.constant 1 : i32
        %add3A_108 = arith.addi %mul3A_95, %add3A_107 : i32
        %dma_wait3A_109 = arith.constant 0 : i32
        %dma_wait3A_110 = tpu.memref_slice %arg6[%add3A_108, %dma_wait3A_109] : memref<16x128xi32, #tpu.memory_space<vmem>> -> memref<1x128xi32, #tpu.memory_space<vmem>>
        %dma_wait3A_111 = tpu.memref_squeeze %dma_wait3A_110 : memref<1x128xi32, #tpu.memory_space<vmem>> -> memref<128xi32, #tpu.memory_space<vmem>>
        %dma_wait3A_112 = arith.constant 0 : i32
        %dma_wait3A_113 = arith.constant 0 : i32
        %dma_wait3A_114 = tpu.memref_slice %arg2[%dma_wait3A_112, %dma_wait3A_113] : memref<10240x128xf32, #tpu.memory_space<hbm>> -> memref<10240x128xf32, #tpu.memory_space<hbm>>
        tpu.wait_indirect_dma semaphore(%arg13 : memref<!tpu.dma_semaphore, #tpu.memory_space<semaphore_mem>>) src(%dma_wait3A_114 : memref<10240x128xf32, #tpu.memory_space<hbm>>) dst(%arg9 : memref<128x128xf32, #tpu.memory_space<vmem>>)
        "tpu.region"() ({
          %run_scoped3A = tpu.sem_alloc : memref<!tpu.dma_semaphore, #tpu.memory_space<semaphore_mem>>
          %dma_start3A_122 = arith.constant 0 : i32
          %dma_start3A_123 = tpu.memref_slice %arg7[%add3A_108, %dma_start3A_122] : memref<16x128xi32, #tpu.memory_space<vmem>> -> memref<1x128xi32, #tpu.memory_space<vmem>>
          %dma_start3A_124 = tpu.memref_squeeze %dma_start3A_123 : memref<1x128xi32, #tpu.memory_space<vmem>> -> memref<128xi32, #tpu.memory_space<vmem>>
          %dma_start3A_125 = arith.constant 0 : i32
          %dma_start3A_126 = arith.constant 0 : i32
          %dma_start3A_127 = tpu.memref_slice %arg11[%dma_start3A_125, %dma_start3A_126] : memref<10240x128xf32, #tpu.memory_space<vmem_shared>> -> memref<10240x128xf32, #tpu.memory_space<vmem_shared>>
          tpu.enqueue_indirect_dma source(%arg9 : memref<128x128xf32, #tpu.memory_space<vmem>>) target(%dma_start3A_127 : memref<10240x128xf32, #tpu.memory_space<vmem_shared>>) offsets(%dma_start3A_124 : memref<128xi32, #tpu.memory_space<vmem>>) semaphore(%run_scoped3A : memref<!tpu.dma_semaphore, #tpu.memory_space<semaphore_mem>>) {add = true}
          %dma_wait3A_128 = arith.constant 0 : i32
          %dma_wait3A_129 = tpu.memref_slice %arg7[%add3A_108, %dma_wait3A_128] : memref<16x128xi32, #tpu.memory_space<vmem>> -> memref<1x128xi32, #tpu.memory_space<vmem>>
          %dma_wait3A_130 = tpu.memref_squeeze %dma_wait3A_129 : memref<1x128xi32, #tpu.memory_space<vmem>> -> memref<128xi32, #tpu.memory_space<vmem>>
          %dma_wait3A_131 = arith.constant 0 : i32
          %dma_wait3A_132 = arith.constant 0 : i32
          %dma_wait3A_133 = tpu.memref_slice %arg11[%dma_wait3A_131, %dma_wait3A_132] : memref<10240x128xf32, #tpu.memory_space<vmem_shared>> -> memref<10240x128xf32, #tpu.memory_space<vmem_shared>>
          tpu.wait_indirect_dma semaphore(%run_scoped3A : memref<!tpu.dma_semaphore, #tpu.memory_space<semaphore_mem>>) src(%arg9 : memref<128x128xf32, #tpu.memory_space<vmem>>) dst(%dma_wait3A_133 : memref<10240x128xf32, #tpu.memory_space<vmem_shared>>)
          tpu.yield
        }) : () -> ()
        %add3A_115 = arith.constant 2 : i32
        %add3A_116 = arith.addi %add3A_108, %add3A_115 : i32
        %lt3A_117 = arith.constant 16 : i32
        %lt3A_118 = arith.cmpi slt, %add3A_116, %lt3A_117 : i32
        %convert_element_type3A_119 = arith.extui %lt3A_118 : i1 to i32
        %cond3A_120 = arith.constant 0 : i32
        %cond3A_121 = arith.cmpi ne, %convert_element_type3A_119, %cond3A_120 : i32
        scf.if %cond3A_121 {
          %add3A_122 = arith.constant 2 : i32
          %add3A_123 = arith.addi %add3A_108, %add3A_122 : i32
          %dma_start3A_124 = arith.constant 0 : i32
          %dma_start3A_125 = tpu.memref_slice %arg6[%add3A_123, %dma_start3A_124] : memref<16x128xi32, #tpu.memory_space<vmem>> -> memref<1x128xi32, #tpu.memory_space<vmem>>
          %dma_start3A_126 = tpu.memref_squeeze %dma_start3A_125 : memref<1x128xi32, #tpu.memory_space<vmem>> -> memref<128xi32, #tpu.memory_space<vmem>>
          %dma_start3A_127 = arith.constant 0 : i32
          %dma_start3A_128 = arith.constant 0 : i32
          %dma_start3A_129 = tpu.memref_slice %arg2[%dma_start3A_127, %dma_start3A_128] : memref<10240x128xf32, #tpu.memory_space<hbm>> -> memref<10240x128xf32, #tpu.memory_space<hbm>>
          tpu.enqueue_indirect_dma source(%dma_start3A_129 : memref<10240x128xf32, #tpu.memory_space<hbm>>) target(%arg9 : memref<128x128xf32, #tpu.memory_space<vmem>>) offsets(%dma_start3A_126 : memref<128xi32, #tpu.memory_space<vmem>>) semaphore(%arg13 : memref<!tpu.dma_semaphore, #tpu.memory_space<semaphore_mem>>)
        } else {
        }
      }
      %scan3A_88 = arith.constant 8 : i32
    }
    %while3A_60 = arith.constant 1 : i32
    scf.for %while3A_62 = %while3A_58 to %while3A_54 step %while3A_60  : i32 {
      %mul3A_63 = arith.muli %while3A_62, %while3A : i32
      %add3A_64 = arith.addi %while3A_51, %mul3A_63 : i32
      %mul3A_65 = arith.constant 16 : i32
      %mul3A_66 = arith.muli %add3A_64, %mul3A_65 : i32
      %add3A_67 = arith.addi %add3A_9, %mul3A_66 : i32
      "tpu.region"() ({
        %run_scoped3A = tpu.sem_alloc : memref<!tpu.dma_semaphore, #tpu.memory_space<semaphore_mem>>
        %dma_start3A_89 = arith.constant 0 : i32
        %dma_start3A_90 = tpu.memref_slice %arg3[%add3A_67, %dma_start3A_89] : memref<2560x128xi32, #tpu.memory_space<hbm>> -> memref<16x128xi32, #tpu.memory_space<hbm>>
        %dma_start3A_91 = arith.constant 0 : i32
        %dma_start3A_92 = tpu.memref_slice %arg3[%add3A_67, %dma_start3A_91] : memref<2560x128xi32, #tpu.memory_space<hbm>> -> memref<16x128xi32, #tpu.memory_space<hbm>>
        tpu.enqueue_dma source(%dma_start3A_92 : memref<16x128xi32, #tpu.memory_space<hbm>>) target(%arg6 : memref<16x128xi32, #tpu.memory_space<vmem>>) target_semaphore(%run_scoped3A : memref<!tpu.dma_semaphore, #tpu.memory_space<semaphore_mem>>)
        %dma_wait3A = arith.constant 0 : i32
        %dma_wait3A_93 = tpu.memref_slice %arg3[%add3A_67, %dma_wait3A] : memref<2560x128xi32, #tpu.memory_space<hbm>> -> memref<16x128xi32, #tpu.memory_space<hbm>>
        %dma_wait3A_94 = arith.constant 0 : i32
        %dma_wait3A_95 = tpu.memref_slice %arg3[%add3A_67, %dma_wait3A_94] : memref<2560x128xi32, #tpu.memory_space<hbm>> -> memref<16x128xi32, #tpu.memory_space<hbm>>
        tpu.wait_dma2 semaphore(%run_scoped3A : memref<!tpu.dma_semaphore, #tpu.memory_space<semaphore_mem>>) src(%dma_wait3A_95 : memref<16x128xi32, #tpu.memory_space<hbm>>) dst(%arg6 : memref<16x128xi32, #tpu.memory_space<vmem>>)
        tpu.yield
      }) : () -> ()
      %mul3A_68 = arith.constant 16 : i32
      %mul3A_69 = arith.muli %add3A_64, %mul3A_68 : i32
      %add3A_70 = arith.addi %add3A_9, %mul3A_69 : i32
      "tpu.region"() ({
        %run_scoped3A = tpu.sem_alloc : memref<!tpu.dma_semaphore, #tpu.memory_space<semaphore_mem>>
        %dma_start3A_89 = arith.constant 0 : i32
        %dma_start3A_90 = tpu.memref_slice %arg4[%add3A_70, %dma_start3A_89] : memref<2560x128xi32, #tpu.memory_space<hbm>> -> memref<16x128xi32, #tpu.memory_space<hbm>>
        %dma_start3A_91 = arith.constant 0 : i32
        %dma_start3A_92 = tpu.memref_slice %arg4[%add3A_70, %dma_start3A_91] : memref<2560x128xi32, #tpu.memory_space<hbm>> -> memref<16x128xi32, #tpu.memory_space<hbm>>
        tpu.enqueue_dma source(%dma_start3A_92 : memref<16x128xi32, #tpu.memory_space<hbm>>) target(%arg7 : memref<16x128xi32, #tpu.memory_space<vmem>>) target_semaphore(%run_scoped3A : memref<!tpu.dma_semaphore, #tpu.memory_space<semaphore_mem>>)
        %dma_wait3A = arith.constant 0 : i32
        %dma_wait3A_93 = tpu.memref_slice %arg4[%add3A_70, %dma_wait3A] : memref<2560x128xi32, #tpu.memory_space<hbm>> -> memref<16x128xi32, #tpu.memory_space<hbm>>
        %dma_wait3A_94 = arith.constant 0 : i32
        %dma_wait3A_95 = tpu.memref_slice %arg4[%add3A_70, %dma_wait3A_94] : memref<2560x128xi32, #tpu.memory_space<hbm>> -> memref<16x128xi32, #tpu.memory_space<hbm>>
        tpu.wait_dma2 semaphore(%run_scoped3A : memref<!tpu.dma_semaphore, #tpu.memory_space<semaphore_mem>>) src(%dma_wait3A_95 : memref<16x128xi32, #tpu.memory_space<hbm>>) dst(%arg7 : memref<16x128xi32, #tpu.memory_space<vmem>>)
        tpu.yield
      }) : () -> ()
      %dma_start3A = arith.constant 0 : i32
      %dma_start3A_71 = arith.constant 0 : i32
      %dma_start3A_72 = tpu.memref_slice %arg6[%dma_start3A, %dma_start3A_71] : memref<16x128xi32, #tpu.memory_space<vmem>> -> memref<1x128xi32, #tpu.memory_space<vmem>>
      %dma_start3A_73 = tpu.memref_squeeze %dma_start3A_72 : memref<1x128xi32, #tpu.memory_space<vmem>> -> memref<128xi32, #tpu.memory_space<vmem>>
      %dma_start3A_74 = arith.constant 0 : i32
      %dma_start3A_75 = arith.constant 0 : i32
      %dma_start3A_76 = tpu.memref_slice %arg2[%dma_start3A_74, %dma_start3A_75] : memref<10240x128xf32, #tpu.memory_space<hbm>> -> memref<10240x128xf32, #tpu.memory_space<hbm>>
      tpu.enqueue_indirect_dma source(%dma_start3A_76 : memref<10240x128xf32, #tpu.memory_space<hbm>>) target(%arg8 : memref<128x128xf32, #tpu.memory_space<vmem>>) offsets(%dma_start3A_73 : memref<128xi32, #tpu.memory_space<vmem>>) semaphore(%arg12 : memref<!tpu.dma_semaphore, #tpu.memory_space<semaphore_mem>>)
      %dma_start3A_77 = arith.constant 1 : i32
      %dma_start3A_78 = arith.constant 0 : i32
      %dma_start3A_79 = tpu.memref_slice %arg6[%dma_start3A_77, %dma_start3A_78] : memref<16x128xi32, #tpu.memory_space<vmem>> -> memref<1x128xi32, #tpu.memory_space<vmem>>
      %dma_start3A_80 = tpu.memref_squeeze %dma_start3A_79 : memref<1x128xi32, #tpu.memory_space<vmem>> -> memref<128xi32, #tpu.memory_space<vmem>>
      %dma_start3A_81 = arith.constant 0 : i32
      %dma_start3A_82 = arith.constant 0 : i32
      %dma_start3A_83 = tpu.memref_slice %arg2[%dma_start3A_81, %dma_start3A_82] : memref<10240x128xf32, #tpu.memory_space<hbm>> -> memref<10240x128xf32, #tpu.memory_space<hbm>>
      tpu.enqueue_indirect_dma source(%dma_start3A_83 : memref<10240x128xf32, #tpu.memory_space<hbm>>) target(%arg9 : memref<128x128xf32, #tpu.memory_space<vmem>>) offsets(%dma_start3A_80 : memref<128xi32, #tpu.memory_space<vmem>>) semaphore(%arg13 : memref<!tpu.dma_semaphore, #tpu.memory_space<semaphore_mem>>)
      %scan3A_84 = arith.constant 0 : i32
      %scan3A_85 = arith.constant 8 : i32
      %scan3A_86 = arith.addi %scan3A_84, %scan3A_85 : i32
      %scan3A_87 = arith.constant 1 : i32
      scf.for %scan3A_89 = %scan3A_84 to %scan3A_86 step %scan3A_87  : i32 {
        %mul3A_90 = arith.constant 1 : i32
        %mul3A_91 = arith.muli %scan3A_89, %mul3A_90 : i32
        %add3A_92 = arith.constant 0 : i32
        %add3A_93 = arith.addi %add3A_92, %mul3A_91 : i32
        %mul3A_94 = arith.constant 2 : i32
        %mul3A_95 = arith.muli %add3A_93, %mul3A_94 : i32
        %add3A_96 = arith.constant 0 : i32
        %add3A_97 = arith.addi %mul3A_95, %add3A_96 : i32
        %dma_wait3A = arith.constant 0 : i32
        %dma_wait3A_98 = tpu.memref_slice %arg6[%add3A_97, %dma_wait3A] : memref<16x128xi32, #tpu.memory_space<vmem>> -> memref<1x128xi32, #tpu.memory_space<vmem>>
        %dma_wait3A_99 = tpu.memref_squeeze %dma_wait3A_98 : memref<1x128xi32, #tpu.memory_space<vmem>> -> memref<128xi32, #tpu.memory_space<vmem>>
        %dma_wait3A_100 = arith.constant 0 : i32
        %dma_wait3A_101 = arith.constant 0 : i32
        %dma_wait3A_102 = tpu.memref_slice %arg2[%dma_wait3A_100, %dma_wait3A_101] : memref<10240x128xf32, #tpu.memory_space<hbm>> -> memref<10240x128xf32, #tpu.memory_space<hbm>>
        tpu.wait_indirect_dma semaphore(%arg12 : memref<!tpu.dma_semaphore, #tpu.memory_space<semaphore_mem>>) src(%dma_wait3A_102 : memref<10240x128xf32, #tpu.memory_space<hbm>>) dst(%arg8 : memref<128x128xf32, #tpu.memory_space<vmem>>)
        "tpu.region"() ({
          %run_scoped3A = tpu.sem_alloc : memref<!tpu.dma_semaphore, #tpu.memory_space<semaphore_mem>>
          %dma_start3A_122 = arith.constant 0 : i32
          %dma_start3A_123 = tpu.memref_slice %arg7[%add3A_97, %dma_start3A_122] : memref<16x128xi32, #tpu.memory_space<vmem>> -> memref<1x128xi32, #tpu.memory_space<vmem>>
          %dma_start3A_124 = tpu.memref_squeeze %dma_start3A_123 : memref<1x128xi32, #tpu.memory_space<vmem>> -> memref<128xi32, #tpu.memory_space<vmem>>
          %dma_start3A_125 = arith.constant 0 : i32
          %dma_start3A_126 = arith.constant 0 : i32
          %dma_start3A_127 = tpu.memref_slice %arg11[%dma_start3A_125, %dma_start3A_126] : memref<10240x128xf32, #tpu.memory_space<vmem_shared>> -> memref<10240x128xf32, #tpu.memory_space<vmem_shared>>
          tpu.enqueue_indirect_dma source(%arg8 : memref<128x128xf32, #tpu.memory_space<vmem>>) target(%dma_start3A_127 : memref<10240x128xf32, #tpu.memory_space<vmem_shared>>) offsets(%dma_start3A_124 : memref<128xi32, #tpu.memory_space<vmem>>) semaphore(%run_scoped3A : memref<!tpu.dma_semaphore, #tpu.memory_space<semaphore_mem>>) {add = true}
          %dma_wait3A_128 = arith.constant 0 : i32
          %dma_wait3A_129 = tpu.memref_slice %arg7[%add3A_97, %dma_wait3A_128] : memref<16x128xi32, #tpu.memory_space<vmem>> -> memref<1x128xi32, #tpu.memory_space<vmem>>
          %dma_wait3A_130 = tpu.memref_squeeze %dma_wait3A_129 : memref<1x128xi32, #tpu.memory_space<vmem>> -> memref<128xi32, #tpu.memory_space<vmem>>
          %dma_wait3A_131 = arith.constant 0 : i32
          %dma_wait3A_132 = arith.constant 0 : i32
          %dma_wait3A_133 = tpu.memref_slice %arg11[%dma_wait3A_131, %dma_wait3A_132] : memref<10240x128xf32, #tpu.memory_space<vmem_shared>> -> memref<10240x128xf32, #tpu.memory_space<vmem_shared>>
          tpu.wait_indirect_dma semaphore(%run_scoped3A : memref<!tpu.dma_semaphore, #tpu.memory_space<semaphore_mem>>) src(%arg8 : memref<128x128xf32, #tpu.memory_space<vmem>>) dst(%dma_wait3A_133 : memref<10240x128xf32, #tpu.memory_space<vmem_shared>>)
          tpu.yield
        }) : () -> ()
        %add3A_103 = arith.constant 2 : i32
        %add3A_104 = arith.addi %add3A_97, %add3A_103 : i32
        %lt3A = arith.constant 16 : i32
        %lt3A_105 = arith.cmpi slt, %add3A_104, %lt3A : i32
        %convert_element_type3A = arith.extui %lt3A_105 : i1 to i32
        %cond3A = arith.constant 0 : i32
        %cond3A_106 = arith.cmpi ne, %convert_element_type3A, %cond3A : i32
        scf.if %cond3A_106 {
          %add3A_122 = arith.constant 2 : i32
          %add3A_123 = arith.addi %add3A_97, %add3A_122 : i32
          %dma_start3A_124 = arith.constant 0 : i32
          %dma_start3A_125 = tpu.memref_slice %arg6[%add3A_123, %dma_start3A_124] : memref<16x128xi32, #tpu.memory_space<vmem>> -> memref<1x128xi32, #tpu.memory_space<vmem>>
          %dma_start3A_126 = tpu.memref_squeeze %dma_start3A_125 : memref<1x128xi32, #tpu.memory_space<vmem>> -> memref<128xi32, #tpu.memory_space<vmem>>
          %dma_start3A_127 = arith.constant 0 : i32
          %dma_start3A_128 = arith.constant 0 : i32
          %dma_start3A_129 = tpu.memref_slice %arg2[%dma_start3A_127, %dma_start3A_128] : memref<10240x128xf32, #tpu.memory_space<hbm>> -> memref<10240x128xf32, #tpu.memory_space<hbm>>
          tpu.enqueue_indirect_dma source(%dma_start3A_129 : memref<10240x128xf32, #tpu.memory_space<hbm>>) target(%arg8 : memref<128x128xf32, #tpu.memory_space<vmem>>) offsets(%dma_start3A_126 : memref<128xi32, #tpu.memory_space<vmem>>) semaphore(%arg12 : memref<!tpu.dma_semaphore, #tpu.memory_space<semaphore_mem>>)
        } else {
        }
        %add3A_107 = arith.constant 1 : i32
        %add3A_108 = arith.addi %mul3A_95, %add3A_107 : i32
        %dma_wait3A_109 = arith.constant 0 : i32
        %dma_wait3A_110 = tpu.memref_slice %arg6[%add3A_108, %dma_wait3A_109] : memref<16x128xi32, #tpu.memory_space<vmem>> -> memref<1x128xi32, #tpu.memory_space<vmem>>
        %dma_wait3A_111 = tpu.memref_squeeze %dma_wait3A_110 : memref<1x128xi32, #tpu.memory_space<vmem>> -> memref<128xi32, #tpu.memory_space<vmem>>
        %dma_wait3A_112 = arith.constant 0 : i32
        %dma_wait3A_113 = arith.constant 0 : i32
        %dma_wait3A_114 = tpu.memref_slice %arg2[%dma_wait3A_112, %dma_wait3A_113] : memref<10240x128xf32, #tpu.memory_space<hbm>> -> memref<10240x128xf32, #tpu.memory_space<hbm>>
        tpu.wait_indirect_dma semaphore(%arg13 : memref<!tpu.dma_semaphore, #tpu.memory_space<semaphore_mem>>) src(%dma_wait3A_114 : memref<10240x128xf32, #tpu.memory_space<hbm>>) dst(%arg9 : memref<128x128xf32, #tpu.memory_space<vmem>>)
        "tpu.region"() ({
          %run_scoped3A = tpu.sem_alloc : memref<!tpu.dma_semaphore, #tpu.memory_space<semaphore_mem>>
          %dma_start3A_122 = arith.constant 0 : i32
          %dma_start3A_123 = tpu.memref_slice %arg7[%add3A_108, %dma_start3A_122] : memref<16x128xi32, #tpu.memory_space<vmem>> -> memref<1x128xi32, #tpu.memory_space<vmem>>
          %dma_start3A_124 = tpu.memref_squeeze %dma_start3A_123 : memref<1x128xi32, #tpu.memory_space<vmem>> -> memref<128xi32, #tpu.memory_space<vmem>>
          %dma_start3A_125 = arith.constant 0 : i32
          %dma_start3A_126 = arith.constant 0 : i32
          %dma_start3A_127 = tpu.memref_slice %arg11[%dma_start3A_125, %dma_start3A_126] : memref<10240x128xf32, #tpu.memory_space<vmem_shared>> -> memref<10240x128xf32, #tpu.memory_space<vmem_shared>>
          tpu.enqueue_indirect_dma source(%arg9 : memref<128x128xf32, #tpu.memory_space<vmem>>) target(%dma_start3A_127 : memref<10240x128xf32, #tpu.memory_space<vmem_shared>>) offsets(%dma_start3A_124 : memref<128xi32, #tpu.memory_space<vmem>>) semaphore(%run_scoped3A : memref<!tpu.dma_semaphore, #tpu.memory_space<semaphore_mem>>) {add = true}
          %dma_wait3A_128 = arith.constant 0 : i32
          %dma_wait3A_129 = tpu.memref_slice %arg7[%add3A_108, %dma_wait3A_128] : memref<16x128xi32, #tpu.memory_space<vmem>> -> memref<1x128xi32, #tpu.memory_space<vmem>>
          %dma_wait3A_130 = tpu.memref_squeeze %dma_wait3A_129 : memref<1x128xi32, #tpu.memory_space<vmem>> -> memref<128xi32, #tpu.memory_space<vmem>>
          %dma_wait3A_131 = arith.constant 0 : i32
          %dma_wait3A_132 = arith.constant 0 : i32
          %dma_wait3A_133 = tpu.memref_slice %arg11[%dma_wait3A_131, %dma_wait3A_132] : memref<10240x128xf32, #tpu.memory_space<vmem_shared>> -> memref<10240x128xf32, #tpu.memory_space<vmem_shared>>
          tpu.wait_indirect_dma semaphore(%run_scoped3A : memref<!tpu.dma_semaphore, #tpu.memory_space<semaphore_mem>>) src(%arg9 : memref<128x128xf32, #tpu.memory_space<vmem>>) dst(%dma_wait3A_133 : memref<10240x128xf32, #tpu.memory_space<vmem_shared>>)
          tpu.yield
        }) : () -> ()
        %add3A_115 = arith.constant 2 : i32
        %add3A_116 = arith.addi %add3A_108, %add3A_115 : i32
        %lt3A_117 = arith.constant 16 : i32
        %lt3A_118 = arith.cmpi slt, %add3A_116, %lt3A_117 : i32
        %convert_element_type3A_119 = arith.extui %lt3A_118 : i1 to i32
        %cond3A_120 = arith.constant 0 : i32
        %cond3A_121 = arith.cmpi ne, %convert_element_type3A_119, %cond3A_120 : i32
        scf.if %cond3A_121 {
          %add3A_122 = arith.constant 2 : i32
          %add3A_123 = arith.addi %add3A_108, %add3A_122 : i32
          %dma_start3A_124 = arith.constant 0 : i32
          %dma_start3A_125 = tpu.memref_slice %arg6[%add3A_123, %dma_start3A_124] : memref<16x128xi32, #tpu.memory_space<vmem>> -> memref<1x128xi32, #tpu.memory_space<vmem>>
          %dma_start3A_126 = tpu.memref_squeeze %dma_start3A_125 : memref<1x128xi32, #tpu.memory_space<vmem>> -> memref<128xi32, #tpu.memory_space<vmem>>
          %dma_start3A_127 = arith.constant 0 : i32
          %dma_start3A_128 = arith.constant 0 : i32
          %dma_start3A_129 = tpu.memref_slice %arg2[%dma_start3A_127, %dma_start3A_128] : memref<10240x128xf32, #tpu.memory_space<hbm>> -> memref<10240x128xf32, #tpu.memory_space<hbm>>
          tpu.enqueue_indirect_dma source(%dma_start3A_129 : memref<10240x128xf32, #tpu.memory_space<hbm>>) target(%arg9 : memref<128x128xf32, #tpu.memory_space<vmem>>) offsets(%dma_start3A_126 : memref<128xi32, #tpu.memory_space<vmem>>) semaphore(%arg13 : memref<!tpu.dma_semaphore, #tpu.memory_space<semaphore_mem>>)
        } else {
        }
      }
      %scan3A_88 = arith.constant 8 : i32
    }
    %barrier3A_61 = arith.constant 0 : index
    tpu.barrier barrier_id(%barrier3A_61)
    "tpu.region"() ({
      %run_scoped3A = tpu.sem_alloc : memref<!tpu.dma_semaphore, #tpu.memory_space<semaphore_mem>>
      %dma_start3A = arith.constant 0 : i32
      %dma_start3A_62 = tpu.memref_slice %arg5[%arg0, %mul3A_0, %dma_start3A] : memref<2x10240x128xf32, #tpu.memory_space<hbm>> -> memref<1x640x128xf32, #tpu.memory_space<hbm>>
      %dma_start3A_63 = tpu.memref_squeeze %dma_start3A_62 : memref<1x640x128xf32, #tpu.memory_space<hbm>> -> memref<640x128xf32, #tpu.memory_space<hbm>>
      %dma_start3A_64 = arith.constant 0 : i32
      %dma_start3A_65 = tpu.memref_slice %arg11[%mul3A_0, %dma_start3A_64] : memref<10240x128xf32, #tpu.memory_space<vmem_shared>> -> memref<640x128xf32, #tpu.memory_space<vmem_shared>>
      tpu.enqueue_dma source(%dma_start3A_65 : memref<640x128xf32, #tpu.memory_space<vmem_shared>>) target(%dma_start3A_63 : memref<640x128xf32, #tpu.memory_space<hbm>>) target_semaphore(%run_scoped3A : memref<!tpu.dma_semaphore, #tpu.memory_space<semaphore_mem>>)
      %dma_wait3A = arith.constant 0 : i32
      %dma_wait3A_66 = tpu.memref_slice %arg5[%arg0, %mul3A_0, %dma_wait3A] : memref<2x10240x128xf32, #tpu.memory_space<hbm>> -> memref<1x640x128xf32, #tpu.memory_space<hbm>>
      %dma_wait3A_67 = tpu.memref_squeeze %dma_wait3A_66 : memref<1x640x128xf32, #tpu.memory_space<hbm>> -> memref<640x128xf32, #tpu.memory_space<hbm>>
      %dma_wait3A_68 = arith.constant 0 : i32
      %dma_wait3A_69 = tpu.memref_slice %arg11[%mul3A_0, %dma_wait3A_68] : memref<10240x128xf32, #tpu.memory_space<vmem_shared>> -> memref<640x128xf32, #tpu.memory_space<vmem_shared>>
      tpu.wait_dma2 semaphore(%run_scoped3A : memref<!tpu.dma_semaphore, #tpu.memory_space<semaphore_mem>>) src(%dma_wait3A_69 : memref<640x128xf32, #tpu.memory_space<vmem_shared>>) dst(%dma_wait3A_67 : memref<640x128xf32, #tpu.memory_space<hbm>>)
      tpu.yield
    }) : () -> ()
    return
  }
}

#map = affine_map<(d0, d1) -> (0, 0)>
#map1 = affine_map<(d0, d1) -> (0, 0, 0)>
module attributes {stable_mosaic.version = 14 : i64} {
  func.func @k(%arg0: i32, %arg1: i32, %arg2: memref<10240x128xf32, #tpu.memory_space<hbm>>, %arg3: memref<2560x128xi32, #tpu.memory_space<hbm>>, %arg4: memref<2560x128xi32, #tpu.memory_space<hbm>>, %arg5: memref<2x10240x128xf32, #tpu.memory_space<hbm>>, %arg6: memref<16x128xi32, #tpu.memory_space<vmem>>, %arg7: memref<16x128xi32, #tpu.memory_space<vmem>>, %arg8: memref<128x128xf32, #tpu.memory_space<vmem>>, %arg9: memref<128x128xf32, #tpu.memory_space<vmem>>, %arg10: memref<16x128xf32, #tpu.memory_space<vmem>>, %arg11: memref<10240x128xf32, #tpu.memory_space<vmem_shared>>, %arg12: memref<!tpu.dma_semaphore, #tpu.memory_space<semaphore_mem>>, %arg13: memref<!tpu.dma_semaphore, #tpu.memory_space<semaphore_mem>>) attributes {dimension_semantics = [#tpu.dimension_semantics<core_parallel>, #tpu.dimension_semantics<subcore_parallel>], iteration_bounds = array<i64: 2, 16>, scalar_prefetch = 0 : i64, scratch_operands = 8 : i64, tpu.core_type = #tpu.core_type<sc_vector_subcore>, window_params = [{transform_indices = #map}, {transform_indices = #map}, {transform_indices = #map}, {transform_indices = #map1}]} {
    %mul3A = arith.constant 640 : i32
    %mul3A_0 = arith.muli %arg1, %mul3A : i32
    %sub3A = arith.constant 1 : i32
    %sub3A_1 = arith.subi %sub3A, %arg0 : i32
    %mul3A_2 = arith.constant 144 : i32
    %mul3A_3 = arith.muli %arg1, %mul3A_2 : i32
    %mul3A_4 = arith.muli %sub3A_1, %mul3A_3 : i32
    %mul3A_5 = arith.constant 16 : i32
    %mul3A_6 = arith.muli %arg1, %mul3A_5 : i32
    %add3A = arith.constant 2304 : i32
    %add3A_7 = arith.addi %add3A, %mul3A_6 : i32
    %mul3A_8 = arith.muli %arg0, %add3A_7 : i32
    %add3A_9 = arith.addi %mul3A_4, %mul3A_8 : i32
    %sub3A_10 = arith.constant 1 : i32
    %sub3A_11 = arith.subi %sub3A_10, %arg0 : i32
    %mul3A_12 = arith.constant 144 : i32
    %mul3A_13 = arith.muli %sub3A_11, %mul3A_12 : i32
    %mul3A_14 = arith.constant 16 : i32
    %mul3A_15 = arith.muli %arg0, %mul3A_14 : i32
    %add3A_16 = arith.addi %mul3A_13, %mul3A_15 : i32
    %jit3A = arith.constant 16 : i32
    %div3A = arith.divsi %add3A_16, %jit3A : i32
    %sign3A = arith.constant 0 : i32
    %sign3A_17 = arith.cmpi sgt, %add3A_16, %sign3A : i32
    %sign3A_18 = arith.extui %sign3A_17 : i1 to i32
    %sign3A_19 = arith.constant 0 : i32
    %sign3A_20 = arith.cmpi slt, %add3A_16, %sign3A_19 : i32
    %sign3A_21 = arith.extui %sign3A_20 : i1 to i32
    %sign3A_22 = arith.subi %sign3A_18, %sign3A_21 : i32
    %sign3A_23 = arith.constant 0 : i32
    %sign3A_24 = arith.cmpi sgt, %jit3A, %sign3A_23 : i32
    %sign3A_25 = arith.extui %sign3A_24 : i1 to i32
    %sign3A_26 = arith.constant 0 : i32
    %sign3A_27 = arith.cmpi slt, %jit3A, %sign3A_26 : i32
    %sign3A_28 = arith.extui %sign3A_27 : i1 to i32
    %sign3A_29 = arith.subi %sign3A_25, %sign3A_28 : i32
    %ne3A = arith.cmpi ne, %sign3A_22, %sign3A_29 : i32
    %rem3A = arith.remsi %add3A_16, %jit3A : i32
    %ne3A_30 = arith.constant 0 : i32
    %ne3A_31 = arith.cmpi ne, %rem3A, %ne3A_30 : i32
    %and3A = arith.andi %ne3A, %ne3A_31 : i1
    %sub3A_32 = arith.constant 1 : i32
    %sub3A_33 = arith.subi %div3A, %sub3A_32 : i32
    %select_n3A = arith.select %and3A, %sub3A_33, %div3A : i32
    %scan3A = arith.constant 0 : i32
    %scan3A_34 = arith.constant 16 : i32
    %scan3A_35 = arith.addi %scan3A, %scan3A_34 : i32
    %scan3A_36 = arith.constant 1 : i32
    scf.for %scan3A_62 = %scan3A to %scan3A_35 step %scan3A_36  : i32 {
      %mul3A_63 = arith.constant 1 : i32
      %mul3A_64 = arith.muli %scan3A_62, %mul3A_63 : i32
      %add3A_65 = arith.constant 0 : i32
      %add3A_66 = arith.addi %add3A_65, %mul3A_64 : i32
      %scan3A_67 = arith.constant 0 : i32
      %scan3A_68 = arith.constant 8 : i32
      %scan3A_69 = arith.addi %scan3A_67, %scan3A_68 : i32
      %scan3A_70 = arith.constant 1 : i32
      scf.for %scan3A_72 = %scan3A_67 to %scan3A_69 step %scan3A_70  : i32 {
        %mul3A_73 = arith.constant 16 : i32
        %mul3A_74 = arith.muli %scan3A_72, %mul3A_73 : i32
        %add3A_75 = arith.constant 0 : i32
        %add3A_76 = arith.addi %add3A_75, %mul3A_74 : i32
        %broadcast_in_dim3A = arith.constant 0.000000e+00 : f32
        %broadcast_in_dim3A_77 = vector.broadcast %broadcast_in_dim3A : f32 to vector<16xf32>
        %swap3A = arith.index_cast %add3A_66 : i32 to index
        %swap3A_78 = arith.index_cast %add3A_76 : i32 to index
        %swap3A_79 = tpu.vector_load %arg10[%swap3A, %swap3A_78] {strides = array<i32>} : memref<16x128xf32, #tpu.memory_space<vmem>>, vector<1x16xf32>,
        %swap3A_80 = vector.shape_cast %swap3A_79 : vector<1x16xf32> to vector<16xf32>
        %swap3A_81 = vector.shape_cast %broadcast_in_dim3A_77 : vector<16xf32> to vector<1x16xf32>
        tpu.vector_store %arg10[%swap3A, %swap3A_78], %swap3A_81 {strides = array<i32>} : memref<16x128xf32, #tpu.memory_space<vmem>>, vector<1x16xf32>,
      }
      %scan3A_71 = arith.constant 8 : i32
    }
    %scan3A_37 = arith.constant 16 : i32
    %scan3A_38 = arith.constant 0 : i32
    %scan3A_39 = arith.constant 40 : i32
    %scan3A_40 = arith.addi %scan3A_38, %scan3A_39 : i32
    %scan3A_41 = arith.constant 1 : i32
    scf.for %scan3A_62 = %scan3A_38 to %scan3A_40 step %scan3A_41  : i32 {
      %mul3A_63 = arith.constant 1 : i32
      %mul3A_64 = arith.muli %scan3A_62, %mul3A_63 : i32
      %add3A_65 = arith.constant 0 : i32
      %add3A_66 = arith.addi %add3A_65, %mul3A_64 : i32
      %mul3A_67 = arith.constant 16 : i32
      %mul3A_68 = arith.muli %add3A_66, %mul3A_67 : i32
      %add3A_69 = arith.addi %mul3A_0, %mul3A_68 : i32
      "tpu.region"() ({
        %run_scoped3A = tpu.sem_alloc : memref<!tpu.dma_semaphore, #tpu.memory_space<semaphore_mem>>
        %dma_start3A = arith.constant 0 : i32
        %dma_start3A_70 = tpu.memref_slice %arg11[%add3A_69, %dma_start3A] : memref<10240x128xf32, #tpu.memory_space<vmem_shared>> -> memref<16x128xf32, #tpu.memory_space<vmem_shared>>
        %dma_start3A_71 = arith.constant 0 : i32
        %dma_start3A_72 = tpu.memref_slice %arg11[%add3A_69, %dma_start3A_71] : memref<10240x128xf32, #tpu.memory_space<vmem_shared>> -> memref<16x128xf32, #tpu.memory_space<vmem_shared>>
        tpu.enqueue_dma source(%arg10 : memref<16x128xf32, #tpu.memory_space<vmem>>) target(%dma_start3A_72 : memref<16x128xf32, #tpu.memory_space<vmem_shared>>) target_semaphore(%run_scoped3A : memref<!tpu.dma_semaphore, #tpu.memory_space<semaphore_mem>>)
        %dma_wait3A = arith.constant 0 : i32
        %dma_wait3A_73 = tpu.memref_slice %arg11[%add3A_69, %dma_wait3A] : memref<10240x128xf32, #tpu.memory_space<vmem_shared>> -> memref<16x128xf32, #tpu.memory_space<vmem_shared>>
        %dma_wait3A_74 = arith.constant 0 : i32
        %dma_wait3A_75 = tpu.memref_slice %arg11[%add3A_69, %dma_wait3A_74] : memref<10240x128xf32, #tpu.memory_space<vmem_shared>> -> memref<16x128xf32, #tpu.memory_space<vmem_shared>>
        tpu.wait_dma2 semaphore(%run_scoped3A : memref<!tpu.dma_semaphore, #tpu.memory_space<semaphore_mem>>) src(%arg10 : memref<16x128xf32, #tpu.memory_space<vmem>>) dst(%dma_wait3A_75 : memref<16x128xf32, #tpu.memory_space<vmem_shared>>)
        tpu.yield
      }) : () -> ()
    }
    %scan3A_42 = arith.constant 40 : i32
    %barrier3A = arith.constant 0 : index
    tpu.barrier barrier_id(%barrier3A)
    %sub3A_43 = arith.constant 0 : i32
    %sub3A_44 = arith.subi %select_n3A, %sub3A_43 : i32
    %sub3A_45 = arith.constant 1 : i32
    %sub3A_46 = arith.constant 1 : i32
    %sub3A_47 = arith.subi %sub3A_45, %sub3A_46 : i32
    %add3A_48 = arith.addi %sub3A_44, %sub3A_47 : i32
    %div3A_49 = arith.constant 1 : i32
    %div3A_50 = arith.divsi %add3A_48, %div3A_49 : i32
    %while3A = arith.constant 1 : i32
    %while3A_51 = arith.constant 0 : i32
    %while3A_52 = arith.constant 0 : i32
    %while3A_53 = arith.subi %div3A_50, %while3A_52 : i32
    %while3A_54 = arith.addi %while3A_52, %while3A_53 : i32
    %while3A_55 = arith.constant 1 : i32
    %while3A_56 = arith.divsi %while3A_53, %while3A_55 : i32
    %while3A_57 = arith.muli %while3A_56, %while3A_55 : i32
    %while3A_58 = arith.addi %while3A_52, %while3A_57 : i32
    %while3A_59 = arith.constant 1 : i32
    scf.for %while3A_62 = %while3A_52 to %while3A_58 step %while3A_59  : i32 {
      %mul3A_63 = arith.muli %while3A_62, %while3A : i32
      %add3A_64 = arith.addi %while3A_51, %mul3A_63 : i32
      %mul3A_65 = arith.constant 16 : i32
      %mul3A_66 = arith.muli %add3A_64, %mul3A_65 : i32
      %add3A_67 = arith.addi %add3A_9, %mul3A_66 : i32
      "tpu.region"() ({
        %run_scoped3A = tpu.sem_alloc : memref<!tpu.dma_semaphore, #tpu.memory_space<semaphore_mem>>
        %dma_start3A_89 = arith.constant 0 : i32
        %dma_start3A_90 = tpu.memref_slice %arg3[%add3A_67, %dma_start3A_89] : memref<2560x128xi32, #tpu.memory_space<hbm>> -> memref<16x128xi32, #tpu.memory_space<hbm>>
        %dma_start3A_91 = arith.constant 0 : i32
        %dma_start3A_92 = tpu.memref_slice %arg3[%add3A_67, %dma_start3A_91] : memref<2560x128xi32, #tpu.memory_space<hbm>> -> memref<16x128xi32, #tpu.memory_space<hbm>>
        tpu.enqueue_dma source(%dma_start3A_92 : memref<16x128xi32, #tpu.memory_space<hbm>>) target(%arg6 : memref<16x128xi32, #tpu.memory_space<vmem>>) target_semaphore(%run_scoped3A : memref<!tpu.dma_semaphore, #tpu.memory_space<semaphore_mem>>)
        %dma_wait3A = arith.constant 0 : i32
        %dma_wait3A_93 = tpu.memref_slice %arg3[%add3A_67, %dma_wait3A] : memref<2560x128xi32, #tpu.memory_space<hbm>> -> memref<16x128xi32, #tpu.memory_space<hbm>>
        %dma_wait3A_94 = arith.constant 0 : i32
        %dma_wait3A_95 = tpu.memref_slice %arg3[%add3A_67, %dma_wait3A_94] : memref<2560x128xi32, #tpu.memory_space<hbm>> -> memref<16x128xi32, #tpu.memory_space<hbm>>
        tpu.wait_dma2 semaphore(%run_scoped3A : memref<!tpu.dma_semaphore, #tpu.memory_space<semaphore_mem>>) src(%dma_wait3A_95 : memref<16x128xi32, #tpu.memory_space<hbm>>) dst(%arg6 : memref<16x128xi32, #tpu.memory_space<vmem>>)
        tpu.yield
      }) : () -> ()
      %mul3A_68 = arith.constant 16 : i32
      %mul3A_69 = arith.muli %add3A_64, %mul3A_68 : i32
      %add3A_70 = arith.addi %add3A_9, %mul3A_69 : i32
      "tpu.region"() ({
        %run_scoped3A = tpu.sem_alloc : memref<!tpu.dma_semaphore, #tpu.memory_space<semaphore_mem>>
        %dma_start3A_89 = arith.constant 0 : i32
        %dma_start3A_90 = tpu.memref_slice %arg4[%add3A_70, %dma_start3A_89] : memref<2560x128xi32, #tpu.memory_space<hbm>> -> memref<16x128xi32, #tpu.memory_space<hbm>>
        %dma_start3A_91 = arith.constant 0 : i32
        %dma_start3A_92 = tpu.memref_slice %arg4[%add3A_70, %dma_start3A_91] : memref<2560x128xi32, #tpu.memory_space<hbm>> -> memref<16x128xi32, #tpu.memory_space<hbm>>
        tpu.enqueue_dma source(%dma_start3A_92 : memref<16x128xi32, #tpu.memory_space<hbm>>) target(%arg7 : memref<16x128xi32, #tpu.memory_space<vmem>>) target_semaphore(%run_scoped3A : memref<!tpu.dma_semaphore, #tpu.memory_space<semaphore_mem>>)
        %dma_wait3A = arith.constant 0 : i32
        %dma_wait3A_93 = tpu.memref_slice %arg4[%add3A_70, %dma_wait3A] : memref<2560x128xi32, #tpu.memory_space<hbm>> -> memref<16x128xi32, #tpu.memory_space<hbm>>
        %dma_wait3A_94 = arith.constant 0 : i32
        %dma_wait3A_95 = tpu.memref_slice %arg4[%add3A_70, %dma_wait3A_94] : memref<2560x128xi32, #tpu.memory_space<hbm>> -> memref<16x128xi32, #tpu.memory_space<hbm>>
        tpu.wait_dma2 semaphore(%run_scoped3A : memref<!tpu.dma_semaphore, #tpu.memory_space<semaphore_mem>>) src(%dma_wait3A_95 : memref<16x128xi32, #tpu.memory_space<hbm>>) dst(%arg7 : memref<16x128xi32, #tpu.memory_space<vmem>>)
        tpu.yield
      }) : () -> ()
      %dma_start3A = arith.constant 0 : i32
      %dma_start3A_71 = arith.constant 0 : i32
      %dma_start3A_72 = tpu.memref_slice %arg6[%dma_start3A, %dma_start3A_71] : memref<16x128xi32, #tpu.memory_space<vmem>> -> memref<1x128xi32, #tpu.memory_space<vmem>>
      %dma_start3A_73 = tpu.memref_squeeze %dma_start3A_72 : memref<1x128xi32, #tpu.memory_space<vmem>> -> memref<128xi32, #tpu.memory_space<vmem>>
      %dma_start3A_74 = arith.constant 0 : i32
      %dma_start3A_75 = arith.constant 0 : i32
      %dma_start3A_76 = tpu.memref_slice %arg2[%dma_start3A_74, %dma_start3A_75] : memref<10240x128xf32, #tpu.memory_space<hbm>> -> memref<10240x128xf32, #tpu.memory_space<hbm>>
      tpu.enqueue_indirect_dma source(%dma_start3A_76 : memref<10240x128xf32, #tpu.memory_space<hbm>>) target(%arg8 : memref<128x128xf32, #tpu.memory_space<vmem>>) offsets(%dma_start3A_73 : memref<128xi32, #tpu.memory_space<vmem>>) semaphore(%arg12 : memref<!tpu.dma_semaphore, #tpu.memory_space<semaphore_mem>>)
      %dma_start3A_77 = arith.constant 1 : i32
      %dma_start3A_78 = arith.constant 0 : i32
      %dma_start3A_79 = tpu.memref_slice %arg6[%dma_start3A_77, %dma_start3A_78] : memref<16x128xi32, #tpu.memory_space<vmem>> -> memref<1x128xi32, #tpu.memory_space<vmem>>
      %dma_start3A_80 = tpu.memref_squeeze %dma_start3A_79 : memref<1x128xi32, #tpu.memory_space<vmem>> -> memref<128xi32, #tpu.memory_space<vmem>>
      %dma_start3A_81 = arith.constant 0 : i32
      %dma_start3A_82 = arith.constant 0 : i32
      %dma_start3A_83 = tpu.memref_slice %arg2[%dma_start3A_81, %dma_start3A_82] : memref<10240x128xf32, #tpu.memory_space<hbm>> -> memref<10240x128xf32, #tpu.memory_space<hbm>>
      tpu.enqueue_indirect_dma source(%dma_start3A_83 : memref<10240x128xf32, #tpu.memory_space<hbm>>) target(%arg9 : memref<128x128xf32, #tpu.memory_space<vmem>>) offsets(%dma_start3A_80 : memref<128xi32, #tpu.memory_space<vmem>>) semaphore(%arg13 : memref<!tpu.dma_semaphore, #tpu.memory_space<semaphore_mem>>)
      %scan3A_84 = arith.constant 0 : i32
      %scan3A_85 = arith.constant 8 : i32
      %scan3A_86 = arith.addi %scan3A_84, %scan3A_85 : i32
      %scan3A_87 = arith.constant 1 : i32
      scf.for %scan3A_89 = %scan3A_84 to %scan3A_86 step %scan3A_87  : i32 {
        %mul3A_90 = arith.constant 1 : i32
        %mul3A_91 = arith.muli %scan3A_89, %mul3A_90 : i32
        %add3A_92 = arith.constant 0 : i32
        %add3A_93 = arith.addi %add3A_92, %mul3A_91 : i32
        %mul3A_94 = arith.constant 2 : i32
        %mul3A_95 = arith.muli %add3A_93, %mul3A_94 : i32
        %add3A_96 = arith.constant 0 : i32
        %add3A_97 = arith.addi %mul3A_95, %add3A_96 : i32
        %dma_wait3A = arith.constant 0 : i32
        %dma_wait3A_98 = tpu.memref_slice %arg6[%add3A_97, %dma_wait3A] : memref<16x128xi32, #tpu.memory_space<vmem>> -> memref<1x128xi32, #tpu.memory_space<vmem>>
        %dma_wait3A_99 = tpu.memref_squeeze %dma_wait3A_98 : memref<1x128xi32, #tpu.memory_space<vmem>> -> memref<128xi32, #tpu.memory_space<vmem>>
        %dma_wait3A_100 = arith.constant 0 : i32
        %dma_wait3A_101 = arith.constant 0 : i32
        %dma_wait3A_102 = tpu.memref_slice %arg2[%dma_wait3A_100, %dma_wait3A_101] : memref<10240x128xf32, #tpu.memory_space<hbm>> -> memref<10240x128xf32, #tpu.memory_space<hbm>>
        tpu.wait_indirect_dma semaphore(%arg12 : memref<!tpu.dma_semaphore, #tpu.memory_space<semaphore_mem>>) src(%dma_wait3A_102 : memref<10240x128xf32, #tpu.memory_space<hbm>>) dst(%arg8 : memref<128x128xf32, #tpu.memory_space<vmem>>)
        "tpu.region"() ({
          %run_scoped3A = tpu.sem_alloc : memref<!tpu.dma_semaphore, #tpu.memory_space<semaphore_mem>>
          %dma_start3A_122 = arith.constant 0 : i32
          %dma_start3A_123 = tpu.memref_slice %arg7[%add3A_97, %dma_start3A_122] : memref<16x128xi32, #tpu.memory_space<vmem>> -> memref<1x128xi32, #tpu.memory_space<vmem>>
          %dma_start3A_124 = tpu.memref_squeeze %dma_start3A_123 : memref<1x128xi32, #tpu.memory_space<vmem>> -> memref<128xi32, #tpu.memory_space<vmem>>
          %dma_start3A_125 = arith.constant 0 : i32
          %dma_start3A_126 = arith.constant 0 : i32
          %dma_start3A_127 = tpu.memref_slice %arg11[%dma_start3A_125, %dma_start3A_126] : memref<10240x128xf32, #tpu.memory_space<vmem_shared>> -> memref<10240x128xf32, #tpu.memory_space<vmem_shared>>
          tpu.enqueue_indirect_dma source(%arg8 : memref<128x128xf32, #tpu.memory_space<vmem>>) target(%dma_start3A_127 : memref<10240x128xf32, #tpu.memory_space<vmem_shared>>) offsets(%dma_start3A_124 : memref<128xi32, #tpu.memory_space<vmem>>) semaphore(%run_scoped3A : memref<!tpu.dma_semaphore, #tpu.memory_space<semaphore_mem>>) {add = true}
          %dma_wait3A_128 = arith.constant 0 : i32
          %dma_wait3A_129 = tpu.memref_slice %arg7[%add3A_97, %dma_wait3A_128] : memref<16x128xi32, #tpu.memory_space<vmem>> -> memref<1x128xi32, #tpu.memory_space<vmem>>
          %dma_wait3A_130 = tpu.memref_squeeze %dma_wait3A_129 : memref<1x128xi32, #tpu.memory_space<vmem>> -> memref<128xi32, #tpu.memory_space<vmem>>
          %dma_wait3A_131 = arith.constant 0 : i32
          %dma_wait3A_132 = arith.constant 0 : i32
          %dma_wait3A_133 = tpu.memref_slice %arg11[%dma_wait3A_131, %dma_wait3A_132] : memref<10240x128xf32, #tpu.memory_space<vmem_shared>> -> memref<10240x128xf32, #tpu.memory_space<vmem_shared>>
          tpu.wait_indirect_dma semaphore(%run_scoped3A : memref<!tpu.dma_semaphore, #tpu.memory_space<semaphore_mem>>) src(%arg8 : memref<128x128xf32, #tpu.memory_space<vmem>>) dst(%dma_wait3A_133 : memref<10240x128xf32, #tpu.memory_space<vmem_shared>>)
          tpu.yield
        }) : () -> ()
        %add3A_103 = arith.constant 2 : i32
        %add3A_104 = arith.addi %add3A_97, %add3A_103 : i32
        %lt3A = arith.constant 16 : i32
        %lt3A_105 = arith.cmpi slt, %add3A_104, %lt3A : i32
        %convert_element_type3A = arith.extui %lt3A_105 : i1 to i32
        %cond3A = arith.constant 0 : i32
        %cond3A_106 = arith.cmpi ne, %convert_element_type3A, %cond3A : i32
        scf.if %cond3A_106 {
          %add3A_122 = arith.constant 2 : i32
          %add3A_123 = arith.addi %add3A_97, %add3A_122 : i32
          %dma_start3A_124 = arith.constant 0 : i32
          %dma_start3A_125 = tpu.memref_slice %arg6[%add3A_123, %dma_start3A_124] : memref<16x128xi32, #tpu.memory_space<vmem>> -> memref<1x128xi32, #tpu.memory_space<vmem>>
          %dma_start3A_126 = tpu.memref_squeeze %dma_start3A_125 : memref<1x128xi32, #tpu.memory_space<vmem>> -> memref<128xi32, #tpu.memory_space<vmem>>
          %dma_start3A_127 = arith.constant 0 : i32
          %dma_start3A_128 = arith.constant 0 : i32
          %dma_start3A_129 = tpu.memref_slice %arg2[%dma_start3A_127, %dma_start3A_128] : memref<10240x128xf32, #tpu.memory_space<hbm>> -> memref<10240x128xf32, #tpu.memory_space<hbm>>
          tpu.enqueue_indirect_dma source(%dma_start3A_129 : memref<10240x128xf32, #tpu.memory_space<hbm>>) target(%arg8 : memref<128x128xf32, #tpu.memory_space<vmem>>) offsets(%dma_start3A_126 : memref<128xi32, #tpu.memory_space<vmem>>) semaphore(%arg12 : memref<!tpu.dma_semaphore, #tpu.memory_space<semaphore_mem>>)
        } else {
        }
        %add3A_107 = arith.constant 1 : i32
        %add3A_108 = arith.addi %mul3A_95, %add3A_107 : i32
        %dma_wait3A_109 = arith.constant 0 : i32
        %dma_wait3A_110 = tpu.memref_slice %arg6[%add3A_108, %dma_wait3A_109] : memref<16x128xi32, #tpu.memory_space<vmem>> -> memref<1x128xi32, #tpu.memory_space<vmem>>
        %dma_wait3A_111 = tpu.memref_squeeze %dma_wait3A_110 : memref<1x128xi32, #tpu.memory_space<vmem>> -> memref<128xi32, #tpu.memory_space<vmem>>
        %dma_wait3A_112 = arith.constant 0 : i32
        %dma_wait3A_113 = arith.constant 0 : i32
        %dma_wait3A_114 = tpu.memref_slice %arg2[%dma_wait3A_112, %dma_wait3A_113] : memref<10240x128xf32, #tpu.memory_space<hbm>> -> memref<10240x128xf32, #tpu.memory_space<hbm>>
        tpu.wait_indirect_dma semaphore(%arg13 : memref<!tpu.dma_semaphore, #tpu.memory_space<semaphore_mem>>) src(%dma_wait3A_114 : memref<10240x128xf32, #tpu.memory_space<hbm>>) dst(%arg9 : memref<128x128xf32, #tpu.memory_space<vmem>>)
        "tpu.region"() ({
          %run_scoped3A = tpu.sem_alloc : memref<!tpu.dma_semaphore, #tpu.memory_space<semaphore_mem>>
          %dma_start3A_122 = arith.constant 0 : i32
          %dma_start3A_123 = tpu.memref_slice %arg7[%add3A_108, %dma_start3A_122] : memref<16x128xi32, #tpu.memory_space<vmem>> -> memref<1x128xi32, #tpu.memory_space<vmem>>
          %dma_start3A_124 = tpu.memref_squeeze %dma_start3A_123 : memref<1x128xi32, #tpu.memory_space<vmem>> -> memref<128xi32, #tpu.memory_space<vmem>>
          %dma_start3A_125 = arith.constant 0 : i32
          %dma_start3A_126 = arith.constant 0 : i32
          %dma_start3A_127 = tpu.memref_slice %arg11[%dma_start3A_125, %dma_start3A_126] : memref<10240x128xf32, #tpu.memory_space<vmem_shared>> -> memref<10240x128xf32, #tpu.memory_space<vmem_shared>>
          tpu.enqueue_indirect_dma source(%arg9 : memref<128x128xf32, #tpu.memory_space<vmem>>) target(%dma_start3A_127 : memref<10240x128xf32, #tpu.memory_space<vmem_shared>>) offsets(%dma_start3A_124 : memref<128xi32, #tpu.memory_space<vmem>>) semaphore(%run_scoped3A : memref<!tpu.dma_semaphore, #tpu.memory_space<semaphore_mem>>) {add = true}
          %dma_wait3A_128 = arith.constant 0 : i32
          %dma_wait3A_129 = tpu.memref_slice %arg7[%add3A_108, %dma_wait3A_128] : memref<16x128xi32, #tpu.memory_space<vmem>> -> memref<1x128xi32, #tpu.memory_space<vmem>>
          %dma_wait3A_130 = tpu.memref_squeeze %dma_wait3A_129 : memref<1x128xi32, #tpu.memory_space<vmem>> -> memref<128xi32, #tpu.memory_space<vmem>>
          %dma_wait3A_131 = arith.constant 0 : i32
          %dma_wait3A_132 = arith.constant 0 : i32
          %dma_wait3A_133 = tpu.memref_slice %arg11[%dma_wait3A_131, %dma_wait3A_132] : memref<10240x128xf32, #tpu.memory_space<vmem_shared>> -> memref<10240x128xf32, #tpu.memory_space<vmem_shared>>
          tpu.wait_indirect_dma semaphore(%run_scoped3A : memref<!tpu.dma_semaphore, #tpu.memory_space<semaphore_mem>>) src(%arg9 : memref<128x128xf32, #tpu.memory_space<vmem>>) dst(%dma_wait3A_133 : memref<10240x128xf32, #tpu.memory_space<vmem_shared>>)
          tpu.yield
        }) : () -> ()
        %add3A_115 = arith.constant 2 : i32
        %add3A_116 = arith.addi %add3A_108, %add3A_115 : i32
        %lt3A_117 = arith.constant 16 : i32
        %lt3A_118 = arith.cmpi slt, %add3A_116, %lt3A_117 : i32
        %convert_element_type3A_119 = arith.extui %lt3A_118 : i1 to i32
        %cond3A_120 = arith.constant 0 : i32
        %cond3A_121 = arith.cmpi ne, %convert_element_type3A_119, %cond3A_120 : i32
        scf.if %cond3A_121 {
          %add3A_122 = arith.constant 2 : i32
          %add3A_123 = arith.addi %add3A_108, %add3A_122 : i32
          %dma_start3A_124 = arith.constant 0 : i32
          %dma_start3A_125 = tpu.memref_slice %arg6[%add3A_123, %dma_start3A_124] : memref<16x128xi32, #tpu.memory_space<vmem>> -> memref<1x128xi32, #tpu.memory_space<vmem>>
          %dma_start3A_126 = tpu.memref_squeeze %dma_start3A_125 : memref<1x128xi32, #tpu.memory_space<vmem>> -> memref<128xi32, #tpu.memory_space<vmem>>
          %dma_start3A_127 = arith.constant 0 : i32
          %dma_start3A_128 = arith.constant 0 : i32
          %dma_start3A_129 = tpu.memref_slice %arg2[%dma_start3A_127, %dma_start3A_128] : memref<10240x128xf32, #tpu.memory_space<hbm>> -> memref<10240x128xf32, #tpu.memory_space<hbm>>
          tpu.enqueue_indirect_dma source(%dma_start3A_129 : memref<10240x128xf32, #tpu.memory_space<hbm>>) target(%arg9 : memref<128x128xf32, #tpu.memory_space<vmem>>) offsets(%dma_start3A_126 : memref<128xi32, #tpu.memory_space<vmem>>) semaphore(%arg13 : memref<!tpu.dma_semaphore, #tpu.memory_space<semaphore_mem>>)
        } else {
        }
      }
      %scan3A_88 = arith.constant 8 : i32
    }
    %while3A_60 = arith.constant 1 : i32
    scf.for %while3A_62 = %while3A_58 to %while3A_54 step %while3A_60  : i32 {
      %mul3A_63 = arith.muli %while3A_62, %while3A : i32
      %add3A_64 = arith.addi %while3A_51, %mul3A_63 : i32
      %mul3A_65 = arith.constant 16 : i32
      %mul3A_66 = arith.muli %add3A_64, %mul3A_65 : i32
      %add3A_67 = arith.addi %add3A_9, %mul3A_66 : i32
      "tpu.region"() ({
        %run_scoped3A = tpu.sem_alloc : memref<!tpu.dma_semaphore, #tpu.memory_space<semaphore_mem>>
        %dma_start3A_89 = arith.constant 0 : i32
        %dma_start3A_90 = tpu.memref_slice %arg3[%add3A_67, %dma_start3A_89] : memref<2560x128xi32, #tpu.memory_space<hbm>> -> memref<16x128xi32, #tpu.memory_space<hbm>>
        %dma_start3A_91 = arith.constant 0 : i32
        %dma_start3A_92 = tpu.memref_slice %arg3[%add3A_67, %dma_start3A_91] : memref<2560x128xi32, #tpu.memory_space<hbm>> -> memref<16x128xi32, #tpu.memory_space<hbm>>
        tpu.enqueue_dma source(%dma_start3A_92 : memref<16x128xi32, #tpu.memory_space<hbm>>) target(%arg6 : memref<16x128xi32, #tpu.memory_space<vmem>>) target_semaphore(%run_scoped3A : memref<!tpu.dma_semaphore, #tpu.memory_space<semaphore_mem>>)
        %dma_wait3A = arith.constant 0 : i32
        %dma_wait3A_93 = tpu.memref_slice %arg3[%add3A_67, %dma_wait3A] : memref<2560x128xi32, #tpu.memory_space<hbm>> -> memref<16x128xi32, #tpu.memory_space<hbm>>
        %dma_wait3A_94 = arith.constant 0 : i32
        %dma_wait3A_95 = tpu.memref_slice %arg3[%add3A_67, %dma_wait3A_94] : memref<2560x128xi32, #tpu.memory_space<hbm>> -> memref<16x128xi32, #tpu.memory_space<hbm>>
        tpu.wait_dma2 semaphore(%run_scoped3A : memref<!tpu.dma_semaphore, #tpu.memory_space<semaphore_mem>>) src(%dma_wait3A_95 : memref<16x128xi32, #tpu.memory_space<hbm>>) dst(%arg6 : memref<16x128xi32, #tpu.memory_space<vmem>>)
        tpu.yield
      }) : () -> ()
      %mul3A_68 = arith.constant 16 : i32
      %mul3A_69 = arith.muli %add3A_64, %mul3A_68 : i32
      %add3A_70 = arith.addi %add3A_9, %mul3A_69 : i32
      "tpu.region"() ({
        %run_scoped3A = tpu.sem_alloc : memref<!tpu.dma_semaphore, #tpu.memory_space<semaphore_mem>>
        %dma_start3A_89 = arith.constant 0 : i32
        %dma_start3A_90 = tpu.memref_slice %arg4[%add3A_70, %dma_start3A_89] : memref<2560x128xi32, #tpu.memory_space<hbm>> -> memref<16x128xi32, #tpu.memory_space<hbm>>
        %dma_start3A_91 = arith.constant 0 : i32
        %dma_start3A_92 = tpu.memref_slice %arg4[%add3A_70, %dma_start3A_91] : memref<2560x128xi32, #tpu.memory_space<hbm>> -> memref<16x128xi32, #tpu.memory_space<hbm>>
        tpu.enqueue_dma source(%dma_start3A_92 : memref<16x128xi32, #tpu.memory_space<hbm>>) target(%arg7 : memref<16x128xi32, #tpu.memory_space<vmem>>) target_semaphore(%run_scoped3A : memref<!tpu.dma_semaphore, #tpu.memory_space<semaphore_mem>>)
        %dma_wait3A = arith.constant 0 : i32
        %dma_wait3A_93 = tpu.memref_slice %arg4[%add3A_70, %dma_wait3A] : memref<2560x128xi32, #tpu.memory_space<hbm>> -> memref<16x128xi32, #tpu.memory_space<hbm>>
        %dma_wait3A_94 = arith.constant 0 : i32
        %dma_wait3A_95 = tpu.memref_slice %arg4[%add3A_70, %dma_wait3A_94] : memref<2560x128xi32, #tpu.memory_space<hbm>> -> memref<16x128xi32, #tpu.memory_space<hbm>>
        tpu.wait_dma2 semaphore(%run_scoped3A : memref<!tpu.dma_semaphore, #tpu.memory_space<semaphore_mem>>) src(%dma_wait3A_95 : memref<16x128xi32, #tpu.memory_space<hbm>>) dst(%arg7 : memref<16x128xi32, #tpu.memory_space<vmem>>)
        tpu.yield
      }) : () -> ()
      %dma_start3A = arith.constant 0 : i32
      %dma_start3A_71 = arith.constant 0 : i32
      %dma_start3A_72 = tpu.memref_slice %arg6[%dma_start3A, %dma_start3A_71] : memref<16x128xi32, #tpu.memory_space<vmem>> -> memref<1x128xi32, #tpu.memory_space<vmem>>
      %dma_start3A_73 = tpu.memref_squeeze %dma_start3A_72 : memref<1x128xi32, #tpu.memory_space<vmem>> -> memref<128xi32, #tpu.memory_space<vmem>>
      %dma_start3A_74 = arith.constant 0 : i32
      %dma_start3A_75 = arith.constant 0 : i32
      %dma_start3A_76 = tpu.memref_slice %arg2[%dma_start3A_74, %dma_start3A_75] : memref<10240x128xf32, #tpu.memory_space<hbm>> -> memref<10240x128xf32, #tpu.memory_space<hbm>>
      tpu.enqueue_indirect_dma source(%dma_start3A_76 : memref<10240x128xf32, #tpu.memory_space<hbm>>) target(%arg8 : memref<128x128xf32, #tpu.memory_space<vmem>>) offsets(%dma_start3A_73 : memref<128xi32, #tpu.memory_space<vmem>>) semaphore(%arg12 : memref<!tpu.dma_semaphore, #tpu.memory_space<semaphore_mem>>)
      %dma_start3A_77 = arith.constant 1 : i32
      %dma_start3A_78 = arith.constant 0 : i32
      %dma_start3A_79 = tpu.memref_slice %arg6[%dma_start3A_77, %dma_start3A_78] : memref<16x128xi32, #tpu.memory_space<vmem>> -> memref<1x128xi32, #tpu.memory_space<vmem>>
      %dma_start3A_80 = tpu.memref_squeeze %dma_start3A_79 : memref<1x128xi32, #tpu.memory_space<vmem>> -> memref<128xi32, #tpu.memory_space<vmem>>
      %dma_start3A_81 = arith.constant 0 : i32
      %dma_start3A_82 = arith.constant 0 : i32
      %dma_start3A_83 = tpu.memref_slice %arg2[%dma_start3A_81, %dma_start3A_82] : memref<10240x128xf32, #tpu.memory_space<hbm>> -> memref<10240x128xf32, #tpu.memory_space<hbm>>
      tpu.enqueue_indirect_dma source(%dma_start3A_83 : memref<10240x128xf32, #tpu.memory_space<hbm>>) target(%arg9 : memref<128x128xf32, #tpu.memory_space<vmem>>) offsets(%dma_start3A_80 : memref<128xi32, #tpu.memory_space<vmem>>) semaphore(%arg13 : memref<!tpu.dma_semaphore, #tpu.memory_space<semaphore_mem>>)
      %scan3A_84 = arith.constant 0 : i32
      %scan3A_85 = arith.constant 8 : i32
      %scan3A_86 = arith.addi %scan3A_84, %scan3A_85 : i32
      %scan3A_87 = arith.constant 1 : i32
      scf.for %scan3A_89 = %scan3A_84 to %scan3A_86 step %scan3A_87  : i32 {
        %mul3A_90 = arith.constant 1 : i32
        %mul3A_91 = arith.muli %scan3A_89, %mul3A_90 : i32
        %add3A_92 = arith.constant 0 : i32
        %add3A_93 = arith.addi %add3A_92, %mul3A_91 : i32
        %mul3A_94 = arith.constant 2 : i32
        %mul3A_95 = arith.muli %add3A_93, %mul3A_94 : i32
        %add3A_96 = arith.constant 0 : i32
        %add3A_97 = arith.addi %mul3A_95, %add3A_96 : i32
        %dma_wait3A = arith.constant 0 : i32
        %dma_wait3A_98 = tpu.memref_slice %arg6[%add3A_97, %dma_wait3A] : memref<16x128xi32, #tpu.memory_space<vmem>> -> memref<1x128xi32, #tpu.memory_space<vmem>>
        %dma_wait3A_99 = tpu.memref_squeeze %dma_wait3A_98 : memref<1x128xi32, #tpu.memory_space<vmem>> -> memref<128xi32, #tpu.memory_space<vmem>>
        %dma_wait3A_100 = arith.constant 0 : i32
        %dma_wait3A_101 = arith.constant 0 : i32
        %dma_wait3A_102 = tpu.memref_slice %arg2[%dma_wait3A_100, %dma_wait3A_101] : memref<10240x128xf32, #tpu.memory_space<hbm>> -> memref<10240x128xf32, #tpu.memory_space<hbm>>
        tpu.wait_indirect_dma semaphore(%arg12 : memref<!tpu.dma_semaphore, #tpu.memory_space<semaphore_mem>>) src(%dma_wait3A_102 : memref<10240x128xf32, #tpu.memory_space<hbm>>) dst(%arg8 : memref<128x128xf32, #tpu.memory_space<vmem>>)
        "tpu.region"() ({
          %run_scoped3A = tpu.sem_alloc : memref<!tpu.dma_semaphore, #tpu.memory_space<semaphore_mem>>
          %dma_start3A_122 = arith.constant 0 : i32
          %dma_start3A_123 = tpu.memref_slice %arg7[%add3A_97, %dma_start3A_122] : memref<16x128xi32, #tpu.memory_space<vmem>> -> memref<1x128xi32, #tpu.memory_space<vmem>>
          %dma_start3A_124 = tpu.memref_squeeze %dma_start3A_123 : memref<1x128xi32, #tpu.memory_space<vmem>> -> memref<128xi32, #tpu.memory_space<vmem>>
          %dma_start3A_125 = arith.constant 0 : i32
          %dma_start3A_126 = arith.constant 0 : i32
          %dma_start3A_127 = tpu.memref_slice %arg11[%dma_start3A_125, %dma_start3A_126] : memref<10240x128xf32, #tpu.memory_space<vmem_shared>> -> memref<10240x128xf32, #tpu.memory_space<vmem_shared>>
          tpu.enqueue_indirect_dma source(%arg8 : memref<128x128xf32, #tpu.memory_space<vmem>>) target(%dma_start3A_127 : memref<10240x128xf32, #tpu.memory_space<vmem_shared>>) offsets(%dma_start3A_124 : memref<128xi32, #tpu.memory_space<vmem>>) semaphore(%run_scoped3A : memref<!tpu.dma_semaphore, #tpu.memory_space<semaphore_mem>>) {add = true}
          %dma_wait3A_128 = arith.constant 0 : i32
          %dma_wait3A_129 = tpu.memref_slice %arg7[%add3A_97, %dma_wait3A_128] : memref<16x128xi32, #tpu.memory_space<vmem>> -> memref<1x128xi32, #tpu.memory_space<vmem>>
          %dma_wait3A_130 = tpu.memref_squeeze %dma_wait3A_129 : memref<1x128xi32, #tpu.memory_space<vmem>> -> memref<128xi32, #tpu.memory_space<vmem>>
          %dma_wait3A_131 = arith.constant 0 : i32
          %dma_wait3A_132 = arith.constant 0 : i32
          %dma_wait3A_133 = tpu.memref_slice %arg11[%dma_wait3A_131, %dma_wait3A_132] : memref<10240x128xf32, #tpu.memory_space<vmem_shared>> -> memref<10240x128xf32, #tpu.memory_space<vmem_shared>>
          tpu.wait_indirect_dma semaphore(%run_scoped3A : memref<!tpu.dma_semaphore, #tpu.memory_space<semaphore_mem>>) src(%arg8 : memref<128x128xf32, #tpu.memory_space<vmem>>) dst(%dma_wait3A_133 : memref<10240x128xf32, #tpu.memory_space<vmem_shared>>)
          tpu.yield
        }) : () -> ()
        %add3A_103 = arith.constant 2 : i32
        %add3A_104 = arith.addi %add3A_97, %add3A_103 : i32
        %lt3A = arith.constant 16 : i32
        %lt3A_105 = arith.cmpi slt, %add3A_104, %lt3A : i32
        %convert_element_type3A = arith.extui %lt3A_105 : i1 to i32
        %cond3A = arith.constant 0 : i32
        %cond3A_106 = arith.cmpi ne, %convert_element_type3A, %cond3A : i32
        scf.if %cond3A_106 {
          %add3A_122 = arith.constant 2 : i32
          %add3A_123 = arith.addi %add3A_97, %add3A_122 : i32
          %dma_start3A_124 = arith.constant 0 : i32
          %dma_start3A_125 = tpu.memref_slice %arg6[%add3A_123, %dma_start3A_124] : memref<16x128xi32, #tpu.memory_space<vmem>> -> memref<1x128xi32, #tpu.memory_space<vmem>>
          %dma_start3A_126 = tpu.memref_squeeze %dma_start3A_125 : memref<1x128xi32, #tpu.memory_space<vmem>> -> memref<128xi32, #tpu.memory_space<vmem>>
          %dma_start3A_127 = arith.constant 0 : i32
          %dma_start3A_128 = arith.constant 0 : i32
          %dma_start3A_129 = tpu.memref_slice %arg2[%dma_start3A_127, %dma_start3A_128] : memref<10240x128xf32, #tpu.memory_space<hbm>> -> memref<10240x128xf32, #tpu.memory_space<hbm>>
          tpu.enqueue_indirect_dma source(%dma_start3A_129 : memref<10240x128xf32, #tpu.memory_space<hbm>>) target(%arg8 : memref<128x128xf32, #tpu.memory_space<vmem>>) offsets(%dma_start3A_126 : memref<128xi32, #tpu.memory_space<vmem>>) semaphore(%arg12 : memref<!tpu.dma_semaphore, #tpu.memory_space<semaphore_mem>>)
        } else {
        }
        %add3A_107 = arith.constant 1 : i32
        %add3A_108 = arith.addi %mul3A_95, %add3A_107 : i32
        %dma_wait3A_109 = arith.constant 0 : i32
        %dma_wait3A_110 = tpu.memref_slice %arg6[%add3A_108, %dma_wait3A_109] : memref<16x128xi32, #tpu.memory_space<vmem>> -> memref<1x128xi32, #tpu.memory_space<vmem>>
        %dma_wait3A_111 = tpu.memref_squeeze %dma_wait3A_110 : memref<1x128xi32, #tpu.memory_space<vmem>> -> memref<128xi32, #tpu.memory_space<vmem>>
        %dma_wait3A_112 = arith.constant 0 : i32
        %dma_wait3A_113 = arith.constant 0 : i32
        %dma_wait3A_114 = tpu.memref_slice %arg2[%dma_wait3A_112, %dma_wait3A_113] : memref<10240x128xf32, #tpu.memory_space<hbm>> -> memref<10240x128xf32, #tpu.memory_space<hbm>>
        tpu.wait_indirect_dma semaphore(%arg13 : memref<!tpu.dma_semaphore, #tpu.memory_space<semaphore_mem>>) src(%dma_wait3A_114 : memref<10240x128xf32, #tpu.memory_space<hbm>>) dst(%arg9 : memref<128x128xf32, #tpu.memory_space<vmem>>)
        "tpu.region"() ({
          %run_scoped3A = tpu.sem_alloc : memref<!tpu.dma_semaphore, #tpu.memory_space<semaphore_mem>>
          %dma_start3A_122 = arith.constant 0 : i32
          %dma_start3A_123 = tpu.memref_slice %arg7[%add3A_108, %dma_start3A_122] : memref<16x128xi32, #tpu.memory_space<vmem>> -> memref<1x128xi32, #tpu.memory_space<vmem>>
          %dma_start3A_124 = tpu.memref_squeeze %dma_start3A_123 : memref<1x128xi32, #tpu.memory_space<vmem>> -> memref<128xi32, #tpu.memory_space<vmem>>
          %dma_start3A_125 = arith.constant 0 : i32
          %dma_start3A_126 = arith.constant 0 : i32
          %dma_start3A_127 = tpu.memref_slice %arg11[%dma_start3A_125, %dma_start3A_126] : memref<10240x128xf32, #tpu.memory_space<vmem_shared>> -> memref<10240x128xf32, #tpu.memory_space<vmem_shared>>
          tpu.enqueue_indirect_dma source(%arg9 : memref<128x128xf32, #tpu.memory_space<vmem>>) target(%dma_start3A_127 : memref<10240x128xf32, #tpu.memory_space<vmem_shared>>) offsets(%dma_start3A_124 : memref<128xi32, #tpu.memory_space<vmem>>) semaphore(%run_scoped3A : memref<!tpu.dma_semaphore, #tpu.memory_space<semaphore_mem>>) {add = true}
          %dma_wait3A_128 = arith.constant 0 : i32
          %dma_wait3A_129 = tpu.memref_slice %arg7[%add3A_108, %dma_wait3A_128] : memref<16x128xi32, #tpu.memory_space<vmem>> -> memref<1x128xi32, #tpu.memory_space<vmem>>
          %dma_wait3A_130 = tpu.memref_squeeze %dma_wait3A_129 : memref<1x128xi32, #tpu.memory_space<vmem>> -> memref<128xi32, #tpu.memory_space<vmem>>
          %dma_wait3A_131 = arith.constant 0 : i32
          %dma_wait3A_132 = arith.constant 0 : i32
          %dma_wait3A_133 = tpu.memref_slice %arg11[%dma_wait3A_131, %dma_wait3A_132] : memref<10240x128xf32, #tpu.memory_space<vmem_shared>> -> memref<10240x128xf32, #tpu.memory_space<vmem_shared>>
          tpu.wait_indirect_dma semaphore(%run_scoped3A : memref<!tpu.dma_semaphore, #tpu.memory_space<semaphore_mem>>) src(%arg9 : memref<128x128xf32, #tpu.memory_space<vmem>>) dst(%dma_wait3A_133 : memref<10240x128xf32, #tpu.memory_space<vmem_shared>>)
          tpu.yield
        }) : () -> ()
        %add3A_115 = arith.constant 2 : i32
        %add3A_116 = arith.addi %add3A_108, %add3A_115 : i32
        %lt3A_117 = arith.constant 16 : i32
        %lt3A_118 = arith.cmpi slt, %add3A_116, %lt3A_117 : i32
        %convert_element_type3A_119 = arith.extui %lt3A_118 : i1 to i32
        %cond3A_120 = arith.constant 0 : i32
        %cond3A_121 = arith.cmpi ne, %convert_element_type3A_119, %cond3A_120 : i32
        scf.if %cond3A_121 {
          %add3A_122 = arith.constant 2 : i32
          %add3A_123 = arith.addi %add3A_108, %add3A_122 : i32
          %dma_start3A_124 = arith.constant 0 : i32
          %dma_start3A_125 = tpu.memref_slice %arg6[%add3A_123, %dma_start3A_124] : memref<16x128xi32, #tpu.memory_space<vmem>> -> memref<1x128xi32, #tpu.memory_space<vmem>>
          %dma_start3A_126 = tpu.memref_squeeze %dma_start3A_125 : memref<1x128xi32, #tpu.memory_space<vmem>> -> memref<128xi32, #tpu.memory_space<vmem>>
          %dma_start3A_127 = arith.constant 0 : i32
          %dma_start3A_128 = arith.constant 0 : i32
          %dma_start3A_129 = tpu.memref_slice %arg2[%dma_start3A_127, %dma_start3A_128] : memref<10240x128xf32, #tpu.memory_space<hbm>> -> memref<10240x128xf32, #tpu.memory_space<hbm>>
          tpu.enqueue_indirect_dma source(%dma_start3A_129 : memref<10240x128xf32, #tpu.memory_space<hbm>>) target(%arg9 : memref<128x128xf32, #tpu.memory_space<vmem>>) offsets(%dma_start3A_126 : memref<128xi32, #tpu.memory_space<vmem>>) semaphore(%arg13 : memref<!tpu.dma_semaphore, #tpu.memory_space<semaphore_mem>>)
        } else {
        }
      }
      %scan3A_88 = arith.constant 8 : i32
    }
    %barrier3A_61 = arith.constant 0 : index
    tpu.barrier barrier_id(%barrier3A_61)
    "tpu.region"() ({
      %run_scoped3A = tpu.sem_alloc : memref<!tpu.dma_semaphore, #tpu.memory_space<semaphore_mem>>
      %dma_start3A = arith.constant 0 : i32
      %dma_start3A_62 = tpu.memref_slice %arg5[%arg0, %mul3A_0, %dma_start3A] : memref<2x10240x128xf32, #tpu.memory_space<hbm>> -> memref<1x640x128xf32, #tpu.memory_space<hbm>>
      %dma_start3A_63 = tpu.memref_squeeze %dma_start3A_62 : memref<1x640x128xf32, #tpu.memory_space<hbm>> -> memref<640x128xf32, #tpu.memory_space<hbm>>
      %dma_start3A_64 = arith.constant 0 : i32
      %dma_start3A_65 = tpu.memref_slice %arg11[%mul3A_0, %dma_start3A_64] : memref<10240x128xf32, #tpu.memory_space<vmem_shared>> -> memref<640x128xf32, #tpu.memory_space<vmem_shared>>
      tpu.enqueue_dma source(%dma_start3A_65 : memref<640x128xf32, #tpu.memory_space<vmem_shared>>) target(%dma_start3A_63 : memref<640x128xf32, #tpu.memory_space<hbm>>) target_semaphore(%run_scoped3A : memref<!tpu.dma_semaphore, #tpu.memory_space<semaphore_mem>>)
      %dma_wait3A = arith.constant 0 : i32
      %dma_wait3A_66 = tpu.memref_slice %arg5[%arg0, %mul3A_0, %dma_wait3A] : memref<2x10240x128xf32, #tpu.memory_space<hbm>> -> memref<1x640x128xf32, #tpu.memory_space<hbm>>
      %dma_wait3A_67 = tpu.memref_squeeze %dma_wait3A_66 : memref<1x640x128xf32, #tpu.memory_space<hbm>> -> memref<640x128xf32, #tpu.memory_space<hbm>>
      %dma_wait3A_68 = arith.constant 0 : i32
      %dma_wait3A_69 = tpu.memref_slice %arg11[%mul3A_0, %dma_wait3A_68] : memref<10240x128xf32, #tpu.memory_space<vmem_shared>> -> memref<640x128xf32, #tpu.memory_space<vmem_shared>>
      tpu.wait_dma2 semaphore(%run_scoped3A : memref<!tpu.dma_semaphore, #tpu.memory_space<semaphore_mem>>) src(%dma_wait3A_69 : memref<640x128xf32, #tpu.memory_space<vmem_shared>>) dst(%dma_wait3A_67 : memref<640x128xf32, #tpu.memory_space<hbm>>)
      tpu.yield
    }) : () -> ()
    return
  }
}

#map = affine_map<(d0, d1) -> (0, 0)>
#map1 = affine_map<(d0, d1) -> (0, 0, 0)>
module attributes {stable_mosaic.version = 14 : i64} {
  func.func @k(%arg0: i32, %arg1: i32, %arg2: memref<10240x128xf32, #tpu.memory_space<hbm>>, %arg3: memref<2560x128xi32, #tpu.memory_space<hbm>>, %arg4: memref<2560x128xi32, #tpu.memory_space<hbm>>, %arg5: memref<2x10240x128xf32, #tpu.memory_space<hbm>>, %arg6: memref<16x128xi32, #tpu.memory_space<vmem>>, %arg7: memref<16x128xi32, #tpu.memory_space<vmem>>, %arg8: memref<128x128xf32, #tpu.memory_space<vmem>>, %arg9: memref<128x128xf32, #tpu.memory_space<vmem>>, %arg10: memref<16x128xf32, #tpu.memory_space<vmem>>, %arg11: memref<10240x128xf32, #tpu.memory_space<vmem_shared>>, %arg12: memref<!tpu.dma_semaphore, #tpu.memory_space<semaphore_mem>>, %arg13: memref<!tpu.dma_semaphore, #tpu.memory_space<semaphore_mem>>) attributes {dimension_semantics = [#tpu.dimension_semantics<core_parallel>, #tpu.dimension_semantics<subcore_parallel>], iteration_bounds = array<i64: 2, 16>, scalar_prefetch = 0 : i64, scratch_operands = 8 : i64, tpu.core_type = #tpu.core_type<sc_vector_subcore>, window_params = [{transform_indices = #map}, {transform_indices = #map}, {transform_indices = #map}, {transform_indices = #map1}]} {
    %mul3A = arith.constant 640 : i32
    %mul3A_0 = arith.muli %arg1, %mul3A : i32
    %sub3A = arith.constant 1 : i32
    %sub3A_1 = arith.subi %sub3A, %arg0 : i32
    %mul3A_2 = arith.constant 144 : i32
    %mul3A_3 = arith.muli %arg1, %mul3A_2 : i32
    %mul3A_4 = arith.muli %sub3A_1, %mul3A_3 : i32
    %mul3A_5 = arith.constant 16 : i32
    %mul3A_6 = arith.muli %arg1, %mul3A_5 : i32
    %add3A = arith.constant 2304 : i32
    %add3A_7 = arith.addi %add3A, %mul3A_6 : i32
    %mul3A_8 = arith.muli %arg0, %add3A_7 : i32
    %add3A_9 = arith.addi %mul3A_4, %mul3A_8 : i32
    %sub3A_10 = arith.constant 1 : i32
    %sub3A_11 = arith.subi %sub3A_10, %arg0 : i32
    %mul3A_12 = arith.constant 144 : i32
    %mul3A_13 = arith.muli %sub3A_11, %mul3A_12 : i32
    %mul3A_14 = arith.constant 16 : i32
    %mul3A_15 = arith.muli %arg0, %mul3A_14 : i32
    %add3A_16 = arith.addi %mul3A_13, %mul3A_15 : i32
    %jit3A = arith.constant 16 : i32
    %div3A = arith.divsi %add3A_16, %jit3A : i32
    %sign3A = arith.constant 0 : i32
    %sign3A_17 = arith.cmpi sgt, %add3A_16, %sign3A : i32
    %sign3A_18 = arith.extui %sign3A_17 : i1 to i32
    %sign3A_19 = arith.constant 0 : i32
    %sign3A_20 = arith.cmpi slt, %add3A_16, %sign3A_19 : i32
    %sign3A_21 = arith.extui %sign3A_20 : i1 to i32
    %sign3A_22 = arith.subi %sign3A_18, %sign3A_21 : i32
    %sign3A_23 = arith.constant 0 : i32
    %sign3A_24 = arith.cmpi sgt, %jit3A, %sign3A_23 : i32
    %sign3A_25 = arith.extui %sign3A_24 : i1 to i32
    %sign3A_26 = arith.constant 0 : i32
    %sign3A_27 = arith.cmpi slt, %jit3A, %sign3A_26 : i32
    %sign3A_28 = arith.extui %sign3A_27 : i1 to i32
    %sign3A_29 = arith.subi %sign3A_25, %sign3A_28 : i32
    %ne3A = arith.cmpi ne, %sign3A_22, %sign3A_29 : i32
    %rem3A = arith.remsi %add3A_16, %jit3A : i32
    %ne3A_30 = arith.constant 0 : i32
    %ne3A_31 = arith.cmpi ne, %rem3A, %ne3A_30 : i32
    %and3A = arith.andi %ne3A, %ne3A_31 : i1
    %sub3A_32 = arith.constant 1 : i32
    %sub3A_33 = arith.subi %div3A, %sub3A_32 : i32
    %select_n3A = arith.select %and3A, %sub3A_33, %div3A : i32
    %scan3A = arith.constant 0 : i32
    %scan3A_34 = arith.constant 16 : i32
    %scan3A_35 = arith.addi %scan3A, %scan3A_34 : i32
    %scan3A_36 = arith.constant 1 : i32
    scf.for %scan3A_62 = %scan3A to %scan3A_35 step %scan3A_36  : i32 {
      %mul3A_63 = arith.constant 1 : i32
      %mul3A_64 = arith.muli %scan3A_62, %mul3A_63 : i32
      %add3A_65 = arith.constant 0 : i32
      %add3A_66 = arith.addi %add3A_65, %mul3A_64 : i32
      %scan3A_67 = arith.constant 0 : i32
      %scan3A_68 = arith.constant 8 : i32
      %scan3A_69 = arith.addi %scan3A_67, %scan3A_68 : i32
      %scan3A_70 = arith.constant 1 : i32
      scf.for %scan3A_72 = %scan3A_67 to %scan3A_69 step %scan3A_70  : i32 {
        %mul3A_73 = arith.constant 16 : i32
        %mul3A_74 = arith.muli %scan3A_72, %mul3A_73 : i32
        %add3A_75 = arith.constant 0 : i32
        %add3A_76 = arith.addi %add3A_75, %mul3A_74 : i32
        %broadcast_in_dim3A = arith.constant 0.000000e+00 : f32
        %broadcast_in_dim3A_77 = vector.broadcast %broadcast_in_dim3A : f32 to vector<16xf32>
        %swap3A = arith.index_cast %add3A_66 : i32 to index
        %swap3A_78 = arith.index_cast %add3A_76 : i32 to index
        %swap3A_79 = tpu.vector_load %arg10[%swap3A, %swap3A_78] {strides = array<i32>} : memref<16x128xf32, #tpu.memory_space<vmem>>, vector<1x16xf32>,
        %swap3A_80 = vector.shape_cast %swap3A_79 : vector<1x16xf32> to vector<16xf32>
        %swap3A_81 = vector.shape_cast %broadcast_in_dim3A_77 : vector<16xf32> to vector<1x16xf32>
        tpu.vector_store %arg10[%swap3A, %swap3A_78], %swap3A_81 {strides = array<i32>} : memref<16x128xf32, #tpu.memory_space<vmem>>, vector<1x16xf32>,
      }
      %scan3A_71 = arith.constant 8 : i32
    }
    %scan3A_37 = arith.constant 16 : i32
    %scan3A_38 = arith.constant 0 : i32
    %scan3A_39 = arith.constant 40 : i32
    %scan3A_40 = arith.addi %scan3A_38, %scan3A_39 : i32
    %scan3A_41 = arith.constant 1 : i32
    scf.for %scan3A_62 = %scan3A_38 to %scan3A_40 step %scan3A_41  : i32 {
      %mul3A_63 = arith.constant 1 : i32
      %mul3A_64 = arith.muli %scan3A_62, %mul3A_63 : i32
      %add3A_65 = arith.constant 0 : i32
      %add3A_66 = arith.addi %add3A_65, %mul3A_64 : i32
      %mul3A_67 = arith.constant 16 : i32
      %mul3A_68 = arith.muli %add3A_66, %mul3A_67 : i32
      %add3A_69 = arith.addi %mul3A_0, %mul3A_68 : i32
      "tpu.region"() ({
        %run_scoped3A = tpu.sem_alloc : memref<!tpu.dma_semaphore, #tpu.memory_space<semaphore_mem>>
        %dma_start3A = arith.constant 0 : i32
        %dma_start3A_70 = tpu.memref_slice %arg11[%add3A_69, %dma_start3A] : memref<10240x128xf32, #tpu.memory_space<vmem_shared>> -> memref<16x128xf32, #tpu.memory_space<vmem_shared>>
        %dma_start3A_71 = arith.constant 0 : i32
        %dma_start3A_72 = tpu.memref_slice %arg11[%add3A_69, %dma_start3A_71] : memref<10240x128xf32, #tpu.memory_space<vmem_shared>> -> memref<16x128xf32, #tpu.memory_space<vmem_shared>>
        tpu.enqueue_dma source(%arg10 : memref<16x128xf32, #tpu.memory_space<vmem>>) target(%dma_start3A_72 : memref<16x128xf32, #tpu.memory_space<vmem_shared>>) target_semaphore(%run_scoped3A : memref<!tpu.dma_semaphore, #tpu.memory_space<semaphore_mem>>)
        %dma_wait3A = arith.constant 0 : i32
        %dma_wait3A_73 = tpu.memref_slice %arg11[%add3A_69, %dma_wait3A] : memref<10240x128xf32, #tpu.memory_space<vmem_shared>> -> memref<16x128xf32, #tpu.memory_space<vmem_shared>>
        %dma_wait3A_74 = arith.constant 0 : i32
        %dma_wait3A_75 = tpu.memref_slice %arg11[%add3A_69, %dma_wait3A_74] : memref<10240x128xf32, #tpu.memory_space<vmem_shared>> -> memref<16x128xf32, #tpu.memory_space<vmem_shared>>
        tpu.wait_dma2 semaphore(%run_scoped3A : memref<!tpu.dma_semaphore, #tpu.memory_space<semaphore_mem>>) src(%arg10 : memref<16x128xf32, #tpu.memory_space<vmem>>) dst(%dma_wait3A_75 : memref<16x128xf32, #tpu.memory_space<vmem_shared>>)
        tpu.yield
      }) : () -> ()
    }
    %scan3A_42 = arith.constant 40 : i32
    %barrier3A = arith.constant 0 : index
    tpu.barrier barrier_id(%barrier3A)
    %sub3A_43 = arith.constant 0 : i32
    %sub3A_44 = arith.subi %select_n3A, %sub3A_43 : i32
    %sub3A_45 = arith.constant 1 : i32
    %sub3A_46 = arith.constant 1 : i32
    %sub3A_47 = arith.subi %sub3A_45, %sub3A_46 : i32
    %add3A_48 = arith.addi %sub3A_44, %sub3A_47 : i32
    %div3A_49 = arith.constant 1 : i32
    %div3A_50 = arith.divsi %add3A_48, %div3A_49 : i32
    %while3A = arith.constant 1 : i32
    %while3A_51 = arith.constant 0 : i32
    %while3A_52 = arith.constant 0 : i32
    %while3A_53 = arith.subi %div3A_50, %while3A_52 : i32
    %while3A_54 = arith.addi %while3A_52, %while3A_53 : i32
    %while3A_55 = arith.constant 1 : i32
    %while3A_56 = arith.divsi %while3A_53, %while3A_55 : i32
    %while3A_57 = arith.muli %while3A_56, %while3A_55 : i32
    %while3A_58 = arith.addi %while3A_52, %while3A_57 : i32
    %while3A_59 = arith.constant 1 : i32
    scf.for %while3A_62 = %while3A_52 to %while3A_58 step %while3A_59  : i32 {
      %mul3A_63 = arith.muli %while3A_62, %while3A : i32
      %add3A_64 = arith.addi %while3A_51, %mul3A_63 : i32
      %mul3A_65 = arith.constant 16 : i32
      %mul3A_66 = arith.muli %add3A_64, %mul3A_65 : i32
      %add3A_67 = arith.addi %add3A_9, %mul3A_66 : i32
      "tpu.region"() ({
        %run_scoped3A = tpu.sem_alloc : memref<!tpu.dma_semaphore, #tpu.memory_space<semaphore_mem>>
        %dma_start3A_89 = arith.constant 0 : i32
        %dma_start3A_90 = tpu.memref_slice %arg3[%add3A_67, %dma_start3A_89] : memref<2560x128xi32, #tpu.memory_space<hbm>> -> memref<16x128xi32, #tpu.memory_space<hbm>>
        %dma_start3A_91 = arith.constant 0 : i32
        %dma_start3A_92 = tpu.memref_slice %arg3[%add3A_67, %dma_start3A_91] : memref<2560x128xi32, #tpu.memory_space<hbm>> -> memref<16x128xi32, #tpu.memory_space<hbm>>
        tpu.enqueue_dma source(%dma_start3A_92 : memref<16x128xi32, #tpu.memory_space<hbm>>) target(%arg6 : memref<16x128xi32, #tpu.memory_space<vmem>>) target_semaphore(%run_scoped3A : memref<!tpu.dma_semaphore, #tpu.memory_space<semaphore_mem>>)
        %dma_wait3A = arith.constant 0 : i32
        %dma_wait3A_93 = tpu.memref_slice %arg3[%add3A_67, %dma_wait3A] : memref<2560x128xi32, #tpu.memory_space<hbm>> -> memref<16x128xi32, #tpu.memory_space<hbm>>
        %dma_wait3A_94 = arith.constant 0 : i32
        %dma_wait3A_95 = tpu.memref_slice %arg3[%add3A_67, %dma_wait3A_94] : memref<2560x128xi32, #tpu.memory_space<hbm>> -> memref<16x128xi32, #tpu.memory_space<hbm>>
        tpu.wait_dma2 semaphore(%run_scoped3A : memref<!tpu.dma_semaphore, #tpu.memory_space<semaphore_mem>>) src(%dma_wait3A_95 : memref<16x128xi32, #tpu.memory_space<hbm>>) dst(%arg6 : memref<16x128xi32, #tpu.memory_space<vmem>>)
        tpu.yield
      }) : () -> ()
      %mul3A_68 = arith.constant 16 : i32
      %mul3A_69 = arith.muli %add3A_64, %mul3A_68 : i32
      %add3A_70 = arith.addi %add3A_9, %mul3A_69 : i32
      "tpu.region"() ({
        %run_scoped3A = tpu.sem_alloc : memref<!tpu.dma_semaphore, #tpu.memory_space<semaphore_mem>>
        %dma_start3A_89 = arith.constant 0 : i32
        %dma_start3A_90 = tpu.memref_slice %arg4[%add3A_70, %dma_start3A_89] : memref<2560x128xi32, #tpu.memory_space<hbm>> -> memref<16x128xi32, #tpu.memory_space<hbm>>
        %dma_start3A_91 = arith.constant 0 : i32
        %dma_start3A_92 = tpu.memref_slice %arg4[%add3A_70, %dma_start3A_91] : memref<2560x128xi32, #tpu.memory_space<hbm>> -> memref<16x128xi32, #tpu.memory_space<hbm>>
        tpu.enqueue_dma source(%dma_start3A_92 : memref<16x128xi32, #tpu.memory_space<hbm>>) target(%arg7 : memref<16x128xi32, #tpu.memory_space<vmem>>) target_semaphore(%run_scoped3A : memref<!tpu.dma_semaphore, #tpu.memory_space<semaphore_mem>>)
        %dma_wait3A = arith.constant 0 : i32
        %dma_wait3A_93 = tpu.memref_slice %arg4[%add3A_70, %dma_wait3A] : memref<2560x128xi32, #tpu.memory_space<hbm>> -> memref<16x128xi32, #tpu.memory_space<hbm>>
        %dma_wait3A_94 = arith.constant 0 : i32
        %dma_wait3A_95 = tpu.memref_slice %arg4[%add3A_70, %dma_wait3A_94] : memref<2560x128xi32, #tpu.memory_space<hbm>> -> memref<16x128xi32, #tpu.memory_space<hbm>>
        tpu.wait_dma2 semaphore(%run_scoped3A : memref<!tpu.dma_semaphore, #tpu.memory_space<semaphore_mem>>) src(%dma_wait3A_95 : memref<16x128xi32, #tpu.memory_space<hbm>>) dst(%arg7 : memref<16x128xi32, #tpu.memory_space<vmem>>)
        tpu.yield
      }) : () -> ()
      %dma_start3A = arith.constant 0 : i32
      %dma_start3A_71 = arith.constant 0 : i32
      %dma_start3A_72 = tpu.memref_slice %arg6[%dma_start3A, %dma_start3A_71] : memref<16x128xi32, #tpu.memory_space<vmem>> -> memref<1x128xi32, #tpu.memory_space<vmem>>
      %dma_start3A_73 = tpu.memref_squeeze %dma_start3A_72 : memref<1x128xi32, #tpu.memory_space<vmem>> -> memref<128xi32, #tpu.memory_space<vmem>>
      %dma_start3A_74 = arith.constant 0 : i32
      %dma_start3A_75 = arith.constant 0 : i32
      %dma_start3A_76 = tpu.memref_slice %arg2[%dma_start3A_74, %dma_start3A_75] : memref<10240x128xf32, #tpu.memory_space<hbm>> -> memref<10240x128xf32, #tpu.memory_space<hbm>>
      tpu.enqueue_indirect_dma source(%dma_start3A_76 : memref<10240x128xf32, #tpu.memory_space<hbm>>) target(%arg8 : memref<128x128xf32, #tpu.memory_space<vmem>>) offsets(%dma_start3A_73 : memref<128xi32, #tpu.memory_space<vmem>>) semaphore(%arg12 : memref<!tpu.dma_semaphore, #tpu.memory_space<semaphore_mem>>)
      %dma_start3A_77 = arith.constant 1 : i32
      %dma_start3A_78 = arith.constant 0 : i32
      %dma_start3A_79 = tpu.memref_slice %arg6[%dma_start3A_77, %dma_start3A_78] : memref<16x128xi32, #tpu.memory_space<vmem>> -> memref<1x128xi32, #tpu.memory_space<vmem>>
      %dma_start3A_80 = tpu.memref_squeeze %dma_start3A_79 : memref<1x128xi32, #tpu.memory_space<vmem>> -> memref<128xi32, #tpu.memory_space<vmem>>
      %dma_start3A_81 = arith.constant 0 : i32
      %dma_start3A_82 = arith.constant 0 : i32
      %dma_start3A_83 = tpu.memref_slice %arg2[%dma_start3A_81, %dma_start3A_82] : memref<10240x128xf32, #tpu.memory_space<hbm>> -> memref<10240x128xf32, #tpu.memory_space<hbm>>
      tpu.enqueue_indirect_dma source(%dma_start3A_83 : memref<10240x128xf32, #tpu.memory_space<hbm>>) target(%arg9 : memref<128x128xf32, #tpu.memory_space<vmem>>) offsets(%dma_start3A_80 : memref<128xi32, #tpu.memory_space<vmem>>) semaphore(%arg13 : memref<!tpu.dma_semaphore, #tpu.memory_space<semaphore_mem>>)
      %scan3A_84 = arith.constant 0 : i32
      %scan3A_85 = arith.constant 8 : i32
      %scan3A_86 = arith.addi %scan3A_84, %scan3A_85 : i32
      %scan3A_87 = arith.constant 1 : i32
      scf.for %scan3A_89 = %scan3A_84 to %scan3A_86 step %scan3A_87  : i32 {
        %mul3A_90 = arith.constant 1 : i32
        %mul3A_91 = arith.muli %scan3A_89, %mul3A_90 : i32
        %add3A_92 = arith.constant 0 : i32
        %add3A_93 = arith.addi %add3A_92, %mul3A_91 : i32
        %mul3A_94 = arith.constant 2 : i32
        %mul3A_95 = arith.muli %add3A_93, %mul3A_94 : i32
        %add3A_96 = arith.constant 0 : i32
        %add3A_97 = arith.addi %mul3A_95, %add3A_96 : i32
        %dma_wait3A = arith.constant 0 : i32
        %dma_wait3A_98 = tpu.memref_slice %arg6[%add3A_97, %dma_wait3A] : memref<16x128xi32, #tpu.memory_space<vmem>> -> memref<1x128xi32, #tpu.memory_space<vmem>>
        %dma_wait3A_99 = tpu.memref_squeeze %dma_wait3A_98 : memref<1x128xi32, #tpu.memory_space<vmem>> -> memref<128xi32, #tpu.memory_space<vmem>>
        %dma_wait3A_100 = arith.constant 0 : i32
        %dma_wait3A_101 = arith.constant 0 : i32
        %dma_wait3A_102 = tpu.memref_slice %arg2[%dma_wait3A_100, %dma_wait3A_101] : memref<10240x128xf32, #tpu.memory_space<hbm>> -> memref<10240x128xf32, #tpu.memory_space<hbm>>
        tpu.wait_indirect_dma semaphore(%arg12 : memref<!tpu.dma_semaphore, #tpu.memory_space<semaphore_mem>>) src(%dma_wait3A_102 : memref<10240x128xf32, #tpu.memory_space<hbm>>) dst(%arg8 : memref<128x128xf32, #tpu.memory_space<vmem>>)
        "tpu.region"() ({
          %run_scoped3A = tpu.sem_alloc : memref<!tpu.dma_semaphore, #tpu.memory_space<semaphore_mem>>
          %dma_start3A_122 = arith.constant 0 : i32
          %dma_start3A_123 = tpu.memref_slice %arg7[%add3A_97, %dma_start3A_122] : memref<16x128xi32, #tpu.memory_space<vmem>> -> memref<1x128xi32, #tpu.memory_space<vmem>>
          %dma_start3A_124 = tpu.memref_squeeze %dma_start3A_123 : memref<1x128xi32, #tpu.memory_space<vmem>> -> memref<128xi32, #tpu.memory_space<vmem>>
          %dma_start3A_125 = arith.constant 0 : i32
          %dma_start3A_126 = arith.constant 0 : i32
          %dma_start3A_127 = tpu.memref_slice %arg11[%dma_start3A_125, %dma_start3A_126] : memref<10240x128xf32, #tpu.memory_space<vmem_shared>> -> memref<10240x128xf32, #tpu.memory_space<vmem_shared>>
          tpu.enqueue_indirect_dma source(%arg8 : memref<128x128xf32, #tpu.memory_space<vmem>>) target(%dma_start3A_127 : memref<10240x128xf32, #tpu.memory_space<vmem_shared>>) offsets(%dma_start3A_124 : memref<128xi32, #tpu.memory_space<vmem>>) semaphore(%run_scoped3A : memref<!tpu.dma_semaphore, #tpu.memory_space<semaphore_mem>>) {add = true}
          %dma_wait3A_128 = arith.constant 0 : i32
          %dma_wait3A_129 = tpu.memref_slice %arg7[%add3A_97, %dma_wait3A_128] : memref<16x128xi32, #tpu.memory_space<vmem>> -> memref<1x128xi32, #tpu.memory_space<vmem>>
          %dma_wait3A_130 = tpu.memref_squeeze %dma_wait3A_129 : memref<1x128xi32, #tpu.memory_space<vmem>> -> memref<128xi32, #tpu.memory_space<vmem>>
          %dma_wait3A_131 = arith.constant 0 : i32
          %dma_wait3A_132 = arith.constant 0 : i32
          %dma_wait3A_133 = tpu.memref_slice %arg11[%dma_wait3A_131, %dma_wait3A_132] : memref<10240x128xf32, #tpu.memory_space<vmem_shared>> -> memref<10240x128xf32, #tpu.memory_space<vmem_shared>>
          tpu.wait_indirect_dma semaphore(%run_scoped3A : memref<!tpu.dma_semaphore, #tpu.memory_space<semaphore_mem>>) src(%arg8 : memref<128x128xf32, #tpu.memory_space<vmem>>) dst(%dma_wait3A_133 : memref<10240x128xf32, #tpu.memory_space<vmem_shared>>)
          tpu.yield
        }) : () -> ()
        %add3A_103 = arith.constant 2 : i32
        %add3A_104 = arith.addi %add3A_97, %add3A_103 : i32
        %lt3A = arith.constant 16 : i32
        %lt3A_105 = arith.cmpi slt, %add3A_104, %lt3A : i32
        %convert_element_type3A = arith.extui %lt3A_105 : i1 to i32
        %cond3A = arith.constant 0 : i32
        %cond3A_106 = arith.cmpi ne, %convert_element_type3A, %cond3A : i32
        scf.if %cond3A_106 {
          %add3A_122 = arith.constant 2 : i32
          %add3A_123 = arith.addi %add3A_97, %add3A_122 : i32
          %dma_start3A_124 = arith.constant 0 : i32
          %dma_start3A_125 = tpu.memref_slice %arg6[%add3A_123, %dma_start3A_124] : memref<16x128xi32, #tpu.memory_space<vmem>> -> memref<1x128xi32, #tpu.memory_space<vmem>>
          %dma_start3A_126 = tpu.memref_squeeze %dma_start3A_125 : memref<1x128xi32, #tpu.memory_space<vmem>> -> memref<128xi32, #tpu.memory_space<vmem>>
          %dma_start3A_127 = arith.constant 0 : i32
          %dma_start3A_128 = arith.constant 0 : i32
          %dma_start3A_129 = tpu.memref_slice %arg2[%dma_start3A_127, %dma_start3A_128] : memref<10240x128xf32, #tpu.memory_space<hbm>> -> memref<10240x128xf32, #tpu.memory_space<hbm>>
          tpu.enqueue_indirect_dma source(%dma_start3A_129 : memref<10240x128xf32, #tpu.memory_space<hbm>>) target(%arg8 : memref<128x128xf32, #tpu.memory_space<vmem>>) offsets(%dma_start3A_126 : memref<128xi32, #tpu.memory_space<vmem>>) semaphore(%arg12 : memref<!tpu.dma_semaphore, #tpu.memory_space<semaphore_mem>>)
        } else {
        }
        %add3A_107 = arith.constant 1 : i32
        %add3A_108 = arith.addi %mul3A_95, %add3A_107 : i32
        %dma_wait3A_109 = arith.constant 0 : i32
        %dma_wait3A_110 = tpu.memref_slice %arg6[%add3A_108, %dma_wait3A_109] : memref<16x128xi32, #tpu.memory_space<vmem>> -> memref<1x128xi32, #tpu.memory_space<vmem>>
        %dma_wait3A_111 = tpu.memref_squeeze %dma_wait3A_110 : memref<1x128xi32, #tpu.memory_space<vmem>> -> memref<128xi32, #tpu.memory_space<vmem>>
        %dma_wait3A_112 = arith.constant 0 : i32
        %dma_wait3A_113 = arith.constant 0 : i32
        %dma_wait3A_114 = tpu.memref_slice %arg2[%dma_wait3A_112, %dma_wait3A_113] : memref<10240x128xf32, #tpu.memory_space<hbm>> -> memref<10240x128xf32, #tpu.memory_space<hbm>>
        tpu.wait_indirect_dma semaphore(%arg13 : memref<!tpu.dma_semaphore, #tpu.memory_space<semaphore_mem>>) src(%dma_wait3A_114 : memref<10240x128xf32, #tpu.memory_space<hbm>>) dst(%arg9 : memref<128x128xf32, #tpu.memory_space<vmem>>)
        "tpu.region"() ({
          %run_scoped3A = tpu.sem_alloc : memref<!tpu.dma_semaphore, #tpu.memory_space<semaphore_mem>>
          %dma_start3A_122 = arith.constant 0 : i32
          %dma_start3A_123 = tpu.memref_slice %arg7[%add3A_108, %dma_start3A_122] : memref<16x128xi32, #tpu.memory_space<vmem>> -> memref<1x128xi32, #tpu.memory_space<vmem>>
          %dma_start3A_124 = tpu.memref_squeeze %dma_start3A_123 : memref<1x128xi32, #tpu.memory_space<vmem>> -> memref<128xi32, #tpu.memory_space<vmem>>
          %dma_start3A_125 = arith.constant 0 : i32
          %dma_start3A_126 = arith.constant 0 : i32
          %dma_start3A_127 = tpu.memref_slice %arg11[%dma_start3A_125, %dma_start3A_126] : memref<10240x128xf32, #tpu.memory_space<vmem_shared>> -> memref<10240x128xf32, #tpu.memory_space<vmem_shared>>
          tpu.enqueue_indirect_dma source(%arg9 : memref<128x128xf32, #tpu.memory_space<vmem>>) target(%dma_start3A_127 : memref<10240x128xf32, #tpu.memory_space<vmem_shared>>) offsets(%dma_start3A_124 : memref<128xi32, #tpu.memory_space<vmem>>) semaphore(%run_scoped3A : memref<!tpu.dma_semaphore, #tpu.memory_space<semaphore_mem>>) {add = true}
          %dma_wait3A_128 = arith.constant 0 : i32
          %dma_wait3A_129 = tpu.memref_slice %arg7[%add3A_108, %dma_wait3A_128] : memref<16x128xi32, #tpu.memory_space<vmem>> -> memref<1x128xi32, #tpu.memory_space<vmem>>
          %dma_wait3A_130 = tpu.memref_squeeze %dma_wait3A_129 : memref<1x128xi32, #tpu.memory_space<vmem>> -> memref<128xi32, #tpu.memory_space<vmem>>
          %dma_wait3A_131 = arith.constant 0 : i32
          %dma_wait3A_132 = arith.constant 0 : i32
          %dma_wait3A_133 = tpu.memref_slice %arg11[%dma_wait3A_131, %dma_wait3A_132] : memref<10240x128xf32, #tpu.memory_space<vmem_shared>> -> memref<10240x128xf32, #tpu.memory_space<vmem_shared>>
          tpu.wait_indirect_dma semaphore(%run_scoped3A : memref<!tpu.dma_semaphore, #tpu.memory_space<semaphore_mem>>) src(%arg9 : memref<128x128xf32, #tpu.memory_space<vmem>>) dst(%dma_wait3A_133 : memref<10240x128xf32, #tpu.memory_space<vmem_shared>>)
          tpu.yield
        }) : () -> ()
        %add3A_115 = arith.constant 2 : i32
        %add3A_116 = arith.addi %add3A_108, %add3A_115 : i32
        %lt3A_117 = arith.constant 16 : i32
        %lt3A_118 = arith.cmpi slt, %add3A_116, %lt3A_117 : i32
        %convert_element_type3A_119 = arith.extui %lt3A_118 : i1 to i32
        %cond3A_120 = arith.constant 0 : i32
        %cond3A_121 = arith.cmpi ne, %convert_element_type3A_119, %cond3A_120 : i32
        scf.if %cond3A_121 {
          %add3A_122 = arith.constant 2 : i32
          %add3A_123 = arith.addi %add3A_108, %add3A_122 : i32
          %dma_start3A_124 = arith.constant 0 : i32
          %dma_start3A_125 = tpu.memref_slice %arg6[%add3A_123, %dma_start3A_124] : memref<16x128xi32, #tpu.memory_space<vmem>> -> memref<1x128xi32, #tpu.memory_space<vmem>>
          %dma_start3A_126 = tpu.memref_squeeze %dma_start3A_125 : memref<1x128xi32, #tpu.memory_space<vmem>> -> memref<128xi32, #tpu.memory_space<vmem>>
          %dma_start3A_127 = arith.constant 0 : i32
          %dma_start3A_128 = arith.constant 0 : i32
          %dma_start3A_129 = tpu.memref_slice %arg2[%dma_start3A_127, %dma_start3A_128] : memref<10240x128xf32, #tpu.memory_space<hbm>> -> memref<10240x128xf32, #tpu.memory_space<hbm>>
          tpu.enqueue_indirect_dma source(%dma_start3A_129 : memref<10240x128xf32, #tpu.memory_space<hbm>>) target(%arg9 : memref<128x128xf32, #tpu.memory_space<vmem>>) offsets(%dma_start3A_126 : memref<128xi32, #tpu.memory_space<vmem>>) semaphore(%arg13 : memref<!tpu.dma_semaphore, #tpu.memory_space<semaphore_mem>>)
        } else {
        }
      }
      %scan3A_88 = arith.constant 8 : i32
    }
    %while3A_60 = arith.constant 1 : i32
    scf.for %while3A_62 = %while3A_58 to %while3A_54 step %while3A_60  : i32 {
      %mul3A_63 = arith.muli %while3A_62, %while3A : i32
      %add3A_64 = arith.addi %while3A_51, %mul3A_63 : i32
      %mul3A_65 = arith.constant 16 : i32
      %mul3A_66 = arith.muli %add3A_64, %mul3A_65 : i32
      %add3A_67 = arith.addi %add3A_9, %mul3A_66 : i32
      "tpu.region"() ({
        %run_scoped3A = tpu.sem_alloc : memref<!tpu.dma_semaphore, #tpu.memory_space<semaphore_mem>>
        %dma_start3A_89 = arith.constant 0 : i32
        %dma_start3A_90 = tpu.memref_slice %arg3[%add3A_67, %dma_start3A_89] : memref<2560x128xi32, #tpu.memory_space<hbm>> -> memref<16x128xi32, #tpu.memory_space<hbm>>
        %dma_start3A_91 = arith.constant 0 : i32
        %dma_start3A_92 = tpu.memref_slice %arg3[%add3A_67, %dma_start3A_91] : memref<2560x128xi32, #tpu.memory_space<hbm>> -> memref<16x128xi32, #tpu.memory_space<hbm>>
        tpu.enqueue_dma source(%dma_start3A_92 : memref<16x128xi32, #tpu.memory_space<hbm>>) target(%arg6 : memref<16x128xi32, #tpu.memory_space<vmem>>) target_semaphore(%run_scoped3A : memref<!tpu.dma_semaphore, #tpu.memory_space<semaphore_mem>>)
        %dma_wait3A = arith.constant 0 : i32
        %dma_wait3A_93 = tpu.memref_slice %arg3[%add3A_67, %dma_wait3A] : memref<2560x128xi32, #tpu.memory_space<hbm>> -> memref<16x128xi32, #tpu.memory_space<hbm>>
        %dma_wait3A_94 = arith.constant 0 : i32
        %dma_wait3A_95 = tpu.memref_slice %arg3[%add3A_67, %dma_wait3A_94] : memref<2560x128xi32, #tpu.memory_space<hbm>> -> memref<16x128xi32, #tpu.memory_space<hbm>>
        tpu.wait_dma2 semaphore(%run_scoped3A : memref<!tpu.dma_semaphore, #tpu.memory_space<semaphore_mem>>) src(%dma_wait3A_95 : memref<16x128xi32, #tpu.memory_space<hbm>>) dst(%arg6 : memref<16x128xi32, #tpu.memory_space<vmem>>)
        tpu.yield
      }) : () -> ()
      %mul3A_68 = arith.constant 16 : i32
      %mul3A_69 = arith.muli %add3A_64, %mul3A_68 : i32
      %add3A_70 = arith.addi %add3A_9, %mul3A_69 : i32
      "tpu.region"() ({
        %run_scoped3A = tpu.sem_alloc : memref<!tpu.dma_semaphore, #tpu.memory_space<semaphore_mem>>
        %dma_start3A_89 = arith.constant 0 : i32
        %dma_start3A_90 = tpu.memref_slice %arg4[%add3A_70, %dma_start3A_89] : memref<2560x128xi32, #tpu.memory_space<hbm>> -> memref<16x128xi32, #tpu.memory_space<hbm>>
        %dma_start3A_91 = arith.constant 0 : i32
        %dma_start3A_92 = tpu.memref_slice %arg4[%add3A_70, %dma_start3A_91] : memref<2560x128xi32, #tpu.memory_space<hbm>> -> memref<16x128xi32, #tpu.memory_space<hbm>>
        tpu.enqueue_dma source(%dma_start3A_92 : memref<16x128xi32, #tpu.memory_space<hbm>>) target(%arg7 : memref<16x128xi32, #tpu.memory_space<vmem>>) target_semaphore(%run_scoped3A : memref<!tpu.dma_semaphore, #tpu.memory_space<semaphore_mem>>)
        %dma_wait3A = arith.constant 0 : i32
        %dma_wait3A_93 = tpu.memref_slice %arg4[%add3A_70, %dma_wait3A] : memref<2560x128xi32, #tpu.memory_space<hbm>> -> memref<16x128xi32, #tpu.memory_space<hbm>>
        %dma_wait3A_94 = arith.constant 0 : i32
        %dma_wait3A_95 = tpu.memref_slice %arg4[%add3A_70, %dma_wait3A_94] : memref<2560x128xi32, #tpu.memory_space<hbm>> -> memref<16x128xi32, #tpu.memory_space<hbm>>
        tpu.wait_dma2 semaphore(%run_scoped3A : memref<!tpu.dma_semaphore, #tpu.memory_space<semaphore_mem>>) src(%dma_wait3A_95 : memref<16x128xi32, #tpu.memory_space<hbm>>) dst(%arg7 : memref<16x128xi32, #tpu.memory_space<vmem>>)
        tpu.yield
      }) : () -> ()
      %dma_start3A = arith.constant 0 : i32
      %dma_start3A_71 = arith.constant 0 : i32
      %dma_start3A_72 = tpu.memref_slice %arg6[%dma_start3A, %dma_start3A_71] : memref<16x128xi32, #tpu.memory_space<vmem>> -> memref<1x128xi32, #tpu.memory_space<vmem>>
      %dma_start3A_73 = tpu.memref_squeeze %dma_start3A_72 : memref<1x128xi32, #tpu.memory_space<vmem>> -> memref<128xi32, #tpu.memory_space<vmem>>
      %dma_start3A_74 = arith.constant 0 : i32
      %dma_start3A_75 = arith.constant 0 : i32
      %dma_start3A_76 = tpu.memref_slice %arg2[%dma_start3A_74, %dma_start3A_75] : memref<10240x128xf32, #tpu.memory_space<hbm>> -> memref<10240x128xf32, #tpu.memory_space<hbm>>
      tpu.enqueue_indirect_dma source(%dma_start3A_76 : memref<10240x128xf32, #tpu.memory_space<hbm>>) target(%arg8 : memref<128x128xf32, #tpu.memory_space<vmem>>) offsets(%dma_start3A_73 : memref<128xi32, #tpu.memory_space<vmem>>) semaphore(%arg12 : memref<!tpu.dma_semaphore, #tpu.memory_space<semaphore_mem>>)
      %dma_start3A_77 = arith.constant 1 : i32
      %dma_start3A_78 = arith.constant 0 : i32
      %dma_start3A_79 = tpu.memref_slice %arg6[%dma_start3A_77, %dma_start3A_78] : memref<16x128xi32, #tpu.memory_space<vmem>> -> memref<1x128xi32, #tpu.memory_space<vmem>>
      %dma_start3A_80 = tpu.memref_squeeze %dma_start3A_79 : memref<1x128xi32, #tpu.memory_space<vmem>> -> memref<128xi32, #tpu.memory_space<vmem>>
      %dma_start3A_81 = arith.constant 0 : i32
      %dma_start3A_82 = arith.constant 0 : i32
      %dma_start3A_83 = tpu.memref_slice %arg2[%dma_start3A_81, %dma_start3A_82] : memref<10240x128xf32, #tpu.memory_space<hbm>> -> memref<10240x128xf32, #tpu.memory_space<hbm>>
      tpu.enqueue_indirect_dma source(%dma_start3A_83 : memref<10240x128xf32, #tpu.memory_space<hbm>>) target(%arg9 : memref<128x128xf32, #tpu.memory_space<vmem>>) offsets(%dma_start3A_80 : memref<128xi32, #tpu.memory_space<vmem>>) semaphore(%arg13 : memref<!tpu.dma_semaphore, #tpu.memory_space<semaphore_mem>>)
      %scan3A_84 = arith.constant 0 : i32
      %scan3A_85 = arith.constant 8 : i32
      %scan3A_86 = arith.addi %scan3A_84, %scan3A_85 : i32
      %scan3A_87 = arith.constant 1 : i32
      scf.for %scan3A_89 = %scan3A_84 to %scan3A_86 step %scan3A_87  : i32 {
        %mul3A_90 = arith.constant 1 : i32
        %mul3A_91 = arith.muli %scan3A_89, %mul3A_90 : i32
        %add3A_92 = arith.constant 0 : i32
        %add3A_93 = arith.addi %add3A_92, %mul3A_91 : i32
        %mul3A_94 = arith.constant 2 : i32
        %mul3A_95 = arith.muli %add3A_93, %mul3A_94 : i32
        %add3A_96 = arith.constant 0 : i32
        %add3A_97 = arith.addi %mul3A_95, %add3A_96 : i32
        %dma_wait3A = arith.constant 0 : i32
        %dma_wait3A_98 = tpu.memref_slice %arg6[%add3A_97, %dma_wait3A] : memref<16x128xi32, #tpu.memory_space<vmem>> -> memref<1x128xi32, #tpu.memory_space<vmem>>
        %dma_wait3A_99 = tpu.memref_squeeze %dma_wait3A_98 : memref<1x128xi32, #tpu.memory_space<vmem>> -> memref<128xi32, #tpu.memory_space<vmem>>
        %dma_wait3A_100 = arith.constant 0 : i32
        %dma_wait3A_101 = arith.constant 0 : i32
        %dma_wait3A_102 = tpu.memref_slice %arg2[%dma_wait3A_100, %dma_wait3A_101] : memref<10240x128xf32, #tpu.memory_space<hbm>> -> memref<10240x128xf32, #tpu.memory_space<hbm>>
        tpu.wait_indirect_dma semaphore(%arg12 : memref<!tpu.dma_semaphore, #tpu.memory_space<semaphore_mem>>) src(%dma_wait3A_102 : memref<10240x128xf32, #tpu.memory_space<hbm>>) dst(%arg8 : memref<128x128xf32, #tpu.memory_space<vmem>>)
        "tpu.region"() ({
          %run_scoped3A = tpu.sem_alloc : memref<!tpu.dma_semaphore, #tpu.memory_space<semaphore_mem>>
          %dma_start3A_122 = arith.constant 0 : i32
          %dma_start3A_123 = tpu.memref_slice %arg7[%add3A_97, %dma_start3A_122] : memref<16x128xi32, #tpu.memory_space<vmem>> -> memref<1x128xi32, #tpu.memory_space<vmem>>
          %dma_start3A_124 = tpu.memref_squeeze %dma_start3A_123 : memref<1x128xi32, #tpu.memory_space<vmem>> -> memref<128xi32, #tpu.memory_space<vmem>>
          %dma_start3A_125 = arith.constant 0 : i32
          %dma_start3A_126 = arith.constant 0 : i32
          %dma_start3A_127 = tpu.memref_slice %arg11[%dma_start3A_125, %dma_start3A_126] : memref<10240x128xf32, #tpu.memory_space<vmem_shared>> -> memref<10240x128xf32, #tpu.memory_space<vmem_shared>>
          tpu.enqueue_indirect_dma source(%arg8 : memref<128x128xf32, #tpu.memory_space<vmem>>) target(%dma_start3A_127 : memref<10240x128xf32, #tpu.memory_space<vmem_shared>>) offsets(%dma_start3A_124 : memref<128xi32, #tpu.memory_space<vmem>>) semaphore(%run_scoped3A : memref<!tpu.dma_semaphore, #tpu.memory_space<semaphore_mem>>) {add = true}
          %dma_wait3A_128 = arith.constant 0 : i32
          %dma_wait3A_129 = tpu.memref_slice %arg7[%add3A_97, %dma_wait3A_128] : memref<16x128xi32, #tpu.memory_space<vmem>> -> memref<1x128xi32, #tpu.memory_space<vmem>>
          %dma_wait3A_130 = tpu.memref_squeeze %dma_wait3A_129 : memref<1x128xi32, #tpu.memory_space<vmem>> -> memref<128xi32, #tpu.memory_space<vmem>>
          %dma_wait3A_131 = arith.constant 0 : i32
          %dma_wait3A_132 = arith.constant 0 : i32
          %dma_wait3A_133 = tpu.memref_slice %arg11[%dma_wait3A_131, %dma_wait3A_132] : memref<10240x128xf32, #tpu.memory_space<vmem_shared>> -> memref<10240x128xf32, #tpu.memory_space<vmem_shared>>
          tpu.wait_indirect_dma semaphore(%run_scoped3A : memref<!tpu.dma_semaphore, #tpu.memory_space<semaphore_mem>>) src(%arg8 : memref<128x128xf32, #tpu.memory_space<vmem>>) dst(%dma_wait3A_133 : memref<10240x128xf32, #tpu.memory_space<vmem_shared>>)
          tpu.yield
        }) : () -> ()
        %add3A_103 = arith.constant 2 : i32
        %add3A_104 = arith.addi %add3A_97, %add3A_103 : i32
        %lt3A = arith.constant 16 : i32
        %lt3A_105 = arith.cmpi slt, %add3A_104, %lt3A : i32
        %convert_element_type3A = arith.extui %lt3A_105 : i1 to i32
        %cond3A = arith.constant 0 : i32
        %cond3A_106 = arith.cmpi ne, %convert_element_type3A, %cond3A : i32
        scf.if %cond3A_106 {
          %add3A_122 = arith.constant 2 : i32
          %add3A_123 = arith.addi %add3A_97, %add3A_122 : i32
          %dma_start3A_124 = arith.constant 0 : i32
          %dma_start3A_125 = tpu.memref_slice %arg6[%add3A_123, %dma_start3A_124] : memref<16x128xi32, #tpu.memory_space<vmem>> -> memref<1x128xi32, #tpu.memory_space<vmem>>
          %dma_start3A_126 = tpu.memref_squeeze %dma_start3A_125 : memref<1x128xi32, #tpu.memory_space<vmem>> -> memref<128xi32, #tpu.memory_space<vmem>>
          %dma_start3A_127 = arith.constant 0 : i32
          %dma_start3A_128 = arith.constant 0 : i32
          %dma_start3A_129 = tpu.memref_slice %arg2[%dma_start3A_127, %dma_start3A_128] : memref<10240x128xf32, #tpu.memory_space<hbm>> -> memref<10240x128xf32, #tpu.memory_space<hbm>>
          tpu.enqueue_indirect_dma source(%dma_start3A_129 : memref<10240x128xf32, #tpu.memory_space<hbm>>) target(%arg8 : memref<128x128xf32, #tpu.memory_space<vmem>>) offsets(%dma_start3A_126 : memref<128xi32, #tpu.memory_space<vmem>>) semaphore(%arg12 : memref<!tpu.dma_semaphore, #tpu.memory_space<semaphore_mem>>)
        } else {
        }
        %add3A_107 = arith.constant 1 : i32
        %add3A_108 = arith.addi %mul3A_95, %add3A_107 : i32
        %dma_wait3A_109 = arith.constant 0 : i32
        %dma_wait3A_110 = tpu.memref_slice %arg6[%add3A_108, %dma_wait3A_109] : memref<16x128xi32, #tpu.memory_space<vmem>> -> memref<1x128xi32, #tpu.memory_space<vmem>>
        %dma_wait3A_111 = tpu.memref_squeeze %dma_wait3A_110 : memref<1x128xi32, #tpu.memory_space<vmem>> -> memref<128xi32, #tpu.memory_space<vmem>>
        %dma_wait3A_112 = arith.constant 0 : i32
        %dma_wait3A_113 = arith.constant 0 : i32
        %dma_wait3A_114 = tpu.memref_slice %arg2[%dma_wait3A_112, %dma_wait3A_113] : memref<10240x128xf32, #tpu.memory_space<hbm>> -> memref<10240x128xf32, #tpu.memory_space<hbm>>
        tpu.wait_indirect_dma semaphore(%arg13 : memref<!tpu.dma_semaphore, #tpu.memory_space<semaphore_mem>>) src(%dma_wait3A_114 : memref<10240x128xf32, #tpu.memory_space<hbm>>) dst(%arg9 : memref<128x128xf32, #tpu.memory_space<vmem>>)
        "tpu.region"() ({
          %run_scoped3A = tpu.sem_alloc : memref<!tpu.dma_semaphore, #tpu.memory_space<semaphore_mem>>
          %dma_start3A_122 = arith.constant 0 : i32
          %dma_start3A_123 = tpu.memref_slice %arg7[%add3A_108, %dma_start3A_122] : memref<16x128xi32, #tpu.memory_space<vmem>> -> memref<1x128xi32, #tpu.memory_space<vmem>>
          %dma_start3A_124 = tpu.memref_squeeze %dma_start3A_123 : memref<1x128xi32, #tpu.memory_space<vmem>> -> memref<128xi32, #tpu.memory_space<vmem>>
          %dma_start3A_125 = arith.constant 0 : i32
          %dma_start3A_126 = arith.constant 0 : i32
          %dma_start3A_127 = tpu.memref_slice %arg11[%dma_start3A_125, %dma_start3A_126] : memref<10240x128xf32, #tpu.memory_space<vmem_shared>> -> memref<10240x128xf32, #tpu.memory_space<vmem_shared>>
          tpu.enqueue_indirect_dma source(%arg9 : memref<128x128xf32, #tpu.memory_space<vmem>>) target(%dma_start3A_127 : memref<10240x128xf32, #tpu.memory_space<vmem_shared>>) offsets(%dma_start3A_124 : memref<128xi32, #tpu.memory_space<vmem>>) semaphore(%run_scoped3A : memref<!tpu.dma_semaphore, #tpu.memory_space<semaphore_mem>>) {add = true}
          %dma_wait3A_128 = arith.constant 0 : i32
          %dma_wait3A_129 = tpu.memref_slice %arg7[%add3A_108, %dma_wait3A_128] : memref<16x128xi32, #tpu.memory_space<vmem>> -> memref<1x128xi32, #tpu.memory_space<vmem>>
          %dma_wait3A_130 = tpu.memref_squeeze %dma_wait3A_129 : memref<1x128xi32, #tpu.memory_space<vmem>> -> memref<128xi32, #tpu.memory_space<vmem>>
          %dma_wait3A_131 = arith.constant 0 : i32
          %dma_wait3A_132 = arith.constant 0 : i32
          %dma_wait3A_133 = tpu.memref_slice %arg11[%dma_wait3A_131, %dma_wait3A_132] : memref<10240x128xf32, #tpu.memory_space<vmem_shared>> -> memref<10240x128xf32, #tpu.memory_space<vmem_shared>>
          tpu.wait_indirect_dma semaphore(%run_scoped3A : memref<!tpu.dma_semaphore, #tpu.memory_space<semaphore_mem>>) src(%arg9 : memref<128x128xf32, #tpu.memory_space<vmem>>) dst(%dma_wait3A_133 : memref<10240x128xf32, #tpu.memory_space<vmem_shared>>)
          tpu.yield
        }) : () -> ()
        %add3A_115 = arith.constant 2 : i32
        %add3A_116 = arith.addi %add3A_108, %add3A_115 : i32
        %lt3A_117 = arith.constant 16 : i32
        %lt3A_118 = arith.cmpi slt, %add3A_116, %lt3A_117 : i32
        %convert_element_type3A_119 = arith.extui %lt3A_118 : i1 to i32
        %cond3A_120 = arith.constant 0 : i32
        %cond3A_121 = arith.cmpi ne, %convert_element_type3A_119, %cond3A_120 : i32
        scf.if %cond3A_121 {
          %add3A_122 = arith.constant 2 : i32
          %add3A_123 = arith.addi %add3A_108, %add3A_122 : i32
          %dma_start3A_124 = arith.constant 0 : i32
          %dma_start3A_125 = tpu.memref_slice %arg6[%add3A_123, %dma_start3A_124] : memref<16x128xi32, #tpu.memory_space<vmem>> -> memref<1x128xi32, #tpu.memory_space<vmem>>
          %dma_start3A_126 = tpu.memref_squeeze %dma_start3A_125 : memref<1x128xi32, #tpu.memory_space<vmem>> -> memref<128xi32, #tpu.memory_space<vmem>>
          %dma_start3A_127 = arith.constant 0 : i32
          %dma_start3A_128 = arith.constant 0 : i32
          %dma_start3A_129 = tpu.memref_slice %arg2[%dma_start3A_127, %dma_start3A_128] : memref<10240x128xf32, #tpu.memory_space<hbm>> -> memref<10240x128xf32, #tpu.memory_space<hbm>>
          tpu.enqueue_indirect_dma source(%dma_start3A_129 : memref<10240x128xf32, #tpu.memory_space<hbm>>) target(%arg9 : memref<128x128xf32, #tpu.memory_space<vmem>>) offsets(%dma_start3A_126 : memref<128xi32, #tpu.memory_space<vmem>>) semaphore(%arg13 : memref<!tpu.dma_semaphore, #tpu.memory_space<semaphore_mem>>)
        } else {
        }
      }
      %scan3A_88 = arith.constant 8 : i32
    }
    %barrier3A_61 = arith.constant 0 : index
    tpu.barrier barrier_id(%barrier3A_61)
    "tpu.region"() ({
      %run_scoped3A = tpu.sem_alloc : memref<!tpu.dma_semaphore, #tpu.memory_space<semaphore_mem>>
      %dma_start3A = arith.constant 0 : i32
      %dma_start3A_62 = tpu.memref_slice %arg5[%arg0, %mul3A_0, %dma_start3A] : memref<2x10240x128xf32, #tpu.memory_space<hbm>> -> memref<1x640x128xf32, #tpu.memory_space<hbm>>
      %dma_start3A_63 = tpu.memref_squeeze %dma_start3A_62 : memref<1x640x128xf32, #tpu.memory_space<hbm>> -> memref<640x128xf32, #tpu.memory_space<hbm>>
      %dma_start3A_64 = arith.constant 0 : i32
      %dma_start3A_65 = tpu.memref_slice %arg11[%mul3A_0, %dma_start3A_64] : memref<10240x128xf32, #tpu.memory_space<vmem_shared>> -> memref<640x128xf32, #tpu.memory_space<vmem_shared>>
      tpu.enqueue_dma source(%dma_start3A_65 : memref<640x128xf32, #tpu.memory_space<vmem_shared>>) target(%dma_start3A_63 : memref<640x128xf32, #tpu.memory_space<hbm>>) target_semaphore(%run_scoped3A : memref<!tpu.dma_semaphore, #tpu.memory_space<semaphore_mem>>)
      %dma_wait3A = arith.constant 0 : i32
      %dma_wait3A_66 = tpu.memref_slice %arg5[%arg0, %mul3A_0, %dma_wait3A] : memref<2x10240x128xf32, #tpu.memory_space<hbm>> -> memref<1x640x128xf32, #tpu.memory_space<hbm>>
      %dma_wait3A_67 = tpu.memref_squeeze %dma_wait3A_66 : memref<1x640x128xf32, #tpu.memory_space<hbm>> -> memref<640x128xf32, #tpu.memory_space<hbm>>
      %dma_wait3A_68 = arith.constant 0 : i32
      %dma_wait3A_69 = tpu.memref_slice %arg11[%mul3A_0, %dma_wait3A_68] : memref<10240x128xf32, #tpu.memory_space<vmem_shared>> -> memref<640x128xf32, #tpu.memory_space<vmem_shared>>
      tpu.wait_dma2 semaphore(%run_scoped3A : memref<!tpu.dma_semaphore, #tpu.memory_space<semaphore_mem>>) src(%dma_wait3A_69 : memref<640x128xf32, #tpu.memory_space<vmem_shared>>) dst(%dma_wait3A_67 : memref<640x128xf32, #tpu.memory_space<hbm>>)
      tpu.yield
    }) : () -> ()
    return
  }
}

module attributes {stable_mosaic.version = 14 : i64} {
  func.func @body(%arg0: memref<2x10240x16xf32, #tpu.memory_space<vmem>>, %arg1: memref<10000x1xf32, #tpu.memory_space<vmem>>) attributes {dimension_semantics = [], scalar_prefetch = 0 : i64, scratch_operands = 0 : i64, tpu.core_type = #tpu.core_type<tc>} {
    %get3A = arith.constant 0 : index
    %get3A_0 = arith.constant 0 : index
    %get3A_1 = arith.constant 0 : index
    %get3A_2 = vector.load %arg0[%get3A, %get3A_0, %get3A_1] : memref<2x10240x16xf32, #tpu.memory_space<vmem>>, vector<1x10000x1xf32>
    %get3A_3 = vector.shape_cast %get3A_2 : vector<1x10000x1xf32> to vector<10000x1xf32>
    %add3A = arith.constant 1.000000e+00 : f32
    %add3A_4 = vector.broadcast %add3A : f32 to vector<10000x1xf32>
    %add3A_5 = arith.addf %add3A_4, %get3A_3 : vector<10000x1xf32>
    %get3A_6 = arith.constant 1 : index
    %get3A_7 = arith.constant 0 : index
    %get3A_8 = arith.constant 0 : index
    %get3A_9 = vector.load %arg0[%get3A_6, %get3A_7, %get3A_8] : memref<2x10240x16xf32, #tpu.memory_space<vmem>>, vector<1x10000x1xf32>
    %get3A_10 = vector.shape_cast %get3A_9 : vector<1x10000x1xf32> to vector<10000x1xf32>
    %add3A_11 = arith.addf %add3A_5, %get3A_10 : vector<10000x1xf32>
    %rsqrt3A = math.rsqrt %add3A_11 : vector<10000x1xf32>
    %swap3A = arith.constant 0 : index
    %swap3A_12 = arith.constant 0 : index
    %swap3A_13 = vector.load %arg1[%swap3A, %swap3A_12] : memref<10000x1xf32, #tpu.memory_space<vmem>>, vector<10000x1xf32>
    tpu.vector_store %arg1[%swap3A, %swap3A_12], %rsqrt3A {strides = array<i32>} : memref<10000x1xf32, #tpu.memory_space<vmem>>, vector<10000x1xf32>,
    return
  }
}

module attributes {stable_mosaic.version = 14 : i64} {
  func.func @body(%arg0: memref<10000x128xf32, #tpu.memory_space<vmem>>, %arg1: memref<128x128xf32, #tpu.memory_space<vmem>>, %arg2: memref<1x128xf32, #tpu.memory_space<vmem>>, %arg3: memref<1x128xf32, #tpu.memory_space<vmem>>, %arg4: memref<1x128xf32, #tpu.memory_space<vmem>>, %arg5: memref<10000x128xf32, #tpu.memory_space<vmem>>) attributes {dimension_semantics = [], scalar_prefetch = 0 : i64, scratch_operands = 0 : i64, tpu.core_type = #tpu.core_type<tc>} {
    %get3A = arith.constant 0 : index
    %get3A_0 = arith.constant 0 : index
    %get3A_1 = vector.load %arg0[%get3A, %get3A_0] : memref<10000x128xf32, #tpu.memory_space<vmem>>, vector<10000x128xf32>
    %get3A_2 = arith.constant 0 : index
    %get3A_3 = arith.constant 0 : index
    %get3A_4 = vector.load %arg1[%get3A_2, %get3A_3] : memref<128x128xf32, #tpu.memory_space<vmem>>, vector<128x128xf32>
    %dot_general3A = arith.constant dense<0.000000e+00> : vector<10000x128xf32>
    %dot_general3A_5 = tpu.matmul %get3A_1, %get3A_4, %dot_general3A {dimension_numbers = #tpu.dot_dimension_numbers<[1], [0], [0], [1], [0, 0, 1, 1], [], []>, transpose_lhs_hint = false} : vector<10000x128xf32>, vector<128x128xf32>, vector<10000x128xf32> -> vector<10000x128xf32>
    %get3A_6 = arith.constant 0 : index
    %get3A_7 = arith.constant 0 : index
    %get3A_8 = vector.load %arg2[%get3A_6, %get3A_7] : memref<1x128xf32, #tpu.memory_space<vmem>>, vector<1x128xf32>
    %add3A = vector.broadcast %get3A_8 : vector<1x128xf32> to vector<10000x128xf32>
    %add3A_9 = arith.addf %dot_general3A_5, %add3A : vector<10000x128xf32>
    %reduce_sum3A = arith.constant dense<0.000000e+00> : vector<128xf32>
    %reduce_sum3A_10 = vector.multi_reduction <add>, %add3A_9, %reduce_sum3A [0] : vector<10000x128xf32> to vector<128xf32>
    %broadcast_in_dim3A = vector.shape_cast %reduce_sum3A_10 : vector<128xf32> to vector<1x128xf32>
    %div3A = arith.constant 1.000000e+04 : f32
    %div3A_11 = vector.broadcast %div3A : f32 to vector<1x128xf32>
    %div3A_12 = arith.divf %broadcast_in_dim3A, %div3A_11 : vector<1x128xf32>
    %sub3A = vector.broadcast %div3A_12 : vector<1x128xf32> to vector<10000x128xf32>
    %sub3A_13 = arith.subf %add3A_9, %sub3A : vector<10000x128xf32>
    %sub3A_14 = vector.broadcast %div3A_12 : vector<1x128xf32> to vector<10000x128xf32>
    %sub3A_15 = arith.subf %add3A_9, %sub3A_14 : vector<10000x128xf32>
    %mul3A = arith.mulf %sub3A_13, %sub3A_15 : vector<10000x128xf32>
    %reduce_sum3A_16 = arith.constant dense<0.000000e+00> : vector<128xf32>
    %reduce_sum3A_17 = vector.multi_reduction <add>, %mul3A, %reduce_sum3A_16 [0] : vector<10000x128xf32> to vector<128xf32>
    %broadcast_in_dim3A_18 = vector.shape_cast %reduce_sum3A_17 : vector<128xf32> to vector<1x128xf32>
    %div3A_19 = arith.constant 1.000000e+04 : f32
    %div3A_20 = vector.broadcast %div3A_19 : f32 to vector<1x128xf32>
    %div3A_21 = arith.divf %broadcast_in_dim3A_18, %div3A_20 : vector<1x128xf32>
    %sub3A_22 = vector.broadcast %div3A_12 : vector<1x128xf32> to vector<10000x128xf32>
    %sub3A_23 = arith.subf %add3A_9, %sub3A_22 : vector<10000x128xf32>
    %add3A_24 = arith.constant 9.99999974E-6 : f32
    %add3A_25 = vector.broadcast %add3A_24 : f32 to vector<1x128xf32>
    %add3A_26 = arith.addf %div3A_21, %add3A_25 : vector<1x128xf32>
    %rsqrt3A = math.rsqrt %add3A_26 : vector<1x128xf32>
    %mul3A_27 = vector.broadcast %rsqrt3A : vector<1x128xf32> to vector<10000x128xf32>
    %mul3A_28 = arith.mulf %sub3A_23, %mul3A_27 : vector<10000x128xf32>
    %get3A_29 = arith.constant 0 : index
    %get3A_30 = arith.constant 0 : index
    %get3A_31 = vector.load %arg3[%get3A_29, %get3A_30] : memref<1x128xf32, #tpu.memory_space<vmem>>, vector<1x128xf32>
    %mul3A_32 = vector.broadcast %get3A_31 : vector<1x128xf32> to vector<10000x128xf32>
    %mul3A_33 = arith.mulf %mul3A_28, %mul3A_32 : vector<10000x128xf32>
    %get3A_34 = arith.constant 0 : index
    %get3A_35 = arith.constant 0 : index
    %get3A_36 = vector.load %arg4[%get3A_34, %get3A_35] : memref<1x128xf32, #tpu.memory_space<vmem>>, vector<1x128xf32>
    %add3A_37 = vector.broadcast %get3A_36 : vector<1x128xf32> to vector<10000x128xf32>
    %add3A_38 = arith.addf %mul3A_33, %add3A_37 : vector<10000x128xf32>
    %max3A = arith.constant 0.000000e+00 : f32
    %max3A_39 = vector.broadcast %max3A : f32 to vector<10000x128xf32>
    %max3A_40 = arith.maximumf %add3A_38, %max3A_39 : vector<10000x128xf32>
    %swap3A = arith.constant 0 : index
    %swap3A_41 = arith.constant 0 : index
    %swap3A_42 = vector.load %arg5[%swap3A, %swap3A_41] : memref<10000x128xf32, #tpu.memory_space<vmem>>, vector<10000x128xf32>
    tpu.vector_store %arg5[%swap3A, %swap3A_41], %max3A_40 {strides = array<i32>} : memref<10000x128xf32, #tpu.memory_space<vmem>>, vector<10000x128xf32>,
    return
  }
}

module attributes {stable_mosaic.version = 14 : i64} {
  func.func @body(%arg0: memref<10000x128xf32, #tpu.memory_space<vmem>>, %arg1: memref<128x128xf32, #tpu.memory_space<vmem>>, %arg2: memref<10000x1xf32, #tpu.memory_space<vmem>>, %arg3: memref<10240x128xf32, #tpu.memory_space<vmem>>) attributes {dimension_semantics = [], scalar_prefetch = 0 : i64, scratch_operands = 0 : i64, tpu.core_type = #tpu.core_type<tc>} {
    %get3A = arith.constant 0 : index
    %get3A_0 = arith.constant 0 : index
    %get3A_1 = vector.load %arg0[%get3A, %get3A_0] : memref<10000x128xf32, #tpu.memory_space<vmem>>, vector<10000x128xf32>
    %get3A_2 = arith.constant 0 : index
    %get3A_3 = arith.constant 0 : index
    %get3A_4 = vector.load %arg1[%get3A_2, %get3A_3] : memref<128x128xf32, #tpu.memory_space<vmem>>, vector<128x128xf32>
    %dot_general3A = arith.constant dense<0.000000e+00> : vector<10000x128xf32>
    %dot_general3A_5 = tpu.matmul %get3A_1, %get3A_4, %dot_general3A {dimension_numbers = #tpu.dot_dimension_numbers<[1], [0], [0], [1], [0, 0, 1, 1], [], []>, transpose_lhs_hint = false} : vector<10000x128xf32>, vector<128x128xf32>, vector<10000x128xf32> -> vector<10000x128xf32>
    %get3A_6 = arith.constant 0 : index
    %get3A_7 = arith.constant 0 : index
    %get3A_8 = vector.load %arg2[%get3A_6, %get3A_7] : memref<10000x1xf32, #tpu.memory_space<vmem>>, vector<10000x1xf32>
    %mul3A = vector.broadcast %get3A_8 : vector<10000x1xf32> to vector<10000x128xf32>
    %mul3A_9 = arith.mulf %dot_general3A_5, %mul3A : vector<10000x128xf32>
    %swap3A = arith.constant 0 : index
    %swap3A_10 = arith.constant 0 : index
    %swap3A_11 = vector.load %arg3[%swap3A, %swap3A_10] : memref<10240x128xf32, #tpu.memory_space<vmem>>, vector<10000x128xf32>
    tpu.vector_store %arg3[%swap3A, %swap3A_10], %mul3A_9 {strides = array<i32>} : memref<10240x128xf32, #tpu.memory_space<vmem>>, vector<10000x128xf32>,
    %broadcast_in_dim3A = arith.constant 0.000000e+00 : f32
    %broadcast_in_dim3A_12 = vector.broadcast %broadcast_in_dim3A : f32 to vector<240x128xf32>
    %swap3A_13 = arith.constant 10000 : index
    %swap3A_14 = arith.constant 0 : index
    %swap3A_15 = vector.load %arg3[%swap3A_13, %swap3A_14] : memref<10240x128xf32, #tpu.memory_space<vmem>>, vector<240x128xf32>
    tpu.vector_store %arg3[%swap3A_13, %swap3A_14], %broadcast_in_dim3A_12 {strides = array<i32>} : memref<10240x128xf32, #tpu.memory_space<vmem>>, vector<240x128xf32>,
    return
  }
}

module attributes {stable_mosaic.version = 14 : i64} {
  func.func @body(%arg0: memref<2x10240x128xf32, #tpu.memory_space<vmem>>, %arg1: memref<10240x128xf32, #tpu.memory_space<vmem>>, %arg2: memref<1x128xf32, #tpu.memory_space<vmem>>, %arg3: memref<10000x1xf32, #tpu.memory_space<vmem>>, %arg4: memref<128x128xf32, #tpu.memory_space<vmem>>, %arg5: memref<10240x128xf32, #tpu.memory_space<vmem>>) attributes {dimension_semantics = [], scalar_prefetch = 0 : i64, scratch_operands = 0 : i64, tpu.core_type = #tpu.core_type<tc>} {
    %get3A = arith.constant 0 : index
    %get3A_0 = arith.constant 0 : index
    %get3A_1 = arith.constant 0 : index
    %get3A_2 = vector.load %arg0[%get3A, %get3A_0, %get3A_1] : memref<2x10240x128xf32, #tpu.memory_space<vmem>>, vector<1x10000x128xf32>
    %get3A_3 = vector.shape_cast %get3A_2 : vector<1x10000x128xf32> to vector<10000x128xf32>
    %get3A_4 = arith.constant 1 : index
    %get3A_5 = arith.constant 0 : index
    %get3A_6 = arith.constant 0 : index
    %get3A_7 = vector.load %arg0[%get3A_4, %get3A_5, %get3A_6] : memref<2x10240x128xf32, #tpu.memory_space<vmem>>, vector<1x10000x128xf32>
    %get3A_8 = vector.shape_cast %get3A_7 : vector<1x10000x128xf32> to vector<10000x128xf32>
    %add3A = arith.addf %get3A_3, %get3A_8 : vector<10000x128xf32>
    %get3A_9 = arith.constant 0 : index
    %get3A_10 = arith.constant 0 : index
    %get3A_11 = vector.load %arg1[%get3A_9, %get3A_10] : memref<10240x128xf32, #tpu.memory_space<vmem>>, vector<10000x128xf32>
    %add3A_12 = arith.addf %add3A, %get3A_11 : vector<10000x128xf32>
    %get3A_13 = arith.constant 0 : index
    %get3A_14 = arith.constant 0 : index
    %get3A_15 = vector.load %arg3[%get3A_13, %get3A_14] : memref<10000x1xf32, #tpu.memory_space<vmem>>, vector<10000x1xf32>
    %mul3A = vector.broadcast %get3A_15 : vector<10000x1xf32> to vector<10000x128xf32>
    %mul3A_16 = arith.mulf %add3A_12, %mul3A : vector<10000x128xf32>
    %get3A_17 = arith.constant 0 : index
    %get3A_18 = arith.constant 0 : index
    %get3A_19 = vector.load %arg2[%get3A_17, %get3A_18] : memref<1x128xf32, #tpu.memory_space<vmem>>, vector<1x128xf32>
    %add3A_20 = vector.broadcast %get3A_19 : vector<1x128xf32> to vector<10000x128xf32>
    %add3A_21 = arith.addf %mul3A_16, %add3A_20 : vector<10000x128xf32>
    %get3A_22 = arith.constant 0 : index
    %get3A_23 = arith.constant 0 : index
    %get3A_24 = vector.load %arg4[%get3A_22, %get3A_23] : memref<128x128xf32, #tpu.memory_space<vmem>>, vector<128x128xf32>
    %dot_general3A = arith.constant dense<0.000000e+00> : vector<10000x128xf32>
    %dot_general3A_25 = tpu.matmul %add3A_21, %get3A_24, %dot_general3A {dimension_numbers = #tpu.dot_dimension_numbers<[1], [0], [0], [1], [0, 0, 1, 1], [], []>, transpose_lhs_hint = false} : vector<10000x128xf32>, vector<128x128xf32>, vector<10000x128xf32> -> vector<10000x128xf32>
    %get3A_26 = arith.constant 0 : index
    %get3A_27 = arith.constant 0 : index
    %get3A_28 = vector.load %arg3[%get3A_26, %get3A_27] : memref<10000x1xf32, #tpu.memory_space<vmem>>, vector<10000x1xf32>
    %mul3A_29 = vector.broadcast %get3A_28 : vector<10000x1xf32> to vector<10000x128xf32>
    %mul3A_30 = arith.mulf %dot_general3A_25, %mul3A_29 : vector<10000x128xf32>
    %swap3A = arith.constant 0 : index
    %swap3A_31 = arith.constant 0 : index
    %swap3A_32 = vector.load %arg5[%swap3A, %swap3A_31] : memref<10240x128xf32, #tpu.memory_space<vmem>>, vector<10000x128xf32>
    tpu.vector_store %arg5[%swap3A, %swap3A_31], %mul3A_30 {strides = array<i32>} : memref<10240x128xf32, #tpu.memory_space<vmem>>, vector<10000x128xf32>,
    %broadcast_in_dim3A = arith.constant 0.000000e+00 : f32
    %broadcast_in_dim3A_33 = vector.broadcast %broadcast_in_dim3A : f32 to vector<240x128xf32>
    %swap3A_34 = arith.constant 10000 : index
    %swap3A_35 = arith.constant 0 : index
    %swap3A_36 = vector.load %arg5[%swap3A_34, %swap3A_35] : memref<10240x128xf32, #tpu.memory_space<vmem>>, vector<240x128xf32>
    tpu.vector_store %arg5[%swap3A_34, %swap3A_35], %broadcast_in_dim3A_33 {strides = array<i32>} : memref<10240x128xf32, #tpu.memory_space<vmem>>, vector<240x128xf32>,
    return
  }
}

module attributes {stable_mosaic.version = 14 : i64} {
  func.func @body(%arg0: memref<2x10240x128xf32, #tpu.memory_space<vmem>>, %arg1: memref<10240x128xf32, #tpu.memory_space<vmem>>, %arg2: memref<1x128xf32, #tpu.memory_space<vmem>>, %arg3: memref<10000x1xf32, #tpu.memory_space<vmem>>, %arg4: memref<10000x128xf32, #tpu.memory_space<vmem>>) attributes {dimension_semantics = [], scalar_prefetch = 0 : i64, scratch_operands = 0 : i64, tpu.core_type = #tpu.core_type<tc>} {
    %get3A = arith.constant 0 : index
    %get3A_0 = arith.constant 0 : index
    %get3A_1 = arith.constant 0 : index
    %get3A_2 = vector.load %arg0[%get3A, %get3A_0, %get3A_1] : memref<2x10240x128xf32, #tpu.memory_space<vmem>>, vector<1x10000x128xf32>
    %get3A_3 = vector.shape_cast %get3A_2 : vector<1x10000x128xf32> to vector<10000x128xf32>
    %get3A_4 = arith.constant 1 : index
    %get3A_5 = arith.constant 0 : index
    %get3A_6 = arith.constant 0 : index
    %get3A_7 = vector.load %arg0[%get3A_4, %get3A_5, %get3A_6] : memref<2x10240x128xf32, #tpu.memory_space<vmem>>, vector<1x10000x128xf32>
    %get3A_8 = vector.shape_cast %get3A_7 : vector<1x10000x128xf32> to vector<10000x128xf32>
    %add3A = arith.addf %get3A_3, %get3A_8 : vector<10000x128xf32>
    %get3A_9 = arith.constant 0 : index
    %get3A_10 = arith.constant 0 : index
    %get3A_11 = vector.load %arg1[%get3A_9, %get3A_10] : memref<10240x128xf32, #tpu.memory_space<vmem>>, vector<10000x128xf32>
    %add3A_12 = arith.addf %add3A, %get3A_11 : vector<10000x128xf32>
    %get3A_13 = arith.constant 0 : index
    %get3A_14 = arith.constant 0 : index
    %get3A_15 = vector.load %arg3[%get3A_13, %get3A_14] : memref<10000x1xf32, #tpu.memory_space<vmem>>, vector<10000x1xf32>
    %mul3A = vector.broadcast %get3A_15 : vector<10000x1xf32> to vector<10000x128xf32>
    %mul3A_16 = arith.mulf %add3A_12, %mul3A : vector<10000x128xf32>
    %get3A_17 = arith.constant 0 : index
    %get3A_18 = arith.constant 0 : index
    %get3A_19 = vector.load %arg2[%get3A_17, %get3A_18] : memref<1x128xf32, #tpu.memory_space<vmem>>, vector<1x128xf32>
    %add3A_20 = vector.broadcast %get3A_19 : vector<1x128xf32> to vector<10000x128xf32>
    %add3A_21 = arith.addf %mul3A_16, %add3A_20 : vector<10000x128xf32>
    %swap3A = arith.constant 0 : index
    %swap3A_22 = arith.constant 0 : index
    %swap3A_23 = vector.load %arg4[%swap3A, %swap3A_22] : memref<10000x128xf32, #tpu.memory_space<vmem>>, vector<10000x128xf32>
    tpu.vector_store %arg4[%swap3A, %swap3A_22], %add3A_21 {strides = array<i32>} : memref<10000x128xf32, #tpu.memory_space<vmem>>, vector<10000x128xf32>,
    return
  }
}

</mosaic_0001>

<sc_bundles>
// kernel: kernel.12.cloned.1.call-start
scs
__scs_entry_jumppad:
0x0: {  	(pc) =	sbr.rel $0x88, $3  }
0x1: {  	(tag) =	ssettag $0x0;
	lr =	simm.s32 $0x1  }
0x2: {  	[smem:$0x3F95] =	sst lr;
	_ =	strace $0xD0000000  }
0x3: {  	_ = 	snop  }
0x4: {  	_ = 	snop  }
0x5: {  	_ = 	snop  }
0x6: {  	_ = 	snop  }
0x7: {  	_ = 	snop  }
__scs_overlays_trampoline_lowered:
0x8: {  	[smem:$0x3FA4] =	sst s0  }
0x9: {  	[smem:$0x3FA5] =	sst s1  }
0xa: {  	[smem:$0x3FA6] =	sst s2  }
0xb: {  	[smem:$0x3FA7] =	sst s3  }
0xc: {  	[smem:$0x3FA8] =	sst s4  }
0xd: {  	[smem:$0x3FA9] =	sst s5  }
0xe: {  	[smem:$0x3FAA] =	sst s6  }
0xf: {  	[smem:$0x3FAB] =	sst s7  }
0x10: {  	[smem:$0x3FAC] =	sst s8  }
0x11: {  	[smem:$0x3FAD] =	sst s9;
	s0 =	simm.s32 @!p0 $0x0  }
0x12: {  	s1 =	sld [smem:$0x3F93];
	s0 =	simm.s32 @p0 $0x1  }
0x13: {  	[smem:$0x3FAE] =	sst s0;
	s0 =	simm.s32 @!p1 $0x0  }
0x14: {  	s2 =	sld [smem:$0x3F92];
	s0 =	simm.s32 @p1 $0x1  }
0x15: {  	[smem:$0x3FAF] =	sst s0;
	s0 =	simm.s32 @!p2 $0x0  }
0x16: {  	s3 =	sld [smem:$0x3FDB];
	s0 =	simm.s32 @p2 $0x1  }
0x17: {  	s4 =	simm.s32 $0x1BF5;
	[smem:$0x3FB1] =	sst s0  }
0x18: {  	s0 =	sld [smem:$0x3F94];
	_ =	swait.ge [sflag:s4], $0x0  }
0x19: {  	s7 =	sld [smem:$0x3F95]  }
0x1a: {  	s8 =	sadd.s32 $0xFFFFE003, lr  }
0x1b: {  	s9 =	sadd.s32 $0xFFFFFEF7, lr;
	s5 =	simm.s32 $0xFFFFFFFF;
	p2 =	slt.u32 s8, $0xFFFFF086  }
0x1c: {  	p1 =	slt.u32 s9, $0xF7A;
	s5 =	simm.s32 @!p2 $0x0  }
0x1d: {  	s5 =	simm.s32 @p1 $0x1;
	p0 =	seq.s32 s7, s2  }
0x1e: {  	s7 =	smul.u32 @!p0 $0xF7A, s2;
	p2 =	seq.s32 @!p0 s5, $0x0  }
0x1f: {  	s9 =	smul.u32 $0xF7A, s1;
	s8 =	simm.s32 @!p0 $0x1BF5;
	p2 =	por !p2, p0  }
0x20: {  	[sflag:s8] =	ssyncset.s32 @!p0 $0xFFFFF086;
	s6 =	sadd.s32 @!p0 s3, s7;
	s7 =	simm.s32 @!p0 $0x108  }
0x21: {  	s3 =	sadd.s32 s3, s9;
	s6 =	sadd.s32 @!p0 $0x88, s6;
	s7 =	simm.s32 @p2 $0x1082  }
0x22: {  	[simem:s7], [sflag:s8] =	dma.local @!p0 [hbm:s6], $0xF7A  }
0x23: {  	s9 =	sor.u32 $0xD0000000, s2;
	s6 =	simm.s32 $0x108;
	_ =	swait.ge @!p0 [sflag:s8], $0x0  }
0x24: {  	s3 =	sadd.s32 $0x88, s3;
	s6 =	simm.s32 @!p1 $0x1082;
	[sflag:s4] =	ssyncset.s32 $0xFFFFF086  }
0x25: {  	[simem:s6], [sflag:s4] =	dma.local [hbm:s3], $0xF7A  }
0x26: {  	[smem:$0x3F95] =	sst s1;
	(tag) =	ssettag s2;
	_ =	strace s9  }
0x27: {  	s1 =	sld [smem:$0x3FA5]  }
0x28: {  	s2 =	sld [smem:$0x3FA6]  }
0x29: {  	s4 =	sld [smem:$0x3FA8]  }
0x2a: {  	p0 =	seq.s32 s5, $0x0;
	s5 =	sld [smem:$0x3FA9]  }
0x2b: {  	s6 =	sld [smem:$0x3FAA]  }
0x2c: {  	s7 =	sld [smem:$0x3FAB]  }
0x2d: {  	s3 =	simm.s32 $0x108;
	s8 =	sld [smem:$0x3FAC]  }
0x2e: {  	s3 =	simm.s32 @!p0 $0x1082;
	s9 =	sld [smem:$0x3FAD]  }
0x2f: {  	lr =	sadd.s32 s0, s3;
	s0 =	sld [smem:$0x3FA4]  }
0x30: {  	s3 =	sld [smem:$0x3FA7]  }
0x31: {  	[smem:$0x3FB0] =	sst s10  }
0x32: {  	s10 =	sld [smem:$0x3FAE];
	_ =	sdelay $0x3  }
0x33: {  	p0 =	seq.s32 s10, $0x1;
	s10 =	sld [smem:$0x3FB0];
	_ =	sdelay $0x3  }
0x34: {  	[smem:$0x3FB0] =	sst s10  }
0x35: {  	s10 =	sld [smem:$0x3FAF];
	_ =	sdelay $0x3  }
0x36: {  	p1 =	seq.s32 s10, $0x1;
	s10 =	sld [smem:$0x3FB0];
	_ =	sdelay $0x3  }
0x37: {  	[smem:$0x3FB0] =	sst s10  }
0x38: {  	s10 =	sld [smem:$0x3FB1]  }
0x39: {  	_ = 	snop;
	(pc) =	sbr.ind lr, $3  }
0x3a: {  	_ = 	snop  }
0x3b: {  	_ = 	snop  }
0x3c: {  	p2 =	seq.s32 s10, $0x1;
	s10 =	sld [smem:$0x3FB0]  }
0x3d: {  	_ =	shalt  }
0x3e: {  	_ =	shalt  }
0x3f: {  	_ =	shalt  }
0x40: {  	_ =	shalt  }
0x41: {  	_ =	shalt  }
0x42: {  	_ =	shalt  }
0x43: {  	_ =	shalt  }
0x44: {  	_ =	shalt  }
0x45: {  	_ =	shalt  }
0x46: {  	_ =	shalt  }
0x47: {  	_ =	shalt  }
0x48: {  	_ =	shalt  }
0x49: {  	_ =	shalt  }
0x4a: {  	_ =	shalt  }
0x4b: {  	_ =	shalt  }
0x4c: {  	_ =	shalt  }
0x4d: {  	_ =	shalt  }
0x4e: {  	_ =	shalt  }
0x4f: {  	_ =	shalt  }
0x50: {  	_ =	shalt  }
0x51: {  	_ =	shalt  }
0x52: {  	_ =	shalt  }
0x53: {  	_ =	shalt  }
0x54: {  	_ =	shalt  }
0x55: {  	_ =	shalt  }
0x56: {  	_ =	shalt  }
0x57: {  	_ =	shalt  }
0x58: {  	_ =	shalt  }
0x59: {  	_ =	shalt  }
0x5a: {  	_ =	shalt  }
0x5b: {  	_ =	shalt  }
0x5c: {  	_ =	shalt  }
0x5d: {  	_ =	shalt  }
0x5e: {  	_ =	shalt  }
0x5f: {  	_ =	shalt  }
0x60: {  	_ =	shalt  }
0x61: {  	_ =	shalt  }
0x62: {  	_ =	shalt  }
0x63: {  	_ =	shalt  }
0x64: {  	_ =	shalt  }
0x65: {  	_ =	shalt  }
0x66: {  	_ =	shalt  }
0x67: {  	_ =	shalt  }
0x68: {  	_ =	shalt  }
0x69: {  	_ =	shalt  }
0x6a: {  	_ =	shalt  }
0x6b: {  	_ =	shalt  }
0x6c: {  	_ =	shalt  }
0x6d: {  	_ =	shalt  }
0x6e: {  	_ =	shalt  }
0x6f: {  	_ =	shalt  }
0x70: {  	_ =	shalt  }
0x71: {  	_ =	shalt  }
0x72: {  	_ =	shalt  }
0x73: {  	_ =	shalt  }
0x74: {  	_ =	shalt  }
0x75: {  	_ =	shalt  }
0x76: {  	_ =	shalt  }
0x77: {  	_ =	shalt  }
0x78: {  	_ =	shalt  }
0x79: {  	_ =	shalt  }
0x7a: {  	_ =	shalt  }
0x7b: {  	_ =	shalt  }
0x7c: {  	_ =	shalt  }
0x7d: {  	_ =	shalt  }
0x7e: {  	_ =	shalt  }
0x7f: {  	_ =	shalt  }
0x80: {  	_ =	shalt  }
0x81: {  	_ =	shalt  }
0x82: {  	_ =	shalt  }
0x83: {  	_ =	shalt  }
0x84: {  	_ =	shalt  }
0x85: {  	_ =	shalt  }
0x86: {  	_ =	shalt  }
0x87: {  	_ =	shalt  }
.Lfunc_end0:
.L_simem_size_0:
called_computation_lowered:
.L_overlay_start_0:
0x88: {  	s2 =	sld [smem:$0x3FD9]  }
0x89: {  	s3 =	sld [smem:$0x3FFE];
	_ =	sdelay $0x1  }
0x8a: {  	s1 =	srdreg.scid  }
0x8b: {  	s0 =	sand.u32 $0x1, s1  }
0x8c: {  	s17 =	sshll.u32 s0, $0xA;
	s2 =	sadd.s32 s3, s2  }
0x8d: {  	s2 =	sadd.s32 s2, s17  }
0x8e: {  	[smem:$0x3FBC] =	sst s2  }
0x8f: {  	_ = 	snop  }
0x90: {  	s2 =	sld [smem:$0x3FD0];
	(tm) =	ssettm $0x1  }
0x91: {  	s18 =	sld [smem:$0x3FFB];
	_ =	sdelay $0x3  }
0x92: {  	_ =	strace s18  }
0x93: {  	s3 =	sld [smem:$0x3FFC];
	_ =	sdelay $0x3  }
0x94: {  	_ =	strace s3  }
0x95: {  	s3 =	sld [smem:$0x3FFD];
	_ =	sdelay $0x3  }
0x96: {  	_ =	strace s3  }
0x97: {  	_ =	strace $0x8FFFFFFF  }
0x98: {  	s19 =	sld [smem:$0x3FDB];
	_ =	sdelay $0x1  }
0x99: {  	s4 =	simm.s32 $_scs_section_size  }
0x9a: {  	s5 =	simm.s32 $_size__tile_overlayer_lowered;
	s6 =	simm.s32 $_tile_overlayer_lowered  }
0x9b: {  	s22 =	simm.s32 $0x1BFF;
	s21 =	sshll.u32 s6, $0x1;
	s3 =	sadd.s32 s4, s19  }
0x9c: {  	s7 =	simm.s32 $0x0;
	s20 =	sshll.u32 s5, $0x1;
	s5 =	sadd.s32 s21, s3  }
0x9d: {  	[timem:s7], [sflag:s22] =	dma.local [hbm:s5], s20  }
0x9e: {  	_ =	swait.ge [sflag:s22], s20  }
0x9f: {  	s4 =	ssub.s32 $0x0, s20;
	[sflag:s22] =	ssyncset.done $0x0  }
0xa0: {  	[sflag:s22] =	ssyncadd.s32 s4;
	_ =	sdelay $0x1  }
0xa1: {  	s23 =	simm.s32 $0x1B8B  }
0xa2: {  	_ =	swait.ge [sflag:s23], $0x1  }
0xa3: {  	[sflag:s23] =	ssyncset.done $0x0  }
0xa4: {  	s25 =	simm.s32 $0x1B8E;
	s24 =	sld [smem:$0x3FFE];
	[sflag:s23] =	ssyncadd.s32 $0xFFFFFFFF  }
0xa5: {  	s26 =	simm.s32 $execute0_lowered;
	[smem:$0x3FD2] =	sst s25  }
0xa6: {  	s5 =	sshll.u32 s26, $0x1;
	_ =	strace $0x80000046;
	[dreg:$0x1] =	wrdreg $0xFFFFFFFF  }
0xa7: {  	s28 =	simm.s32 $_size_execute0_lowered;
	s3 =	sadd.s32 s3, s5;
	[dreg:$0x0] =	wrdreg $0x0  }
0xa8: {  	s5 =	sshll.u32 s28, $0x1;
	[dreg:$0x2] =	wrdreg s3  }
0xa9: {  	[dreg:$0x3] =	wrdreg s5  }
0xaa: {  	[dreg:$0x4] =	wrdreg $0xC0  }
0xab: {  	_ =	task [dreg:s7], $0x5FFFF  }
0xac: {  	[dreg:$0x1] =	wrdreg $0xFFFFFFFF  }
0xad: {  	[dreg:$0x0] =	wrdreg $0x60  }
0xae: {  	[dreg:$0x2] =	wrdreg s2  }
0xaf: {  	[dreg:$0x3] =	wrdreg s24  }
0xb0: {  	[dreg:$0x4] =	wrdreg $0xA8000  }
0xb1: {  	[dreg:$0x5] =	wrdreg $0x9  }
0xb2: {  	_ =	task.clear_ibuf [dreg:s7], $0x6FFFF;
	_ =	strace $0x90000046  }
0xb3: {  	s29 =	simm.s32 $0x9;
	_ =	strace $0x80000048  }
0xb4: {  	_ =	swait.ge [sflag:s29], $0x1  }
0xb5: {  	[sflag:s29] =	ssyncadd.s32 $0xFFFFFFFF  }
0xb6: {  	_ =	strace $0x90000048  }
0xb7: {  	_ =	sfence  }
0xb8: {  	s30 =	sld [smem:$0x0];
	_ =	sdelay $0x2  }
0xb9: {  	s31 =	sshll.u32 s1, $0xD;
	s1 =	sshrl.u32 s1, $0x2  }
0xba: {  	s3 =	sand.u32 $0x4000, s31;
	s1 =	sadd.s32 s1, s30  }
0xbb: {  	s0 =	sor.u32 s3, s0;
	s1 =	sshll.u32 s1, $0x11  }
0xbc: {  	s0 =	sor.u32 s1, s0  }
0xbd: {  	s0 =	sadd.s32 $0x8F2B, s0  }
0xbe: {  	[sflag:s0] =	ssyncadd.remote.s32 $0x1  }
0xbf: {  	_ =	sfence.sel $0xFFFF  }
0xc0: {  	[dreg:$0x0] =	wrdreg $0xFFFFFFFF;
	(pc) =	sbr.abs _section_cstart, $3  }
0xc1: {  	[dreg:$0x1] =	wrdreg $0xFFFFFFFF  }
0xc2: {  	_ =	task.clear_ibuf [dreg:s7], $0x2FFFF;
	_ =	strace $0x9FFFFFFF  }
0xc3: {  	(tm) =	ssettm $0x7FFFFFFF  }
tec
execute0_lowered:
.L_overlay_start_1:
0x0: {  	(tag) =	ssettag $0x1  }
0x1: {  	s4 =	rddreg [dreg:$0x0]  }
0x2: {  	s5 =	rddreg [dreg:$0x1]  }
0x3: {  	s2 =	rddreg [dreg:$0x2]  }
0x4: {  	s0 =	srdreg.scid;
	s1 =	rddreg [dreg:$0x3];
	s3 =	simm.s32 $0x0  }
0x5: {  	s12 =	simm.s32 $0x1;
	s13 =	simm.s32 $0x6800;
	s14 =	simm.s32 $0x80  }
0x6: {  	s15 =	simm.s32 $0x2800;
	s6 =	sand.u32 $0x1, s0;
	s0 =	stileid.u32  }
0x7: {  	s18 =	simm.s32 $0x0;
	[smem:$0x7FF] =	sst s3;
	s7 =	smul.u32 $0x140000, s6  }
0x8: {  	s8 =	smul.u32 $0x14000, s0;
	s9 =	sshll.u32 s6, $0x4;
	s6 =	ssub.s32 $0x2, s6  }
0x9: {  	s29 =	smul.u32 $0x50000, s0;
	_ =	strace $0x80000047;
	s16 =	sshll.u32 s0, $0x6  }
0xa: {  	s9 =	sor.u32 s0, s9;
	s30 =	sshrl.u32 s6, $0x1;
	s7 =	sadd.s32 s8, s7  }
0xb: {  	s16 =	sor.u32 $0x1C01, s16;
	s28 =	smul.u32 $0x500, s9;
	s7 =	sshrl.u32 s7, $0x3  }
0xc: {  	s10 =	ssub.s32 s6, s30;
	s31 =	sshrl.u32 s29, $0x2;
	s7 =	sadd.s32 s7, s5  }
0xd: {  	s4 =	sadd.s32 s4, s28;
	s5 =	sadd.s32 s31, s2;
	s6 =	sadd.s32 $0xDC00, s7  }
0xe: {  	s7 =	smax.u32 s10, $0x1;
	s8 =	sadd.s32 $0x4000, s5;
	s9 =	sadd.s32 $0x8000, s5  }
0xf: {  	v0 =	vimm.f32 $1.000000000e+00;
	v1 =	vimm.f32 $0.0e+00;
	s10 =	sadd.s32 $0xC000, s5;
	s11 =	sadd.s32 $0x10000, s5;
	s17 =	sshrl.u32 s5, $0x3  }
.LBB2_1:
0x10: {  	[tilespmem:s3], [sflag:$0x1] =	stream.linear.gather [hbm4b:s4+s3], $0x2800, $0x38;
	[tilespmem:$0xD000] =	vst v63  }
0x11: {  	_ =	swait.ge [sflag:s12], $0x2800  }
0x12: {  	[sflag:s12] =	ssyncset.done $0x0  }
0x13: {  	s19 =	simm.s32 $0x200;
	s20 =	simm.s32 $0x0;
	[sflag:s12] =	ssyncadd.s32 $0xFFFFD800  }
.LBB2_2:
0x14: {  	p0 =	sne.s32 s19, $0xFE00;
	[tilespmem:s20+$0x2800] =	vst v0;
	s21 =	smov.u32 s19;
	s19 =	sadd.s32 $0x200, s19  }
.Ltmp0:
0x15: {  	[tilespmem:s20+$0x6800] =	vst v1;
	(pc) =	sbr.rel @p0 .LBB2_2-.Ltmp0, $2  }
0x16: {  	_ =	sdelay $0x2  }
0x17: {  	s20 =	sshra.s32 s21, $0x2  }
0x18: {  	[tilespmem:s20+$0x2800] =	vst v0  }
0x19: {  	[tilespmem:s20+$0x6800] =	vst v1  }
0x1a: {  	[spmem:s5] =	stream.linear.scatter [tilespmem:s13], [sflag:$0x1], $0x4000, $0x38;
	[tilespmem:$0xD000] =	vst v63  }
0x1b: {  	_ =	swait.ge [sflag:s12], $0x4000  }
0x1c: {  	[sflag:s12] =	ssyncset.done $0x0  }
0x1d: {  	[sflag:s12] =	ssyncadd.s32 $0xFFFFC000  }
0x1e: {  	[spmem:s8] =	stream.linear.scatter [tilespmem:s13], [sflag:$0x1], $0x4000, $0x38;
	[tilespmem:$0xD000] =	vst v63  }
0x1f: {  	_ =	swait.ge [sflag:s12], $0x4000  }
0x20: {  	[sflag:s12] =	ssyncset.done $0x0  }
0x21: {  	[sflag:s12] =	ssyncadd.s32 $0xFFFFC000  }
0x22: {  	[spmem:s9] =	stream.linear.scatter [tilespmem:s13], [sflag:$0x1], $0x4000, $0x38;
	[tilespmem:$0xD000] =	vst v63  }
0x23: {  	_ =	swait.ge [sflag:s12], $0x4000  }
0x24: {  	[sflag:s12] =	ssyncset.done $0x0  }
0x25: {  	[sflag:s12] =	ssyncadd.s32 $0xFFFFC000  }
0x26: {  	[spmem:s10] =	stream.linear.scatter [tilespmem:s13], [sflag:$0x1], $0x4000, $0x38;
	[tilespmem:$0xD000] =	vst v63  }
0x27: {  	_ =	swait.ge [sflag:s12], $0x4000  }
0x28: {  	[sflag:s12] =	ssyncset.done $0x0  }
0x29: {  	[sflag:s12] =	ssyncadd.s32 $0xFFFFC000  }
0x2a: {  	[spmem:s11] =	stream.linear.scatter [tilespmem:s13], [sflag:$0x1], $0x4000, $0x38;
	[tilespmem:$0xD000] =	vst v63  }
0x2b: {  	_ =	swait.ge [sflag:s12], $0x4000  }
0x2c: {  	[sflag:s12] =	ssyncset.done $0x0  }
0x2d: {  	[sflag:s12] =	ssyncadd.s32 $0xFFFFC000  }
0x2e: {  	s19 =	simm.s32 $0x0;
	[bflag:$0x0] =	sbarrier.arrive $0xFFFF  }
0x2f: {  	[spmem:s2] =	stream.indirect.scatter.add.f32 [tilespmem:s15], [sflag:$0x1], $0x10, s19, s14, $0xb8;
	[tilespmem:$0xD000] =	vst v63  }
0x30: {  	_ =	swait.ge [sflag:s12], $0x800  }
0x31: {  	s19 =	simm.s32 $0x200;
	[sflag:s12] =	ssyncset.done $0x0  }
.LBB2_4:
0x32: {  	s20 =	sshra.s32 s19, $0x2;
	[sflag:s12] =	ssyncadd.s32 $0xFFFFF800;
	p0 =	sne.s32 s19, $0x9E00  }
0x33: {  	[spmem:s2] =	stream.indirect.scatter.add.f32 [tilespmem:s15], [sflag:$0x1], $0x10, s20, s14, $0xb8;
	[tilespmem:$0xD000] =	vst v63  }
.Ltmp1:
0x34: {  	_ = 	snop;
	(pc) =	sbr.rel @p0 .LBB2_4-.Ltmp1, $4  }
0x35: {  	_ = 	snop  }
0x36: {  	s19 =	sadd.s32 $0x200, s19  }
0x37: {  	_ =	swait.ge [sflag:s12], $0x800  }
0x38: {  	[sflag:s12] =	ssyncset.done $0x0  }
0x39: {  	s18 =	sadd.s32 $0x1, s18  }
0x3a: {  	[sflag:s12] =	ssyncadd.s32 $0xFFFFF800;
	p0 =	sne.s32 s18, s7  }
.Ltmp2:
0x3b: {  	[bflag:$0x0] =	sbarrier.arrive $0xFFFF;
	(pc) =	sbr.rel @p0 .LBB2_1-.Ltmp2, $4  }
0x3c: {  	[hbm:s6], [sflag:s16] =	dma.local [spmem:s17], $0x2800  }
0x3d: {  	_ =	swait.ge [sflag:s12], $0x2800  }
0x3e: {  	[sflag:s12] =	ssyncset.done $0x0  }
0x3f: {  	[sflag:s12] =	ssyncadd.s32 $0xFFFFD800  }
0x40: {  	_ =	sfence.sel $0x180000  }
0x41: {  	[bflag:$0x0] =	sbarrier.arrive $0xFFFF  }
0x42: {  	p0 =	sne.s32 s0, $0x0;
	_ =	strace $0x90000047  }
0x43: {  	s0 =	sadd.s32 @!p0 $0x100000, s1;
	[bflag:$0x2] =	sbarrier.arrive $0xFFFF  }
0x44: {  	[sflag:s0] =	ssyncadd.tile.s32 @!p0 $0x1;
	_ =	shalt  }
.Lfunc_end2:
_tile_overlayer_lowered:
.L_overlay_start_2:
0x45: {  	(tag) =	ssettag $0x2  }
0x46: {  	s0 =	rddreg [dreg:$0x0];
	s2 =	stileid.u32  }
0x47: {  	s1 =	rddreg [dreg:$0x1];
	p0 =	sne.s32 s2, $0x0  }
0x48: {  	s3 =	rddreg [dreg:$0x2];
	[bflag:$0x3] =	sbarrier.arrive $0xFFFF;
	s2 =	simm.s32 @!p0 $0x1C01  }
0x49: {  	[timem:s3], [sflag:s2] =	dma.local @!p0 [hbm:s0], s1  }
0x4a: {  	s0 =	simm.s32 @!p0 $0x1  }
0x4b: {  	_ =	swait.ge @!p0 [sflag:s0], s1  }
0x4c: {  	s1 =	ssub.s32 @!p0 $0x0, s1;
	[sflag:s0] =	ssyncset.done @!p0 $0x0  }
0x4d: {  	[sflag:s0] =	ssyncadd.s32 @!p0 s1  }
0x4e: {  	[bflag:$0x3] =	sbarrier.arrive $0xFFFF  }
0x4f: {  	_ =	shalt  }

// kernel: kernel.15.cloned.1.call-start
scs
__scs_entry_jumppad:
0x0: {  	(pc) =	sbr.rel $0x88, $3  }
0x1: {  	(tag) =	ssettag $0x0;
	lr =	simm.s32 $0x1  }
0x2: {  	[smem:$0x3F95] =	sst lr;
	_ =	strace $0xD0000000  }
0x3: {  	_ = 	snop  }
0x4: {  	_ = 	snop  }
0x5: {  	_ = 	snop  }
0x6: {  	_ = 	snop  }
0x7: {  	_ = 	snop  }
__scs_overlays_trampoline_lowered:
0x8: {  	[smem:$0x3FA4] =	sst s0  }
0x9: {  	[smem:$0x3FA5] =	sst s1  }
0xa: {  	[smem:$0x3FA6] =	sst s2  }
0xb: {  	[smem:$0x3FA7] =	sst s3  }
0xc: {  	[smem:$0x3FA8] =	sst s4  }
0xd: {  	[smem:$0x3FA9] =	sst s5  }
0xe: {  	[smem:$0x3FAA] =	sst s6  }
0xf: {  	[smem:$0x3FAB] =	sst s7  }
0x10: {  	[smem:$0x3FAC] =	sst s8  }
0x11: {  	[smem:$0x3FAD] =	sst s9;
	s0 =	simm.s32 @!p0 $0x0  }
0x12: {  	s1 =	sld [smem:$0x3F93];
	s0 =	simm.s32 @p0 $0x1  }
0x13: {  	[smem:$0x3FAE] =	sst s0;
	s0 =	simm.s32 @!p1 $0x0  }
0x14: {  	s2 =	sld [smem:$0x3F92];
	s0 =	simm.s32 @p1 $0x1  }
0x15: {  	[smem:$0x3FAF] =	sst s0;
	s0 =	simm.s32 @!p2 $0x0  }
0x16: {  	s3 =	sld [smem:$0x3FDB];
	s0 =	simm.s32 @p2 $0x1  }
0x17: {  	s4 =	simm.s32 $0x1BF5;
	[smem:$0x3FB1] =	sst s0  }
0x18: {  	s0 =	sld [smem:$0x3F94];
	_ =	swait.ge [sflag:s4], $0x0  }
0x19: {  	s7 =	sld [smem:$0x3F95]  }
0x1a: {  	s8 =	sadd.s32 $0xFFFFE003, lr  }
0x1b: {  	s9 =	sadd.s32 $0xFFFFFEF7, lr;
	s5 =	simm.s32 $0xFFFFFFFF;
	p2 =	slt.u32 s8, $0xFFFFF086  }
0x1c: {  	p1 =	slt.u32 s9, $0xF7A;
	s5 =	simm.s32 @!p2 $0x0  }
0x1d: {  	s5 =	simm.s32 @p1 $0x1;
	p0 =	seq.s32 s7, s2  }
0x1e: {  	s7 =	smul.u32 @!p0 $0xF7A, s2;
	p2 =	seq.s32 @!p0 s5, $0x0  }
0x1f: {  	s9 =	smul.u32 $0xF7A, s1;
	s8 =	simm.s32 @!p0 $0x1BF5;
	p2 =	por !p2, p0  }
0x20: {  	[sflag:s8] =	ssyncset.s32 @!p0 $0xFFFFF086;
	s6 =	sadd.s32 @!p0 s3, s7;
	s7 =	simm.s32 @!p0 $0x108  }
0x21: {  	s3 =	sadd.s32 s3, s9;
	s6 =	sadd.s32 @!p0 $0x88, s6;
	s7 =	simm.s32 @p2 $0x1082  }
0x22: {  	[simem:s7], [sflag:s8] =	dma.local @!p0 [hbm:s6], $0xF7A  }
0x23: {  	s9 =	sor.u32 $0xD0000000, s2;
	s6 =	simm.s32 $0x108;
	_ =	swait.ge @!p0 [sflag:s8], $0x0  }
0x24: {  	s3 =	sadd.s32 $0x88, s3;
	s6 =	simm.s32 @!p1 $0x1082;
	[sflag:s4] =	ssyncset.s32 $0xFFFFF086  }
0x25: {  	[simem:s6], [sflag:s4] =	dma.local [hbm:s3], $0xF7A  }
0x26: {  	[smem:$0x3F95] =	sst s1;
	(tag) =	ssettag s2;
	_ =	strace s9  }
0x27: {  	s1 =	sld [smem:$0x3FA5]  }
0x28: {  	s2 =	sld [smem:$0x3FA6]  }
0x29: {  	s4 =	sld [smem:$0x3FA8]  }
0x2a: {  	p0 =	seq.s32 s5, $0x0;
	s5 =	sld [smem:$0x3FA9]  }
0x2b: {  	s6 =	sld [smem:$0x3FAA]  }
0x2c: {  	s7 =	sld [smem:$0x3FAB]  }
0x2d: {  	s3 =	simm.s32 $0x108;
	s8 =	sld [smem:$0x3FAC]  }
0x2e: {  	s3 =	simm.s32 @!p0 $0x1082;
	s9 =	sld [smem:$0x3FAD]  }
0x2f: {  	lr =	sadd.s32 s0, s3;
	s0 =	sld [smem:$0x3FA4]  }
0x30: {  	s3 =	sld [smem:$0x3FA7]  }
0x31: {  	[smem:$0x3FB0] =	sst s10  }
0x32: {  	s10 =	sld [smem:$0x3FAE];
	_ =	sdelay $0x3  }
0x33: {  	p0 =	seq.s32 s10, $0x1;
	s10 =	sld [smem:$0x3FB0];
	_ =	sdelay $0x3  }
0x34: {  	[smem:$0x3FB0] =	sst s10  }
0x35: {  	s10 =	sld [smem:$0x3FAF];
	_ =	sdelay $0x3  }
0x36: {  	p1 =	seq.s32 s10, $0x1;
	s10 =	sld [smem:$0x3FB0];
	_ =	sdelay $0x3  }
0x37: {  	[smem:$0x3FB0] =	sst s10  }
0x38: {  	s10 =	sld [smem:$0x3FB1]  }
0x39: {  	_ = 	snop;
	(pc) =	sbr.ind lr, $3  }
0x3a: {  	_ = 	snop  }
0x3b: {  	_ = 	snop  }
0x3c: {  	p2 =	seq.s32 s10, $0x1;
	s10 =	sld [smem:$0x3FB0]  }
0x3d: {  	_ =	shalt  }
0x3e: {  	_ =	shalt  }
0x3f: {  	_ =	shalt  }
0x40: {  	_ =	shalt  }
0x41: {  	_ =	shalt  }
0x42: {  	_ =	shalt  }
0x43: {  	_ =	shalt  }
0x44: {  	_ =	shalt  }
0x45: {  	_ =	shalt  }
0x46: {  	_ =	shalt  }
0x47: {  	_ =	shalt  }
0x48: {  	_ =	shalt  }
0x49: {  	_ =	shalt  }
0x4a: {  	_ =	shalt  }
0x4b: {  	_ =	shalt  }
0x4c: {  	_ =	shalt  }
0x4d: {  	_ =	shalt  }
0x4e: {  	_ =	shalt  }
0x4f: {  	_ =	shalt  }
0x50: {  	_ =	shalt  }
0x51: {  	_ =	shalt  }
0x52: {  	_ =	shalt  }
0x53: {  	_ =	shalt  }
0x54: {  	_ =	shalt  }
0x55: {  	_ =	shalt  }
0x56: {  	_ =	shalt  }
0x57: {  	_ =	shalt  }
0x58: {  	_ =	shalt  }
0x59: {  	_ =	shalt  }
0x5a: {  	_ =	shalt  }
0x5b: {  	_ =	shalt  }
0x5c: {  	_ =	shalt  }
0x5d: {  	_ =	shalt  }
0x5e: {  	_ =	shalt  }
0x5f: {  	_ =	shalt  }
0x60: {  	_ =	shalt  }
0x61: {  	_ =	shalt  }
0x62: {  	_ =	shalt  }
0x63: {  	_ =	shalt  }
0x64: {  	_ =	shalt  }
0x65: {  	_ =	shalt  }
0x66: {  	_ =	shalt  }
0x67: {  	_ =	shalt  }
0x68: {  	_ =	shalt  }
0x69: {  	_ =	shalt  }
0x6a: {  	_ =	shalt  }
0x6b: {  	_ =	shalt  }
0x6c: {  	_ =	shalt  }
0x6d: {  	_ =	shalt  }
0x6e: {  	_ =	shalt  }
0x6f: {  	_ =	shalt  }
0x70: {  	_ =	shalt  }
0x71: {  	_ =	shalt  }
0x72: {  	_ =	shalt  }
0x73: {  	_ =	shalt  }
0x74: {  	_ =	shalt  }
0x75: {  	_ =	shalt  }
0x76: {  	_ =	shalt  }
0x77: {  	_ =	shalt  }
0x78: {  	_ =	shalt  }
0x79: {  	_ =	shalt  }
0x7a: {  	_ =	shalt  }
0x7b: {  	_ =	shalt  }
0x7c: {  	_ =	shalt  }
0x7d: {  	_ =	shalt  }
0x7e: {  	_ =	shalt  }
0x7f: {  	_ =	shalt  }
0x80: {  	_ =	shalt  }
0x81: {  	_ =	shalt  }
0x82: {  	_ =	shalt  }
0x83: {  	_ =	shalt  }
0x84: {  	_ =	shalt  }
0x85: {  	_ =	shalt  }
0x86: {  	_ =	shalt  }
0x87: {  	_ =	shalt  }
.Lfunc_end0:
.L_simem_size_0:
called_computation.1_lowered:
.L_overlay_start_0:
0x88: {  	s2 =	sld [smem:$0x3FD9]  }
0x89: {  	s3 =	sld [smem:$0x3FFE];
	_ =	sdelay $0x1  }
0x8a: {  	s1 =	srdreg.scid  }
0x8b: {  	s0 =	sand.u32 $0x1, s1  }
0x8c: {  	s17 =	sshll.u32 s0, $0xA;
	s2 =	sadd.s32 s3, s2  }
0x8d: {  	s2 =	sadd.s32 s2, s17  }
0x8e: {  	[smem:$0x3FBC] =	sst s2  }
0x8f: {  	_ = 	snop  }
0x90: {  	s2 =	sld [smem:$0x3FD0];
	(tm) =	ssettm $0x1  }
0x91: {  	s18 =	sld [smem:$0x3FFB];
	_ =	sdelay $0x3  }
0x92: {  	_ =	strace s18  }
0x93: {  	s3 =	sld [smem:$0x3FFC];
	_ =	sdelay $0x3  }
0x94: {  	_ =	strace s3  }
0x95: {  	s3 =	sld [smem:$0x3FFD];
	_ =	sdelay $0x3  }
0x96: {  	_ =	strace s3  }
0x97: {  	_ =	strace $0x8FFFFFFF  }
0x98: {  	s19 =	sld [smem:$0x3FDB];
	_ =	sdelay $0x1  }
0x99: {  	s4 =	simm.s32 $_scs_section_size  }
0x9a: {  	s5 =	simm.s32 $_size__tile_overlayer_lowered;
	s6 =	simm.s32 $_tile_overlayer_lowered  }
0x9b: {  	s22 =	simm.s32 $0x1BFF;
	s21 =	sshll.u32 s6, $0x1;
	s3 =	sadd.s32 s4, s19  }
0x9c: {  	s7 =	simm.s32 $0x0;
	s20 =	sshll.u32 s5, $0x1;
	s5 =	sadd.s32 s21, s3  }
0x9d: {  	[timem:s7], [sflag:s22] =	dma.local [hbm:s5], s20  }
0x9e: {  	_ =	swait.ge [sflag:s22], s20  }
0x9f: {  	s4 =	ssub.s32 $0x0, s20;
	[sflag:s22] =	ssyncset.done $0x0  }
0xa0: {  	[sflag:s22] =	ssyncadd.s32 s4;
	_ =	sdelay $0x1  }
0xa1: {  	s23 =	simm.s32 $0x1B8B  }
0xa2: {  	_ =	swait.ge [sflag:s23], $0x1  }
0xa3: {  	[sflag:s23] =	ssyncset.done $0x0  }
0xa4: {  	s25 =	simm.s32 $0x1B8E;
	s24 =	sld [smem:$0x3FFE];
	[sflag:s23] =	ssyncadd.s32 $0xFFFFFFFF  }
0xa5: {  	s26 =	simm.s32 $execute0_lowered;
	[smem:$0x3FD2] =	sst s25  }
0xa6: {  	s5 =	sshll.u32 s26, $0x1;
	_ =	strace $0x80000049;
	[dreg:$0x1] =	wrdreg $0xFFFFFFFF  }
0xa7: {  	s28 =	simm.s32 $_size_execute0_lowered;
	s3 =	sadd.s32 s3, s5;
	[dreg:$0x0] =	wrdreg $0x0  }
0xa8: {  	s5 =	sshll.u32 s28, $0x1;
	[dreg:$0x2] =	wrdreg s3  }
0xa9: {  	[dreg:$0x3] =	wrdreg s5  }
0xaa: {  	[dreg:$0x4] =	wrdreg $0xC0  }
0xab: {  	_ =	task [dreg:s7], $0x5FFFF  }
0xac: {  	[dreg:$0x1] =	wrdreg $0xFFFFFFFF  }
0xad: {  	[dreg:$0x0] =	wrdreg $0x60  }
0xae: {  	[dreg:$0x2] =	wrdreg s24  }
0xaf: {  	[dreg:$0x3] =	wrdreg s2  }
0xb0: {  	[dreg:$0x4] =	wrdreg $0x98000  }
0xb1: {  	[dreg:$0x5] =	wrdreg $0x9  }
0xb2: {  	_ =	task.clear_ibuf [dreg:s7], $0x6FFFF;
	_ =	strace $0x90000049  }
0xb3: {  	s29 =	simm.s32 $0x9;
	_ =	strace $0x8000004B  }
0xb4: {  	_ =	swait.ge [sflag:s29], $0x1  }
0xb5: {  	[sflag:s29] =	ssyncadd.s32 $0xFFFFFFFF  }
0xb6: {  	_ =	strace $0x9000004B  }
0xb7: {  	_ =	sfence  }
0xb8: {  	s30 =	sld [smem:$0x0];
	_ =	sdelay $0x2  }
0xb9: {  	s31 =	sshll.u32 s1, $0xD;
	s1 =	sshrl.u32 s1, $0x2  }
0xba: {  	s3 =	sand.u32 $0x4000, s31;
	s1 =	sadd.s32 s1, s30  }
0xbb: {  	s0 =	sor.u32 s3, s0;
	s1 =	sshll.u32 s1, $0x11  }
0xbc: {  	s0 =	sor.u32 s1, s0  }
0xbd: {  	s0 =	sadd.s32 $0x8F2B, s0  }
0xbe: {  	[sflag:s0] =	ssyncadd.remote.s32 $0x1  }
0xbf: {  	_ =	sfence.sel $0xFFFF  }
0xc0: {  	[dreg:$0x0] =	wrdreg $0xFFFFFFFF;
	(pc) =	sbr.abs _section_cstart, $3  }
0xc1: {  	[dreg:$0x1] =	wrdreg $0xFFFFFFFF  }
0xc2: {  	_ =	task.clear_ibuf [dreg:s7], $0x2FFFF;
	_ =	strace $0x9FFFFFFF  }
0xc3: {  	(tm) =	ssettm $0x7FFFFFFF  }
tec
execute0_lowered:
.L_overlay_start_1:
0x0: {  	(tag) =	ssettag $0x1  }
0x1: {  	s0 =	srdreg.scid;
	s1 =	rddreg [dreg:$0x0]  }
0x2: {  	s13 =	stileid.u32;
	s7 =	rddreg [dreg:$0x1];
	s12 =	simm.s32 $0x180  }
0x3: {  	s14 =	simm.s32 $0x900;
	s15 =	simm.s32 $0x200;
	s16 =	simm.s32 $0x980  }
0x4: {  	s18 =	simm.s32 $0x280;
	s19 =	simm.s32 $0xA00;
	s21 =	simm.s32 $0x300  }
0x5: {  	s28 =	simm.s32 $0x600;
	s0 =	sand.u32 $0x1, s0;
	s9 =	smul.u32 $0x14000, s13  }
0x6: {  	s29 =	simm.s32 $0xD80;
	s23 =	smul.u32 $0x50000, s13;
	s5 =	sxor.u32 $0x1, s0  }
0x7: {  	s30 =	simm.s32 $0x680;
	s2 =	sshll.u32 s13, $0x4;
	s3 =	smul.u32 s5, s13  }
0x8: {  	s31 =	simm.s32 $0xE00;
	s4 =	sor.u32 $0x900, s2;
	s8 =	smul.u32 $0x140000, s0  }
0x9: {  	s2 =	rddreg [dreg:$0x2];
	s6 =	smul.u32 $0x4800, s3;
	s3 =	simm.s32 $0x0  }
0xa: {  	s17 =	sshll.u32 s13, $0x6;
	s5 =	smul.u32 $0x9, s5;
	[smem:$0x7FF] =	sst s3  }
0xb: {  	s24 =	ssub.s32 $0x2, s0;
	_ =	strace $0x8000004A;
	[dreg:$0x6] =	wrdreg s12  }
0xc: {  	s4 =	smul.u32 s0, s4;
	s5 =	sadd.s32 s0, s5;
	[dreg:$0x7] =	wrdreg s14  }
0xd: {  	s25 =	sshrl.u32 s24, $0x1;
	s13 =	simm.s32 $0xF80;
	[dreg:$0x12] =	wrdreg s5  }
0xe: {  	s22 =	sadd.s32 s9, s8;
	s8 =	sshrl.u32 s23, $0x2;
	[dreg:$0x8] =	wrdreg s15  }
0xf: {  	s9 =	ssub.s32 s24, s25;
	s23 =	simm.s32 $0x380;
	[dreg:$0x9] =	wrdreg s16  }
0x10: {  	s24 =	simm.s32 $0xB00;
	s25 =	simm.s32 $0x400;
	[dreg:$0xa] =	wrdreg s18  }
0x11: {  	s4 =	sshll.u32 s4, $0x7;
	s0 =	simm.s32 $0xE80;
	[dreg:$0xb] =	wrdreg s19  }
0x12: {  	p0 =	seq.s32 s5, $0x0;
	s6 =	sadd.s32 s4, s6;
	[dreg:$0xc] =	wrdreg s21  }
0x13: {  	s4 =	sadd.s32 $0xDC00, s1;
	s12 =	simm.s32 $0x3;
	[dreg:$0xe] =	wrdreg s23  }
0x14: {  	s15 =	simm.s32 $0x800;
	s16 =	simm.s32 $0x80;
	[dreg:$0xf] =	wrdreg s24  }
0x15: {  	s18 =	simm.s32 $0x5000;
	s19 =	simm.s32 $0x1;
	[dreg:$0x10] =	wrdreg s25  }
0x16: {  	s21 =	simm.s32 $0x480;
	s23 =	simm.s32 $0x500;
	s24 =	simm.s32 $0xC80  }
0x17: {  	s25 =	simm.s32 $0x580;
	s10 =	sshrl.u32 s6, $0x3;
	s6 =	sshrl.u32 s22, $0x3  }
0x18: {  	s22 =	simm.s32 $0xA80;
	s11 =	sadd.s32 s10, s1;
	s1 =	sadd.s32 s6, s1  }
0x19: {  	s6 =	sadd.s32 s8, s2;
	s8 =	simm.s32 $0x100;
	[dreg:$0xd] =	wrdreg s22  }
0x1a: {  	s14 =	simm.s32 $0x0;
	s26 =	sadd.s32 $0x35C00, s1;
	[dreg:$0x4] =	wrdreg s8  }
0x1b: {  	s22 =	simm.s32 $0xC00;
	s1 =	smax.u32 s9, $0x1;
	[dreg:$0x13] =	wrdreg s26  }
0x1c: {  	s9 =	sadd.s32 s10, s7;
	s10 =	simm.s32 $0x880;
	[dreg:$0x14] =	wrdreg s1  }
0x1d: {  	s11 =	sadd.s32 $0x3C00, s11;
	s20 =	sshrl.u32 s6, $0x3;
	[dreg:$0x15] =	wrdreg s9  }
.Ltmp0:
0x1e: {  	s7 =	simm.s32 $0x780;
	[dreg:$0x16] =	wrdreg s11;
	(pc) =	sbr.rel .LBB2_1-.Ltmp0, $4  }
0x1f: {  	s8 =	simm.s32 $0xF00;
	[dreg:$0x5] =	wrdreg s10;
	s11 =	simm.s32 $0x9000  }
0x20: {  	s1 =	sor.u32 $0x1C03, s17;
	[dreg:$0x18] =	wrdreg s20;
	s17 =	simm.s32 $0x1000  }
0x21: {  	s26 =	simm.s32 $0xB80;
	s20 =	simm.s32 $0x2;
	[dreg:$0x17] =	wrdreg s1  }
0x22: {  	v0 =	vimm.f32 $0.0e+00;
	[dreg:$0x11] =	wrdreg s26;
	s26 =	simm.s32 $0xD00;
	s1 =	simm.s32 $0x700  }
.LBB2_8:
0x23: {  	[sflag:s12] =	ssyncadd.s32 $0xFFFFC000;
	s14 =	rddreg [dreg:$0x19]  }
.LBB2_9:
0x24: {  	[bflag:$0x0] =	sbarrier.arrive $0xFFFF  }
0x25: {  	s5 =	rddreg [dreg:$0x13]  }
0x26: {  	s9 =	rddreg [dreg:$0x17]  }
0x27: {  	s10 =	rddreg [dreg:$0x18]  }
0x28: {  	[hbm:s5], [sflag:s9] =	dma.local [spmem:s10], $0x2800  }
0x29: {  	_ =	swait.ge [sflag:s12], $0x2800  }
0x2a: {  	s14 =	sadd.s32 $0x1, s14;
	s10 =	rddreg [dreg:$0x14]  }
0x2b: {  	p1 =	sne.s32 s14, s10  }
.Ltmp1:
0x2c: {  	_ = 	snop;
	(pc) =	sbr.rel @!p1 .LBB2_10-.Ltmp1, $3  }
0x2d: {  	_ =	sdelay $0x1  }
0x2e: {  	[sflag:s12] =	ssyncset.done $0x0  }
0x2f: {  	[sflag:s12] =	ssyncadd.s32 $0xFFFFD800  }
.LBB2_1:
0x30: {  	s5 =	simm.s32 $0x0;
	s9 =	simm.s32 $0x200  }
.LBB2_2:
0x31: {  	p1 =	sne.s32 s9, $0x1E00;
	[tilespmem:s5+$0x9070] =	vst v0  }
0x32: {  	[tilespmem:s5+$0x9000] =	vst v0  }
0x33: {  	[tilespmem:s5+$0x9010] =	vst v0  }
.Ltmp2:
0x34: {  	[tilespmem:s5+$0x9020] =	vst v0;
	(pc) =	sbr.rel @p1 .LBB2_2-.Ltmp2, $4  }
0x35: {  	[tilespmem:s5+$0x9030] =	vst v0  }
0x36: {  	[tilespmem:s5+$0x9040] =	vst v0  }
0x37: {  	[tilespmem:s5+$0x9050] =	vst v0  }
0x38: {  	[tilespmem:s5+$0x9060] =	vst v0;
	s5 =	sshra.s32 s9, $0x2;
	s9 =	sadd.s32 $0x200, s9  }
0x39: {  	[tilespmem:s5+$0x9070] =	vst v0  }
0x3a: {  	[tilespmem:s5+$0x9000] =	vst v0  }
0x3b: {  	[tilespmem:s5+$0x9010] =	vst v0  }
0x3c: {  	[tilespmem:s5+$0x9020] =	vst v0  }
0x3d: {  	[tilespmem:s5+$0x9030] =	vst v0  }
0x3e: {  	[tilespmem:s5+$0x9040] =	vst v0  }
0x3f: {  	[tilespmem:s5+$0x9050] =	vst v0  }
0x40: {  	[tilespmem:s5+$0x9060] =	vst v0;
	s10 =	sadd.s32 $0x0, s6  }
0x41: {  	[spmem:s10] =	stream.linear.scatter [tilespmem:s11], [sflag:$0x3], $0x800, $0x38;
	[tilespmem:$0x1D800] =	vst v63  }
0x42: {  	s5 =	simm.s32 $0x2000;
	_ =	swait.ge [sflag:s12], $0x800  }
.LBB2_4:
0x43: {  	s9 =	sshra.s32 s5, $0x2;
	[sflag:s12] =	ssyncset.done $0x0;
	p1 =	sne.s32 s5, $0x4E000  }
.Ltmp3:
0x44: {  	s9 =	sadd.s32 s9, s6;
	[sflag:s12] =	ssyncadd.s32 $0xFFFFF800;
	(pc) =	sbr.rel @p1 .LBB2_4-.Ltmp3, $3  }
0x45: {  	[spmem:s9] =	stream.linear.scatter [tilespmem:s11], [sflag:$0x3], $0x800, $0x38;
	[tilespmem:$0x1D800] =	vst v63  }
0x46: {  	s5 =	sadd.s32 $0x2000, s5;
	_ =	sdelay $0x1  }
0x47: {  	_ =	swait.ge [sflag:s12], $0x800  }
.Ltmp4:
0x48: {  	(pc) =	sbr.rel @p0 .LBB2_9-.Ltmp4, $3  }
0x49: {  	[sflag:s12] =	ssyncset.done $0x0  }
0x4a: {  	[sflag:s12] =	ssyncadd.s32 $0xFFFFF800  }
0x4b: {  	[bflag:$0x0] =	sbarrier.arrive $0xFFFF;
	_ =	sdelay $0x1  }
0x4c: {  	[dreg:$0x19] =	wrdreg s14  }
0x4d: {  	s14 =	rddreg [dreg:$0x16]  }
0x4e: {  	[tilespmem:s3], [sflag:$0x3] =	stream.linear.gather [hbm4b:s14+s3], $0x800, $0x38;
	[tilespmem:$0x1D800] =	vst v63  }
0x4f: {  	_ =	swait.ge [sflag:s12], $0x800  }
0x50: {  	[sflag:s12] =	ssyncset.done $0x0  }
0x51: {  	s10 =	rddreg [dreg:$0x15];
	[sflag:s12] =	ssyncadd.s32 $0xFFFFF800  }
0x52: {  	[tilespmem:s15], [sflag:$0x3] =	stream.linear.gather [hbm4b:s10+s3], $0x800, $0x38;
	[tilespmem:$0x1D800] =	vst v63  }
0x53: {  	_ =	swait.ge [sflag:s12], $0x800  }
0x54: {  	[sflag:s12] =	ssyncset.done $0x0  }
0x55: {  	[sflag:s12] =	ssyncadd.s32 $0xFFFFF800  }
0x56: {  	[tilespmem:s17], [sflag:$0x1] =	stream.indirect.gather [hbm4b:s4+s16], $0x80, s3, s16, $0xb8;
	[tilespmem:$0x1D800] =	vst v63  }
0x57: {  	_ = 	snop  }
0x58: {  	[tilespmem:s18], [sflag:$0x2] =	stream.indirect.gather [hbm4b:s4+s16], $0x80, s16, s16, $0xb8;
	[tilespmem:$0x1D800] =	vst v63  }
0x59: {  	_ =	swait.ge [sflag:s19], $0x4000  }
0x5a: {  	[sflag:s19] =	ssyncset.done $0x0  }
0x5b: {  	[sflag:s19] =	ssyncadd.s32 $0xFFFFC000  }
0x5c: {  	[spmem:s2] =	stream.indirect.scatter.add.f32 [tilespmem:s17], [sflag:$0x3], $0x80, s15, s16, $0xb8;
	[tilespmem:$0x1D800] =	vst v63  }
0x5d: {  	_ =	swait.ge [sflag:s12], $0x4000  }
0x5e: {  	[sflag:s12] =	ssyncset.done $0x0  }
0x5f: {  	s5 =	rddreg [dreg:$0x4];
	[sflag:s12] =	ssyncadd.s32 $0xFFFFC000  }
0x60: {  	[tilespmem:s17], [sflag:$0x1] =	stream.indirect.gather [hbm4b:s4+s16], $0x80, s5, s16, $0xb8;
	[tilespmem:$0x1D800] =	vst v63  }
0x61: {  	_ =	swait.ge [sflag:s20], $0x4000  }
0x62: {  	[sflag:s20] =	ssyncset.done $0x0  }
0x63: {  	s9 =	rddreg [dreg:$0x5];
	[sflag:s20] =	ssyncadd.s32 $0xFFFFC000  }
0x64: {  	[spmem:s2] =	stream.indirect.scatter.add.f32 [tilespmem:s18], [sflag:$0x3], $0x80, s9, s16, $0xb8;
	[tilespmem:$0x1D800] =	vst v63  }
0x65: {  	_ =	swait.ge [sflag:s12], $0x4000  }
0x66: {  	[sflag:s12] =	ssyncset.done $0x0  }
0x67: {  	s9 =	rddreg [dreg:$0x6];
	[sflag:s12] =	ssyncadd.s32 $0xFFFFC000  }
0x68: {  	[tilespmem:s18], [sflag:$0x2] =	stream.indirect.gather [hbm4b:s4+s16], $0x80, s9, s16, $0xb8;
	[tilespmem:$0x1D800] =	vst v63  }
0x69: {  	_ =	swait.ge [sflag:s19], $0x4000  }
0x6a: {  	[sflag:s19] =	ssyncset.done $0x0  }
0x6b: {  	s9 =	rddreg [dreg:$0x7];
	[sflag:s19] =	ssyncadd.s32 $0xFFFFC000  }
0x6c: {  	[spmem:s2] =	stream.indirect.scatter.add.f32 [tilespmem:s17], [sflag:$0x3], $0x80, s9, s16, $0xb8;
	[tilespmem:$0x1D800] =	vst v63  }
0x6d: {  	_ =	swait.ge [sflag:s12], $0x4000  }
0x6e: {  	[sflag:s12] =	ssyncset.done $0x0  }
0x6f: {  	s9 =	rddreg [dreg:$0x8];
	[sflag:s12] =	ssyncadd.s32 $0xFFFFC000  }
0x70: {  	[tilespmem:s17], [sflag:$0x1] =	stream.indirect.gather [hbm4b:s4+s16], $0x80, s9, s16, $0xb8;
	[tilespmem:$0x1D800] =	vst v63  }
0x71: {  	_ =	swait.ge [sflag:s20], $0x4000  }
0x72: {  	[sflag:s20] =	ssyncset.done $0x0  }
0x73: {  	s9 =	rddreg [dreg:$0x9];
	[sflag:s20] =	ssyncadd.s32 $0xFFFFC000  }
0x74: {  	[spmem:s2] =	stream.indirect.scatter.add.f32 [tilespmem:s18], [sflag:$0x3], $0x80, s9, s16, $0xb8;
	[tilespmem:$0x1D800] =	vst v63  }
0x75: {  	_ =	swait.ge [sflag:s12], $0x4000  }
0x76: {  	[sflag:s12] =	ssyncset.done $0x0  }
0x77: {  	s9 =	rddreg [dreg:$0xa];
	[sflag:s12] =	ssyncadd.s32 $0xFFFFC000  }
0x78: {  	[tilespmem:s18], [sflag:$0x2] =	stream.indirect.gather [hbm4b:s4+s16], $0x80, s9, s16, $0xb8;
	[tilespmem:$0x1D800] =	vst v63  }
0x79: {  	_ =	swait.ge [sflag:s19], $0x4000  }
0x7a: {  	[sflag:s19] =	ssyncset.done $0x0  }
0x7b: {  	s9 =	rddreg [dreg:$0xb];
	[sflag:s19] =	ssyncadd.s32 $0xFFFFC000  }
0x7c: {  	[spmem:s2] =	stream.indirect.scatter.add.f32 [tilespmem:s17], [sflag:$0x3], $0x80, s9, s16, $0xb8;
	[tilespmem:$0x1D800] =	vst v63  }
0x7d: {  	_ =	swait.ge [sflag:s12], $0x4000  }
0x7e: {  	[sflag:s12] =	ssyncset.done $0x0  }
0x7f: {  	s9 =	rddreg [dreg:$0xc];
	[sflag:s12] =	ssyncadd.s32 $0xFFFFC000  }
0x80: {  	[tilespmem:s17], [sflag:$0x1] =	stream.indirect.gather [hbm4b:s4+s16], $0x80, s9, s16, $0xb8;
	[tilespmem:$0x1D800] =	vst v63  }
0x81: {  	_ =	swait.ge [sflag:s20], $0x4000  }
0x82: {  	[sflag:s20] =	ssyncset.done $0x0  }
0x83: {  	s9 =	rddreg [dreg:$0xd];
	[sflag:s20] =	ssyncadd.s32 $0xFFFFC000  }
0x84: {  	[spmem:s2] =	stream.indirect.scatter.add.f32 [tilespmem:s18], [sflag:$0x3], $0x80, s9, s16, $0xb8;
	[tilespmem:$0x1D800] =	vst v63  }
0x85: {  	_ =	swait.ge [sflag:s12], $0x4000  }
0x86: {  	[sflag:s12] =	ssyncset.done $0x0  }
0x87: {  	s9 =	rddreg [dreg:$0xe];
	[sflag:s12] =	ssyncadd.s32 $0xFFFFC000  }
0x88: {  	[tilespmem:s18], [sflag:$0x2] =	stream.indirect.gather [hbm4b:s4+s16], $0x80, s9, s16, $0xb8;
	[tilespmem:$0x1D800] =	vst v63  }
0x89: {  	_ =	swait.ge [sflag:s19], $0x4000  }
0x8a: {  	[sflag:s19] =	ssyncset.done $0x0  }
0x8b: {  	s9 =	rddreg [dreg:$0xf];
	[sflag:s19] =	ssyncadd.s32 $0xFFFFC000  }
0x8c: {  	[spmem:s2] =	stream.indirect.scatter.add.f32 [tilespmem:s17], [sflag:$0x3], $0x80, s9, s16, $0xb8;
	[tilespmem:$0x1D800] =	vst v63  }
0x8d: {  	_ =	swait.ge [sflag:s12], $0x4000  }
0x8e: {  	[sflag:s12] =	ssyncset.done $0x0  }
0x8f: {  	s9 =	rddreg [dreg:$0x10];
	[sflag:s12] =	ssyncadd.s32 $0xFFFFC000  }
0x90: {  	[tilespmem:s17], [sflag:$0x1] =	stream.indirect.gather [hbm4b:s4+s16], $0x80, s9, s16, $0xb8;
	[tilespmem:$0x1D800] =	vst v63  }
0x91: {  	_ =	swait.ge [sflag:s20], $0x4000  }
0x92: {  	[sflag:s20] =	ssyncset.done $0x0  }
0x93: {  	s9 =	rddreg [dreg:$0x11];
	[sflag:s20] =	ssyncadd.s32 $0xFFFFC000  }
0x94: {  	[spmem:s2] =	stream.indirect.scatter.add.f32 [tilespmem:s18], [sflag:$0x3], $0x80, s9, s16, $0xb8;
	[tilespmem:$0x1D800] =	vst v63  }
0x95: {  	_ =	swait.ge [sflag:s12], $0x4000  }
0x96: {  	[sflag:s12] =	ssyncset.done $0x0  }
0x97: {  	[sflag:s12] =	ssyncadd.s32 $0xFFFFC000  }
0x98: {  	[tilespmem:s18], [sflag:$0x2] =	stream.indirect.gather [hbm4b:s4+s16], $0x80, s21, s16, $0xb8;
	[tilespmem:$0x1D800] =	vst v63  }
0x99: {  	_ =	swait.ge [sflag:s19], $0x4000  }
0x9a: {  	[sflag:s19] =	ssyncset.done $0x0  }
0x9b: {  	[sflag:s19] =	ssyncadd.s32 $0xFFFFC000  }
0x9c: {  	[spmem:s2] =	stream.indirect.scatter.add.f32 [tilespmem:s17], [sflag:$0x3], $0x80, s22, s16, $0xb8;
	[tilespmem:$0x1D800] =	vst v63  }
0x9d: {  	_ =	swait.ge [sflag:s12], $0x4000  }
0x9e: {  	[sflag:s12] =	ssyncset.done $0x0  }
0x9f: {  	[sflag:s12] =	ssyncadd.s32 $0xFFFFC000  }
0xa0: {  	[tilespmem:s17], [sflag:$0x1] =	stream.indirect.gather [hbm4b:s4+s16], $0x80, s23, s16, $0xb8;
	[tilespmem:$0x1D800] =	vst v63  }
0xa1: {  	_ =	swait.ge [sflag:s20], $0x4000  }
0xa2: {  	[sflag:s20] =	ssyncset.done $0x0  }
0xa3: {  	[sflag:s20] =	ssyncadd.s32 $0xFFFFC000  }
0xa4: {  	[spmem:s2] =	stream.indirect.scatter.add.f32 [tilespmem:s18], [sflag:$0x3], $0x80, s24, s16, $0xb8;
	[tilespmem:$0x1D800] =	vst v63  }
0xa5: {  	_ =	swait.ge [sflag:s12], $0x4000  }
0xa6: {  	[sflag:s12] =	ssyncset.done $0x0  }
0xa7: {  	[sflag:s12] =	ssyncadd.s32 $0xFFFFC000  }
0xa8: {  	[tilespmem:s18], [sflag:$0x2] =	stream.indirect.gather [hbm4b:s4+s16], $0x80, s25, s16, $0xb8;
	[tilespmem:$0x1D800] =	vst v63  }
0xa9: {  	_ =	swait.ge [sflag:s19], $0x4000  }
0xaa: {  	[sflag:s19] =	ssyncset.done $0x0  }
0xab: {  	[sflag:s19] =	ssyncadd.s32 $0xFFFFC000  }
0xac: {  	[spmem:s2] =	stream.indirect.scatter.add.f32 [tilespmem:s17], [sflag:$0x3], $0x80, s26, s16, $0xb8;
	[tilespmem:$0x1D800] =	vst v63  }
0xad: {  	_ =	swait.ge [sflag:s12], $0x4000  }
0xae: {  	[sflag:s12] =	ssyncset.done $0x0  }
0xaf: {  	[sflag:s12] =	ssyncadd.s32 $0xFFFFC000  }
0xb0: {  	[tilespmem:s17], [sflag:$0x1] =	stream.indirect.gather [hbm4b:s4+s16], $0x80, s28, s16, $0xb8;
	[tilespmem:$0x1D800] =	vst v63  }
0xb1: {  	_ =	swait.ge [sflag:s20], $0x4000  }
0xb2: {  	[sflag:s20] =	ssyncset.done $0x0  }
0xb3: {  	[sflag:s20] =	ssyncadd.s32 $0xFFFFC000  }
0xb4: {  	[spmem:s2] =	stream.indirect.scatter.add.f32 [tilespmem:s18], [sflag:$0x3], $0x80, s29, s16, $0xb8;
	[tilespmem:$0x1D800] =	vst v63  }
0xb5: {  	_ =	swait.ge [sflag:s12], $0x4000  }
0xb6: {  	[sflag:s12] =	ssyncset.done $0x0  }
0xb7: {  	[sflag:s12] =	ssyncadd.s32 $0xFFFFC000  }
0xb8: {  	[tilespmem:s18], [sflag:$0x2] =	stream.indirect.gather [hbm4b:s4+s16], $0x80, s30, s16, $0xb8;
	[tilespmem:$0x1D800] =	vst v63  }
0xb9: {  	_ =	swait.ge [sflag:s19], $0x4000  }
0xba: {  	[sflag:s19] =	ssyncset.done $0x0  }
0xbb: {  	[sflag:s19] =	ssyncadd.s32 $0xFFFFC000  }
0xbc: {  	[spmem:s2] =	stream.indirect.scatter.add.f32 [tilespmem:s17], [sflag:$0x3], $0x80, s31, s16, $0xb8;
	[tilespmem:$0x1D800] =	vst v63  }
0xbd: {  	_ =	swait.ge [sflag:s12], $0x4000  }
0xbe: {  	[sflag:s12] =	ssyncset.done $0x0  }
0xbf: {  	[sflag:s12] =	ssyncadd.s32 $0xFFFFC000  }
0xc0: {  	[tilespmem:s17], [sflag:$0x1] =	stream.indirect.gather [hbm4b:s4+s16], $0x80, s1, s16, $0xb8;
	[tilespmem:$0x1D800] =	vst v63  }
0xc1: {  	_ =	swait.ge [sflag:s20], $0x4000  }
0xc2: {  	[sflag:s20] =	ssyncset.done $0x0  }
0xc3: {  	[sflag:s20] =	ssyncadd.s32 $0xFFFFC000  }
0xc4: {  	[spmem:s2] =	stream.indirect.scatter.add.f32 [tilespmem:s18], [sflag:$0x3], $0x80, s0, s16, $0xb8;
	[tilespmem:$0x1D800] =	vst v63  }
0xc5: {  	_ =	swait.ge [sflag:s12], $0x4000  }
0xc6: {  	[sflag:s12] =	ssyncset.done $0x0  }
0xc7: {  	[sflag:s12] =	ssyncadd.s32 $0xFFFFC000  }
0xc8: {  	[tilespmem:s18], [sflag:$0x2] =	stream.indirect.gather [hbm4b:s4+s16], $0x80, s7, s16, $0xb8;
	[tilespmem:$0x1D800] =	vst v63  }
0xc9: {  	_ =	swait.ge [sflag:s19], $0x4000  }
0xca: {  	[sflag:s19] =	ssyncset.done $0x0  }
0xcb: {  	[sflag:s19] =	ssyncadd.s32 $0xFFFFC000  }
0xcc: {  	[spmem:s2] =	stream.indirect.scatter.add.f32 [tilespmem:s17], [sflag:$0x3], $0x80, s8, s16, $0xb8;
	[tilespmem:$0x1D800] =	vst v63  }
0xcd: {  	_ =	swait.ge [sflag:s12], $0x4000  }
0xce: {  	[sflag:s12] =	ssyncset.done $0x0  }
0xcf: {  	[sflag:s12] =	ssyncadd.s32 $0xFFFFC000  }
0xd0: {  	_ =	swait.ge [sflag:s20], $0x4000  }
0xd1: {  	s9 =	rddreg [dreg:$0x12]  }
0xd2: {  	p1 =	sne.s32 s9, $0x1  }
.Ltmp5:
0xd3: {  	[sflag:s20] =	ssyncset.done $0x0;
	(pc) =	sbr.rel @!p1 .LBB2_8-.Ltmp5, $4  }
0xd4: {  	[sflag:s20] =	ssyncadd.s32 $0xFFFFC000  }
0xd5: {  	[spmem:s2] =	stream.indirect.scatter.add.f32 [tilespmem:s18], [sflag:$0x3], $0x80, s13, s16, $0xb8;
	[tilespmem:$0x1D800] =	vst v63  }
0xd6: {  	_ =	swait.ge [sflag:s12], $0x4000  }
0xd7: {  	s5 =	smov.u32 s14;
	s9 =	sadd.s32 $0xFFFFFFFF, s9;
	[sflag:s12] =	ssyncset.done $0x0  }
.LBB2_7:
0xd8: {  	[sflag:s12] =	ssyncadd.s32 $0xFFFFC000;
	s5 =	sadd.s32 $0x100, s5  }
0xd9: {  	[tilespmem:s3], [sflag:$0x3] =	stream.linear.gather [hbm4b:s5+s3], $0x800, $0x38;
	[tilespmem:$0x1D800] =	vst v63  }
0xda: {  	_ =	swait.ge [sflag:s12], $0x800  }
0xdb: {  	[sflag:s12] =	ssyncset.done $0x0  }
0xdc: {  	s10 =	sadd.s32 $0x100, s10;
	[sflag:s12] =	ssyncadd.s32 $0xFFFFF800  }
0xdd: {  	[tilespmem:s15], [sflag:$0x3] =	stream.linear.gather [hbm4b:s10+s3], $0x800, $0x38;
	[tilespmem:$0x1D800] =	vst v63  }
0xde: {  	_ =	swait.ge [sflag:s12], $0x800  }
0xdf: {  	[sflag:s12] =	ssyncset.done $0x0  }
0xe0: {  	[sflag:s12] =	ssyncadd.s32 $0xFFFFF800  }
0xe1: {  	[tilespmem:s17], [sflag:$0x1] =	stream.indirect.gather [hbm4b:s4+s16], $0x80, s3, s16, $0xb8;
	[tilespmem:$0x1D800] =	vst v63  }
0xe2: {  	_ = 	snop  }
0xe3: {  	[tilespmem:s18], [sflag:$0x2] =	stream.indirect.gather [hbm4b:s4+s16], $0x80, s16, s16, $0xb8;
	[tilespmem:$0x1D800] =	vst v63  }
0xe4: {  	_ =	swait.ge [sflag:s19], $0x4000  }
0xe5: {  	[sflag:s19] =	ssyncset.done $0x0  }
0xe6: {  	[sflag:s19] =	ssyncadd.s32 $0xFFFFC000  }
0xe7: {  	[spmem:s2] =	stream.indirect.scatter.add.f32 [tilespmem:s17], [sflag:$0x3], $0x80, s15, s16, $0xb8;
	[tilespmem:$0x1D800] =	vst v63  }
0xe8: {  	_ =	swait.ge [sflag:s12], $0x4000  }
0xe9: {  	[sflag:s12] =	ssyncset.done $0x0  }
0xea: {  	s14 =	rddreg [dreg:$0x4];
	[sflag:s12] =	ssyncadd.s32 $0xFFFFC000  }
0xeb: {  	[tilespmem:s17], [sflag:$0x1] =	stream.indirect.gather [hbm4b:s4+s16], $0x80, s14, s16, $0xb8;
	[tilespmem:$0x1D800] =	vst v63  }
0xec: {  	_ =	swait.ge [sflag:s20], $0x4000  }
0xed: {  	[sflag:s20] =	ssyncset.done $0x0  }
0xee: {  	s14 =	rddreg [dreg:$0x5];
	[sflag:s20] =	ssyncadd.s32 $0xFFFFC000  }
0xef: {  	[spmem:s2] =	stream.indirect.scatter.add.f32 [tilespmem:s18], [sflag:$0x3], $0x80, s14, s16, $0xb8;
	[tilespmem:$0x1D800] =	vst v63  }
0xf0: {  	_ =	swait.ge [sflag:s12], $0x4000  }
0xf1: {  	[sflag:s12] =	ssyncset.done $0x0  }
0xf2: {  	s14 =	rddreg [dreg:$0x6];
	[sflag:s12] =	ssyncadd.s32 $0xFFFFC000  }
0xf3: {  	[tilespmem:s18], [sflag:$0x2] =	stream.indirect.gather [hbm4b:s4+s16], $0x80, s14, s16, $0xb8;
	[tilespmem:$0x1D800] =	vst v63  }
0xf4: {  	_ =	swait.ge [sflag:s19], $0x4000  }
0xf5: {  	[sflag:s19] =	ssyncset.done $0x0  }
0xf6: {  	s14 =	rddreg [dreg:$0x7];
	[sflag:s19] =	ssyncadd.s32 $0xFFFFC000  }
0xf7: {  	[spmem:s2] =	stream.indirect.scatter.add.f32 [tilespmem:s17], [sflag:$0x3], $0x80, s14, s16, $0xb8;
	[tilespmem:$0x1D800] =	vst v63  }
0xf8: {  	_ =	swait.ge [sflag:s12], $0x4000  }
0xf9: {  	[sflag:s12] =	ssyncset.done $0x0  }
0xfa: {  	s14 =	rddreg [dreg:$0x8];
	[sflag:s12] =	ssyncadd.s32 $0xFFFFC000  }
0xfb: {  	[tilespmem:s17], [sflag:$0x1] =	stream.indirect.gather [hbm4b:s4+s16], $0x80, s14, s16, $0xb8;
	[tilespmem:$0x1D800] =	vst v63  }
0xfc: {  	_ =	swait.ge [sflag:s20], $0x4000  }
0xfd: {  	[sflag:s20] =	ssyncset.done $0x0  }
0xfe: {  	s14 =	rddreg [dreg:$0x9];
	[sflag:s20] =	ssyncadd.s32 $0xFFFFC000  }
0xff: {  	[spmem:s2] =	stream.indirect.scatter.add.f32 [tilespmem:s18], [sflag:$0x3], $0x80, s14, s16, $0xb8;
	[tilespmem:$0x1D800] =	vst v63  }
0x100: {  	_ =	swait.ge [sflag:s12], $0x4000  }
0x101: {  	[sflag:s12] =	ssyncset.done $0x0  }
0x102: {  	s14 =	rddreg [dreg:$0xa];
	[sflag:s12] =	ssyncadd.s32 $0xFFFFC000  }
0x103: {  	[tilespmem:s18], [sflag:$0x2] =	stream.indirect.gather [hbm4b:s4+s16], $0x80, s14, s16, $0xb8;
	[tilespmem:$0x1D800] =	vst v63  }
0x104: {  	_ =	swait.ge [sflag:s19], $0x4000  }
0x105: {  	[sflag:s19] =	ssyncset.done $0x0  }
0x106: {  	s14 =	rddreg [dreg:$0xb];
	[sflag:s19] =	ssyncadd.s32 $0xFFFFC000  }
0x107: {  	[spmem:s2] =	stream.indirect.scatter.add.f32 [tilespmem:s17], [sflag:$0x3], $0x80, s14, s16, $0xb8;
	[tilespmem:$0x1D800] =	vst v63  }
0x108: {  	_ =	swait.ge [sflag:s12], $0x4000  }
0x109: {  	[sflag:s12] =	ssyncset.done $0x0  }
0x10a: {  	s14 =	rddreg [dreg:$0xc];
	[sflag:s12] =	ssyncadd.s32 $0xFFFFC000  }
0x10b: {  	[tilespmem:s17], [sflag:$0x1] =	stream.indirect.gather [hbm4b:s4+s16], $0x80, s14, s16, $0xb8;
	[tilespmem:$0x1D800] =	vst v63  }
0x10c: {  	_ =	swait.ge [sflag:s20], $0x4000  }
0x10d: {  	[sflag:s20] =	ssyncset.done $0x0  }
0x10e: {  	s14 =	rddreg [dreg:$0xd];
	[sflag:s20] =	ssyncadd.s32 $0xFFFFC000  }
0x10f: {  	[spmem:s2] =	stream.indirect.scatter.add.f32 [tilespmem:s18], [sflag:$0x3], $0x80, s14, s16, $0xb8;
	[tilespmem:$0x1D800] =	vst v63  }
0x110: {  	_ =	swait.ge [sflag:s12], $0x4000  }
0x111: {  	[sflag:s12] =	ssyncset.done $0x0  }
0x112: {  	s14 =	rddreg [dreg:$0xe];
	[sflag:s12] =	ssyncadd.s32 $0xFFFFC000  }
0x113: {  	[tilespmem:s18], [sflag:$0x2] =	stream.indirect.gather [hbm4b:s4+s16], $0x80, s14, s16, $0xb8;
	[tilespmem:$0x1D800] =	vst v63  }
0x114: {  	_ =	swait.ge [sflag:s19], $0x4000  }
0x115: {  	[sflag:s19] =	ssyncset.done $0x0  }
0x116: {  	s14 =	rddreg [dreg:$0xf];
	[sflag:s19] =	ssyncadd.s32 $0xFFFFC000  }
0x117: {  	[spmem:s2] =	stream.indirect.scatter.add.f32 [tilespmem:s17], [sflag:$0x3], $0x80, s14, s16, $0xb8;
	[tilespmem:$0x1D800] =	vst v63  }
0x118: {  	_ =	swait.ge [sflag:s12], $0x4000  }
0x119: {  	[sflag:s12] =	ssyncset.done $0x0  }
0x11a: {  	s14 =	rddreg [dreg:$0x10];
	[sflag:s12] =	ssyncadd.s32 $0xFFFFC000  }
0x11b: {  	[tilespmem:s17], [sflag:$0x1] =	stream.indirect.gather [hbm4b:s4+s16], $0x80, s14, s16, $0xb8;
	[tilespmem:$0x1D800] =	vst v63  }
0x11c: {  	_ =	swait.ge [sflag:s20], $0x4000  }
0x11d: {  	[sflag:s20] =	ssyncset.done $0x0  }
0x11e: {  	s14 =	rddreg [dreg:$0x11];
	[sflag:s20] =	ssyncadd.s32 $0xFFFFC000  }
0x11f: {  	[spmem:s2] =	stream.indirect.scatter.add.f32 [tilespmem:s18], [sflag:$0x3], $0x80, s14, s16, $0xb8;
	[tilespmem:$0x1D800] =	vst v63  }
0x120: {  	_ =	swait.ge [sflag:s12], $0x4000  }
0x121: {  	[sflag:s12] =	ssyncset.done $0x0  }
0x122: {  	[sflag:s12] =	ssyncadd.s32 $0xFFFFC000  }
0x123: {  	[tilespmem:s18], [sflag:$0x2] =	stream.indirect.gather [hbm4b:s4+s16], $0x80, s21, s16, $0xb8;
	[tilespmem:$0x1D800] =	vst v63  }
0x124: {  	_ =	swait.ge [sflag:s19], $0x4000  }
0x125: {  	[sflag:s19] =	ssyncset.done $0x0  }
0x126: {  	[sflag:s19] =	ssyncadd.s32 $0xFFFFC000  }
0x127: {  	[spmem:s2] =	stream.indirect.scatter.add.f32 [tilespmem:s17], [sflag:$0x3], $0x80, s22, s16, $0xb8;
	[tilespmem:$0x1D800] =	vst v63  }
0x128: {  	_ =	swait.ge [sflag:s12], $0x4000  }
0x129: {  	[sflag:s12] =	ssyncset.done $0x0  }
0x12a: {  	[sflag:s12] =	ssyncadd.s32 $0xFFFFC000  }
0x12b: {  	[tilespmem:s17], [sflag:$0x1] =	stream.indirect.gather [hbm4b:s4+s16], $0x80, s23, s16, $0xb8;
	[tilespmem:$0x1D800] =	vst v63  }
0x12c: {  	_ =	swait.ge [sflag:s20], $0x4000  }
0x12d: {  	[sflag:s20] =	ssyncset.done $0x0  }
0x12e: {  	[sflag:s20] =	ssyncadd.s32 $0xFFFFC000  }
0x12f: {  	[spmem:s2] =	stream.indirect.scatter.add.f32 [tilespmem:s18], [sflag:$0x3], $0x80, s24, s16, $0xb8;
	[tilespmem:$0x1D800] =	vst v63  }
0x130: {  	_ =	swait.ge [sflag:s12], $0x4000  }
0x131: {  	[sflag:s12] =	ssyncset.done $0x0  }
0x132: {  	[sflag:s12] =	ssyncadd.s32 $0xFFFFC000  }
0x133: {  	[tilespmem:s18], [sflag:$0x2] =	stream.indirect.gather [hbm4b:s4+s16], $0x80, s25, s16, $0xb8;
	[tilespmem:$0x1D800] =	vst v63  }
0x134: {  	_ =	swait.ge [sflag:s19], $0x4000  }
0x135: {  	[sflag:s19] =	ssyncset.done $0x0  }
0x136: {  	[sflag:s19] =	ssyncadd.s32 $0xFFFFC000  }
0x137: {  	[spmem:s2] =	stream.indirect.scatter.add.f32 [tilespmem:s17], [sflag:$0x3], $0x80, s26, s16, $0xb8;
	[tilespmem:$0x1D800] =	vst v63  }
0x138: {  	_ =	swait.ge [sflag:s12], $0x4000  }
0x139: {  	[sflag:s12] =	ssyncset.done $0x0  }
0x13a: {  	[sflag:s12] =	ssyncadd.s32 $0xFFFFC000  }
0x13b: {  	[tilespmem:s17], [sflag:$0x1] =	stream.indirect.gather [hbm4b:s4+s16], $0x80, s28, s16, $0xb8;
	[tilespmem:$0x1D800] =	vst v63  }
0x13c: {  	_ =	swait.ge [sflag:s20], $0x4000  }
0x13d: {  	[sflag:s20] =	ssyncset.done $0x0  }
0x13e: {  	[sflag:s20] =	ssyncadd.s32 $0xFFFFC000  }
0x13f: {  	[spmem:s2] =	stream.indirect.scatter.add.f32 [tilespmem:s18], [sflag:$0x3], $0x80, s29, s16, $0xb8;
	[tilespmem:$0x1D800] =	vst v63  }
0x140: {  	_ =	swait.ge [sflag:s12], $0x4000  }
0x141: {  	[sflag:s12] =	ssyncset.done $0x0  }
0x142: {  	[sflag:s12] =	ssyncadd.s32 $0xFFFFC000  }
0x143: {  	[tilespmem:s18], [sflag:$0x2] =	stream.indirect.gather [hbm4b:s4+s16], $0x80, s30, s16, $0xb8;
	[tilespmem:$0x1D800] =	vst v63  }
0x144: {  	_ =	swait.ge [sflag:s19], $0x4000  }
0x145: {  	[sflag:s19] =	ssyncset.done $0x0  }
0x146: {  	[sflag:s19] =	ssyncadd.s32 $0xFFFFC000  }
0x147: {  	[spmem:s2] =	stream.indirect.scatter.add.f32 [tilespmem:s17], [sflag:$0x3], $0x80, s31, s16, $0xb8;
	[tilespmem:$0x1D800] =	vst v63  }
0x148: {  	_ =	swait.ge [sflag:s12], $0x4000  }
0x149: {  	[sflag:s12] =	ssyncset.done $0x0  }
0x14a: {  	[sflag:s12] =	ssyncadd.s32 $0xFFFFC000  }
0x14b: {  	[tilespmem:s17], [sflag:$0x1] =	stream.indirect.gather [hbm4b:s4+s16], $0x80, s1, s16, $0xb8;
	[tilespmem:$0x1D800] =	vst v63  }
0x14c: {  	_ =	swait.ge [sflag:s20], $0x4000  }
0x14d: {  	[sflag:s20] =	ssyncset.done $0x0  }
0x14e: {  	[sflag:s20] =	ssyncadd.s32 $0xFFFFC000  }
0x14f: {  	[spmem:s2] =	stream.indirect.scatter.add.f32 [tilespmem:s18], [sflag:$0x3], $0x80, s0, s16, $0xb8;
	[tilespmem:$0x1D800] =	vst v63  }
0x150: {  	_ =	swait.ge [sflag:s12], $0x4000  }
0x151: {  	[sflag:s12] =	ssyncset.done $0x0  }
0x152: {  	[sflag:s12] =	ssyncadd.s32 $0xFFFFC000  }
0x153: {  	[tilespmem:s18], [sflag:$0x2] =	stream.indirect.gather [hbm4b:s4+s16], $0x80, s7, s16, $0xb8;
	[tilespmem:$0x1D800] =	vst v63  }
0x154: {  	_ =	swait.ge [sflag:s19], $0x4000  }
0x155: {  	[sflag:s19] =	ssyncset.done $0x0  }
0x156: {  	[sflag:s19] =	ssyncadd.s32 $0xFFFFC000  }
0x157: {  	[spmem:s2] =	stream.indirect.scatter.add.f32 [tilespmem:s17], [sflag:$0x3], $0x80, s8, s16, $0xb8;
	[tilespmem:$0x1D800] =	vst v63  }
0x158: {  	_ =	swait.ge [sflag:s12], $0x4000  }
0x159: {  	[sflag:s12] =	ssyncset.done $0x0  }
0x15a: {  	[sflag:s12] =	ssyncadd.s32 $0xFFFFC000  }
0x15b: {  	p1 =	sne.s32 s9, $0x1;
	_ =	swait.ge [sflag:s20], $0x4000  }
.Ltmp6:
0x15c: {  	[sflag:s20] =	ssyncset.done $0x0;
	(pc) =	sbr.rel @p1 .LBB2_7-.Ltmp6, $4  }
0x15d: {  	[sflag:s20] =	ssyncadd.s32 $0xFFFFC000  }
0x15e: {  	[spmem:s2] =	stream.indirect.scatter.add.f32 [tilespmem:s18], [sflag:$0x3], $0x80, s13, s16, $0xb8;
	[tilespmem:$0x1D800] =	vst v63  }
0x15f: {  	_ =	swait.ge [sflag:s12], $0x4000  }
0x160: {  	s9 =	sadd.s32 $0xFFFFFFFF, s9;
	[sflag:s12] =	ssyncset.done $0x0  }
.Ltmp7:
0x161: {  	_ = 	snop;
	(pc) =	sbr.rel .LBB2_8-.Ltmp7, $1  }
0x162: {  	_ =	sdelay $0x3  }
.LBB2_10:
0x163: {  	_ =	sfence.sel $0x180000  }
0x164: {  	[bflag:$0x0] =	sbarrier.arrive $0xFFFF  }
0x165: {  	_ =	strace $0x9000004A  }
0x166: {  	s0 =	stileid.u32;
	[bflag:$0x2] =	sbarrier.arrive $0xFFFF  }
0x167: {  	p0 =	sne.s32 s0, $0x0;
	s0 =	rddreg [dreg:$0x3]  }
0x168: {  	s0 =	sadd.s32 @!p0 $0x100000, s0  }
0x169: {  	[sflag:s0] =	ssyncadd.tile.s32 @!p0 $0x1;
	_ =	shalt  }
.Lfunc_end2:
_tile_overlayer_lowered:
.L_overlay_start_2:
0x16a: {  	(tag) =	ssettag $0x2  }
0x16b: {  	s0 =	rddreg [dreg:$0x0];
	s2 =	stileid.u32  }
0x16c: {  	s1 =	rddreg [dreg:$0x1];
	p0 =	sne.s32 s2, $0x0  }
0x16d: {  	s3 =	rddreg [dreg:$0x2];
	[bflag:$0x3] =	sbarrier.arrive $0xFFFF;
	s2 =	simm.s32 @!p0 $0x1C03  }
0x16e: {  	[timem:s3], [sflag:s2] =	dma.local @!p0 [hbm:s0], s1  }
0x16f: {  	s0 =	simm.s32 @!p0 $0x3  }
0x170: {  	_ =	swait.ge @!p0 [sflag:s0], s1  }
0x171: {  	s1 =	ssub.s32 @!p0 $0x0, s1;
	[sflag:s0] =	ssyncset.done @!p0 $0x0  }
0x172: {  	[sflag:s0] =	ssyncadd.s32 @!p0 s1  }
0x173: {  	[bflag:$0x3] =	sbarrier.arrive $0xFFFF  }
0x174: {  	_ =	shalt  }

// kernel: kernel.18.cloned.1.call-start
scs
__scs_entry_jumppad:
0x0: {  	(pc) =	sbr.rel $0x88, $3  }
0x1: {  	(tag) =	ssettag $0x0;
	lr =	simm.s32 $0x1  }
0x2: {  	[smem:$0x3F95] =	sst lr;
	_ =	strace $0xD0000000  }
0x3: {  	_ = 	snop  }
0x4: {  	_ = 	snop  }
0x5: {  	_ = 	snop  }
0x6: {  	_ = 	snop  }
0x7: {  	_ = 	snop  }
__scs_overlays_trampoline_lowered:
0x8: {  	[smem:$0x3FA4] =	sst s0  }
0x9: {  	[smem:$0x3FA5] =	sst s1  }
0xa: {  	[smem:$0x3FA6] =	sst s2  }
0xb: {  	[smem:$0x3FA7] =	sst s3  }
0xc: {  	[smem:$0x3FA8] =	sst s4  }
0xd: {  	[smem:$0x3FA9] =	sst s5  }
0xe: {  	[smem:$0x3FAA] =	sst s6  }
0xf: {  	[smem:$0x3FAB] =	sst s7  }
0x10: {  	[smem:$0x3FAC] =	sst s8  }
0x11: {  	[smem:$0x3FAD] =	sst s9;
	s0 =	simm.s32 @!p0 $0x0  }
0x12: {  	s1 =	sld [smem:$0x3F93];
	s0 =	simm.s32 @p0 $0x1  }
0x13: {  	[smem:$0x3FAE] =	sst s0;
	s0 =	simm.s32 @!p1 $0x0  }
0x14: {  	s2 =	sld [smem:$0x3F92];
	s0 =	simm.s32 @p1 $0x1  }
0x15: {  	[smem:$0x3FAF] =	sst s0;
	s0 =	simm.s32 @!p2 $0x0  }
0x16: {  	s3 =	sld [smem:$0x3FDB];
	s0 =	simm.s32 @p2 $0x1  }
0x17: {  	s4 =	simm.s32 $0x1BF5;
	[smem:$0x3FB1] =	sst s0  }
0x18: {  	s0 =	sld [smem:$0x3F94];
	_ =	swait.ge [sflag:s4], $0x0  }
0x19: {  	s7 =	sld [smem:$0x3F95]  }
0x1a: {  	s8 =	sadd.s32 $0xFFFFE003, lr  }
0x1b: {  	s9 =	sadd.s32 $0xFFFFFEF7, lr;
	s5 =	simm.s32 $0xFFFFFFFF;
	p2 =	slt.u32 s8, $0xFFFFF086  }
0x1c: {  	p1 =	slt.u32 s9, $0xF7A;
	s5 =	simm.s32 @!p2 $0x0  }
0x1d: {  	s5 =	simm.s32 @p1 $0x1;
	p0 =	seq.s32 s7, s2  }
0x1e: {  	s7 =	smul.u32 @!p0 $0xF7A, s2;
	p2 =	seq.s32 @!p0 s5, $0x0  }
0x1f: {  	s9 =	smul.u32 $0xF7A, s1;
	s8 =	simm.s32 @!p0 $0x1BF5;
	p2 =	por !p2, p0  }
0x20: {  	[sflag:s8] =	ssyncset.s32 @!p0 $0xFFFFF086;
	s6 =	sadd.s32 @!p0 s3, s7;
	s7 =	simm.s32 @!p0 $0x108  }
0x21: {  	s3 =	sadd.s32 s3, s9;
	s6 =	sadd.s32 @!p0 $0x88, s6;
	s7 =	simm.s32 @p2 $0x1082  }
0x22: {  	[simem:s7], [sflag:s8] =	dma.local @!p0 [hbm:s6], $0xF7A  }
0x23: {  	s9 =	sor.u32 $0xD0000000, s2;
	s6 =	simm.s32 $0x108;
	_ =	swait.ge @!p0 [sflag:s8], $0x0  }
0x24: {  	s3 =	sadd.s32 $0x88, s3;
	s6 =	simm.s32 @!p1 $0x1082;
	[sflag:s4] =	ssyncset.s32 $0xFFFFF086  }
0x25: {  	[simem:s6], [sflag:s4] =	dma.local [hbm:s3], $0xF7A  }
0x26: {  	[smem:$0x3F95] =	sst s1;
	(tag) =	ssettag s2;
	_ =	strace s9  }
0x27: {  	s1 =	sld [smem:$0x3FA5]  }
0x28: {  	s2 =	sld [smem:$0x3FA6]  }
0x29: {  	s4 =	sld [smem:$0x3FA8]  }
0x2a: {  	p0 =	seq.s32 s5, $0x0;
	s5 =	sld [smem:$0x3FA9]  }
0x2b: {  	s6 =	sld [smem:$0x3FAA]  }
0x2c: {  	s7 =	sld [smem:$0x3FAB]  }
0x2d: {  	s3 =	simm.s32 $0x108;
	s8 =	sld [smem:$0x3FAC]  }
0x2e: {  	s3 =	simm.s32 @!p0 $0x1082;
	s9 =	sld [smem:$0x3FAD]  }
0x2f: {  	lr =	sadd.s32 s0, s3;
	s0 =	sld [smem:$0x3FA4]  }
0x30: {  	s3 =	sld [smem:$0x3FA7]  }
0x31: {  	[smem:$0x3FB0] =	sst s10  }
0x32: {  	s10 =	sld [smem:$0x3FAE];
	_ =	sdelay $0x3  }
0x33: {  	p0 =	seq.s32 s10, $0x1;
	s10 =	sld [smem:$0x3FB0];
	_ =	sdelay $0x3  }
0x34: {  	[smem:$0x3FB0] =	sst s10  }
0x35: {  	s10 =	sld [smem:$0x3FAF];
	_ =	sdelay $0x3  }
0x36: {  	p1 =	seq.s32 s10, $0x1;
	s10 =	sld [smem:$0x3FB0];
	_ =	sdelay $0x3  }
0x37: {  	[smem:$0x3FB0] =	sst s10  }
0x38: {  	s10 =	sld [smem:$0x3FB1]  }
0x39: {  	_ = 	snop;
	(pc) =	sbr.ind lr, $3  }
0x3a: {  	_ = 	snop  }
0x3b: {  	_ = 	snop  }
0x3c: {  	p2 =	seq.s32 s10, $0x1;
	s10 =	sld [smem:$0x3FB0]  }
0x3d: {  	_ =	shalt  }
0x3e: {  	_ =	shalt  }
0x3f: {  	_ =	shalt  }
0x40: {  	_ =	shalt  }
0x41: {  	_ =	shalt  }
0x42: {  	_ =	shalt  }
0x43: {  	_ =	shalt  }
0x44: {  	_ =	shalt  }
0x45: {  	_ =	shalt  }
0x46: {  	_ =	shalt  }
0x47: {  	_ =	shalt  }
0x48: {  	_ =	shalt  }
0x49: {  	_ =	shalt  }
0x4a: {  	_ =	shalt  }
0x4b: {  	_ =	shalt  }
0x4c: {  	_ =	shalt  }
0x4d: {  	_ =	shalt  }
0x4e: {  	_ =	shalt  }
0x4f: {  	_ =	shalt  }
0x50: {  	_ =	shalt  }
0x51: {  	_ =	shalt  }
0x52: {  	_ =	shalt  }
0x53: {  	_ =	shalt  }
0x54: {  	_ =	shalt  }
0x55: {  	_ =	shalt  }
0x56: {  	_ =	shalt  }
0x57: {  	_ =	shalt  }
0x58: {  	_ =	shalt  }
0x59: {  	_ =	shalt  }
0x5a: {  	_ =	shalt  }
0x5b: {  	_ =	shalt  }
0x5c: {  	_ =	shalt  }
0x5d: {  	_ =	shalt  }
0x5e: {  	_ =	shalt  }
0x5f: {  	_ =	shalt  }
0x60: {  	_ =	shalt  }
0x61: {  	_ =	shalt  }
0x62: {  	_ =	shalt  }
0x63: {  	_ =	shalt  }
0x64: {  	_ =	shalt  }
0x65: {  	_ =	shalt  }
0x66: {  	_ =	shalt  }
0x67: {  	_ =	shalt  }
0x68: {  	_ =	shalt  }
0x69: {  	_ =	shalt  }
0x6a: {  	_ =	shalt  }
0x6b: {  	_ =	shalt  }
0x6c: {  	_ =	shalt  }
0x6d: {  	_ =	shalt  }
0x6e: {  	_ =	shalt  }
0x6f: {  	_ =	shalt  }
0x70: {  	_ =	shalt  }
0x71: {  	_ =	shalt  }
0x72: {  	_ =	shalt  }
0x73: {  	_ =	shalt  }
0x74: {  	_ =	shalt  }
0x75: {  	_ =	shalt  }
0x76: {  	_ =	shalt  }
0x77: {  	_ =	shalt  }
0x78: {  	_ =	shalt  }
0x79: {  	_ =	shalt  }
0x7a: {  	_ =	shalt  }
0x7b: {  	_ =	shalt  }
0x7c: {  	_ =	shalt  }
0x7d: {  	_ =	shalt  }
0x7e: {  	_ =	shalt  }
0x7f: {  	_ =	shalt  }
0x80: {  	_ =	shalt  }
0x81: {  	_ =	shalt  }
0x82: {  	_ =	shalt  }
0x83: {  	_ =	shalt  }
0x84: {  	_ =	shalt  }
0x85: {  	_ =	shalt  }
0x86: {  	_ =	shalt  }
0x87: {  	_ =	shalt  }
.Lfunc_end0:
.L_simem_size_0:
called_computation.2_lowered:
.L_overlay_start_0:
0x88: {  	s2 =	sld [smem:$0x3FD9]  }
0x89: {  	s3 =	sld [smem:$0x3FFE];
	_ =	sdelay $0x1  }
0x8a: {  	s1 =	srdreg.scid  }
0x8b: {  	s0 =	sand.u32 $0x1, s1  }
0x8c: {  	s17 =	sshll.u32 s0, $0xA;
	s2 =	sadd.s32 s3, s2  }
0x8d: {  	s2 =	sadd.s32 s2, s17  }
0x8e: {  	[smem:$0x3FBC] =	sst s2  }
0x8f: {  	_ = 	snop  }
0x90: {  	s2 =	sld [smem:$0x3FD0];
	(tm) =	ssettm $0x1  }
0x91: {  	s18 =	sld [smem:$0x3FFB];
	_ =	sdelay $0x3  }
0x92: {  	_ =	strace s18  }
0x93: {  	s3 =	sld [smem:$0x3FFC];
	_ =	sdelay $0x3  }
0x94: {  	_ =	strace s3  }
0x95: {  	s3 =	sld [smem:$0x3FFD];
	_ =	sdelay $0x3  }
0x96: {  	_ =	strace s3  }
0x97: {  	_ =	strace $0x8FFFFFFF  }
0x98: {  	s19 =	sld [smem:$0x3FDB];
	_ =	sdelay $0x1  }
0x99: {  	s4 =	simm.s32 $_scs_section_size  }
0x9a: {  	s5 =	simm.s32 $_size__tile_overlayer_lowered;
	s6 =	simm.s32 $_tile_overlayer_lowered  }
0x9b: {  	s22 =	simm.s32 $0x1BFF;
	s21 =	sshll.u32 s6, $0x1;
	s3 =	sadd.s32 s4, s19  }
0x9c: {  	s7 =	simm.s32 $0x0;
	s20 =	sshll.u32 s5, $0x1;
	s5 =	sadd.s32 s21, s3  }
0x9d: {  	[timem:s7], [sflag:s22] =	dma.local [hbm:s5], s20  }
0x9e: {  	_ =	swait.ge [sflag:s22], s20  }
0x9f: {  	s4 =	ssub.s32 $0x0, s20;
	[sflag:s22] =	ssyncset.done $0x0  }
0xa0: {  	[sflag:s22] =	ssyncadd.s32 s4;
	_ =	sdelay $0x1  }
0xa1: {  	s23 =	simm.s32 $0x1B8B  }
0xa2: {  	_ =	swait.ge [sflag:s23], $0x1  }
0xa3: {  	[sflag:s23] =	ssyncset.done $0x0  }
0xa4: {  	s25 =	simm.s32 $0x1B8E;
	s24 =	sld [smem:$0x3FFE];
	[sflag:s23] =	ssyncadd.s32 $0xFFFFFFFF  }
0xa5: {  	s26 =	simm.s32 $execute0_lowered;
	[smem:$0x3FD2] =	sst s25  }
0xa6: {  	s5 =	sshll.u32 s26, $0x1;
	_ =	strace $0x8000004C;
	[dreg:$0x1] =	wrdreg $0xFFFFFFFF  }
0xa7: {  	s28 =	simm.s32 $_size_execute0_lowered;
	s3 =	sadd.s32 s3, s5;
	[dreg:$0x0] =	wrdreg $0x0  }
0xa8: {  	s5 =	sshll.u32 s28, $0x1;
	[dreg:$0x2] =	wrdreg s3  }
0xa9: {  	[dreg:$0x3] =	wrdreg s5  }
0xaa: {  	[dreg:$0x4] =	wrdreg $0xC0  }
0xab: {  	_ =	task [dreg:s7], $0x5FFFF  }
0xac: {  	[dreg:$0x1] =	wrdreg $0xFFFFFFFF  }
0xad: {  	[dreg:$0x0] =	wrdreg $0x60  }
0xae: {  	[dreg:$0x2] =	wrdreg s24  }
0xaf: {  	[dreg:$0x3] =	wrdreg s2  }
0xb0: {  	[dreg:$0x4] =	wrdreg $0x98000  }
0xb1: {  	[dreg:$0x5] =	wrdreg $0x9  }
0xb2: {  	_ =	task.clear_ibuf [dreg:s7], $0x6FFFF;
	_ =	strace $0x9000004C  }
0xb3: {  	s29 =	simm.s32 $0x9;
	_ =	strace $0x8000004E  }
0xb4: {  	_ =	swait.ge [sflag:s29], $0x1  }
0xb5: {  	[sflag:s29] =	ssyncadd.s32 $0xFFFFFFFF  }
0xb6: {  	_ =	strace $0x9000004E  }
0xb7: {  	_ =	sfence  }
0xb8: {  	s30 =	sld [smem:$0x0];
	_ =	sdelay $0x2  }
0xb9: {  	s31 =	sshll.u32 s1, $0xD;
	s1 =	sshrl.u32 s1, $0x2  }
0xba: {  	s3 =	sand.u32 $0x4000, s31;
	s1 =	sadd.s32 s1, s30  }
0xbb: {  	s0 =	sor.u32 s3, s0;
	s1 =	sshll.u32 s1, $0x11  }
0xbc: {  	s0 =	sor.u32 s1, s0  }
0xbd: {  	s0 =	sadd.s32 $0x8F2B, s0  }
0xbe: {  	[sflag:s0] =	ssyncadd.remote.s32 $0x1  }
0xbf: {  	_ =	sfence.sel $0xFFFF  }
0xc0: {  	[dreg:$0x0] =	wrdreg $0xFFFFFFFF;
	(pc) =	sbr.abs _section_cstart, $3  }
0xc1: {  	[dreg:$0x1] =	wrdreg $0xFFFFFFFF  }
0xc2: {  	_ =	task.clear_ibuf [dreg:s7], $0x2FFFF;
	_ =	strace $0x9FFFFFFF  }
0xc3: {  	(tm) =	ssettm $0x7FFFFFFF  }
tec
execute0_lowered:
.L_overlay_start_1:
0x0: {  	(tag) =	ssettag $0x1  }
0x1: {  	s0 =	srdreg.scid;
	s1 =	rddreg [dreg:$0x0]  }
0x2: {  	s13 =	stileid.u32;
	s7 =	rddreg [dreg:$0x1];
	s12 =	simm.s32 $0x180  }
0x3: {  	s14 =	simm.s32 $0x900;
	s15 =	simm.s32 $0x200;
	s16 =	simm.s32 $0x980  }
0x4: {  	s18 =	simm.s32 $0x280;
	s19 =	simm.s32 $0xA00;
	s21 =	simm.s32 $0x300  }
0x5: {  	s28 =	simm.s32 $0x600;
	s0 =	sand.u32 $0x1, s0;
	s9 =	smul.u32 $0x14000, s13  }
0x6: {  	s29 =	simm.s32 $0xD80;
	s23 =	smul.u32 $0x50000, s13;
	s5 =	sxor.u32 $0x1, s0  }
0x7: {  	s30 =	simm.s32 $0x680;
	s2 =	sshll.u32 s13, $0x4;
	s3 =	smul.u32 s5, s13  }
0x8: {  	s31 =	simm.s32 $0xE00;
	s4 =	sor.u32 $0x900, s2;
	s8 =	smul.u32 $0x140000, s0  }
0x9: {  	s2 =	rddreg [dreg:$0x2];
	s6 =	smul.u32 $0x4800, s3;
	s3 =	simm.s32 $0x0  }
0xa: {  	s17 =	sshll.u32 s13, $0x6;
	s5 =	smul.u32 $0x9, s5;
	[smem:$0x7FF] =	sst s3  }
0xb: {  	s24 =	ssub.s32 $0x2, s0;
	_ =	strace $0x8000004D;
	[dreg:$0x6] =	wrdreg s12  }
0xc: {  	s4 =	smul.u32 s0, s4;
	s5 =	sadd.s32 s0, s5;
	[dreg:$0x7] =	wrdreg s14  }
0xd: {  	s25 =	sshrl.u32 s24, $0x1;
	s13 =	simm.s32 $0xF80;
	[dreg:$0x12] =	wrdreg s5  }
0xe: {  	s22 =	sadd.s32 s9, s8;
	s8 =	sshrl.u32 s23, $0x2;
	[dreg:$0x8] =	wrdreg s15  }
0xf: {  	s9 =	ssub.s32 s24, s25;
	s23 =	simm.s32 $0x380;
	[dreg:$0x9] =	wrdreg s16  }
0x10: {  	s24 =	simm.s32 $0xB00;
	s25 =	simm.s32 $0x400;
	[dreg:$0xa] =	wrdreg s18  }
0x11: {  	s4 =	sshll.u32 s4, $0x7;
	s0 =	simm.s32 $0xE80;
	[dreg:$0xb] =	wrdreg s19  }
0x12: {  	p0 =	seq.s32 s5, $0x0;
	s6 =	sadd.s32 s4, s6;
	[dreg:$0xc] =	wrdreg s21  }
0x13: {  	s4 =	sadd.s32 $0xDC00, s1;
	s12 =	simm.s32 $0x3;
	[dreg:$0xe] =	wrdreg s23  }
0x14: {  	s15 =	simm.s32 $0x800;
	s16 =	simm.s32 $0x80;
	[dreg:$0xf] =	wrdreg s24  }
0x15: {  	s18 =	simm.s32 $0x5000;
	s19 =	simm.s32 $0x1;
	[dreg:$0x10] =	wrdreg s25  }
0x16: {  	s21 =	simm.s32 $0x480;
	s23 =	simm.s32 $0x500;
	s24 =	simm.s32 $0xC80  }
0x17: {  	s25 =	simm.s32 $0x580;
	s10 =	sshrl.u32 s6, $0x3;
	s6 =	sshrl.u32 s22, $0x3  }
0x18: {  	s22 =	simm.s32 $0xA80;
	s11 =	sadd.s32 s10, s1;
	s1 =	sadd.s32 s6, s1  }
0x19: {  	s6 =	sadd.s32 s8, s2;
	s8 =	simm.s32 $0x100;
	[dreg:$0xd] =	wrdreg s22  }
0x1a: {  	s14 =	simm.s32 $0x0;
	s26 =	sadd.s32 $0x35C00, s1;
	[dreg:$0x4] =	wrdreg s8  }
0x1b: {  	s22 =	simm.s32 $0xC00;
	s1 =	smax.u32 s9, $0x1;
	[dreg:$0x13] =	wrdreg s26  }
0x1c: {  	s9 =	sadd.s32 s10, s7;
	s10 =	simm.s32 $0x880;
	[dreg:$0x14] =	wrdreg s1  }
0x1d: {  	s11 =	sadd.s32 $0x3C00, s11;
	s20 =	sshrl.u32 s6, $0x3;
	[dreg:$0x15] =	wrdreg s9  }
.Ltmp0:
0x1e: {  	s7 =	simm.s32 $0x780;
	[dreg:$0x16] =	wrdreg s11;
	(pc) =	sbr.rel .LBB2_1-.Ltmp0, $4  }
0x1f: {  	s8 =	simm.s32 $0xF00;
	[dreg:$0x5] =	wrdreg s10;
	s11 =	simm.s32 $0x9000  }
0x20: {  	s1 =	sor.u32 $0x1C03, s17;
	[dreg:$0x18] =	wrdreg s20;
	s17 =	simm.s32 $0x1000  }
0x21: {  	s26 =	simm.s32 $0xB80;
	s20 =	simm.s32 $0x2;
	[dreg:$0x17] =	wrdreg s1  }
0x22: {  	v0 =	vimm.f32 $0.0e+00;
	[dreg:$0x11] =	wrdreg s26;
	s26 =	simm.s32 $0xD00;
	s1 =	simm.s32 $0x700  }
.LBB2_8:
0x23: {  	[sflag:s12] =	ssyncadd.s32 $0xFFFFC000;
	s14 =	rddreg [dreg:$0x19]  }
.LBB2_9:
0x24: {  	[bflag:$0x0] =	sbarrier.arrive $0xFFFF  }
0x25: {  	s5 =	rddreg [dreg:$0x13]  }
0x26: {  	s9 =	rddreg [dreg:$0x17]  }
0x27: {  	s10 =	rddreg [dreg:$0x18]  }
0x28: {  	[hbm:s5], [sflag:s9] =	dma.local [spmem:s10], $0x2800  }
0x29: {  	_ =	swait.ge [sflag:s12], $0x2800  }
0x2a: {  	s14 =	sadd.s32 $0x1, s14;
	s10 =	rddreg [dreg:$0x14]  }
0x2b: {  	p1 =	sne.s32 s14, s10  }
.Ltmp1:
0x2c: {  	_ = 	snop;
	(pc) =	sbr.rel @!p1 .LBB2_10-.Ltmp1, $3  }
0x2d: {  	_ =	sdelay $0x1  }
0x2e: {  	[sflag:s12] =	ssyncset.done $0x0  }
0x2f: {  	[sflag:s12] =	ssyncadd.s32 $0xFFFFD800  }
.LBB2_1:
0x30: {  	s5 =	simm.s32 $0x0;
	s9 =	simm.s32 $0x200  }
.LBB2_2:
0x31: {  	p1 =	sne.s32 s9, $0x1E00;
	[tilespmem:s5+$0x9070] =	vst v0  }
0x32: {  	[tilespmem:s5+$0x9000] =	vst v0  }
0x33: {  	[tilespmem:s5+$0x9010] =	vst v0  }
.Ltmp2:
0x34: {  	[tilespmem:s5+$0x9020] =	vst v0;
	(pc) =	sbr.rel @p1 .LBB2_2-.Ltmp2, $4  }
0x35: {  	[tilespmem:s5+$0x9030] =	vst v0  }
0x36: {  	[tilespmem:s5+$0x9040] =	vst v0  }
0x37: {  	[tilespmem:s5+$0x9050] =	vst v0  }
0x38: {  	[tilespmem:s5+$0x9060] =	vst v0;
	s5 =	sshra.s32 s9, $0x2;
	s9 =	sadd.s32 $0x200, s9  }
0x39: {  	[tilespmem:s5+$0x9070] =	vst v0  }
0x3a: {  	[tilespmem:s5+$0x9000] =	vst v0  }
0x3b: {  	[tilespmem:s5+$0x9010] =	vst v0  }
0x3c: {  	[tilespmem:s5+$0x9020] =	vst v0  }
0x3d: {  	[tilespmem:s5+$0x9030] =	vst v0  }
0x3e: {  	[tilespmem:s5+$0x9040] =	vst v0  }
0x3f: {  	[tilespmem:s5+$0x9050] =	vst v0  }
0x40: {  	[tilespmem:s5+$0x9060] =	vst v0;
	s10 =	sadd.s32 $0x0, s6  }
0x41: {  	[spmem:s10] =	stream.linear.scatter [tilespmem:s11], [sflag:$0x3], $0x800, $0x38;
	[tilespmem:$0x1D800] =	vst v63  }
0x42: {  	s5 =	simm.s32 $0x2000;
	_ =	swait.ge [sflag:s12], $0x800  }
.LBB2_4:
0x43: {  	s9 =	sshra.s32 s5, $0x2;
	[sflag:s12] =	ssyncset.done $0x0;
	p1 =	sne.s32 s5, $0x4E000  }
.Ltmp3:
0x44: {  	s9 =	sadd.s32 s9, s6;
	[sflag:s12] =	ssyncadd.s32 $0xFFFFF800;
	(pc) =	sbr.rel @p1 .LBB2_4-.Ltmp3, $3  }
0x45: {  	[spmem:s9] =	stream.linear.scatter [tilespmem:s11], [sflag:$0x3], $0x800, $0x38;
	[tilespmem:$0x1D800] =	vst v63  }
0x46: {  	s5 =	sadd.s32 $0x2000, s5;
	_ =	sdelay $0x1  }
0x47: {  	_ =	swait.ge [sflag:s12], $0x800  }
.Ltmp4:
0x48: {  	(pc) =	sbr.rel @p0 .LBB2_9-.Ltmp4, $3  }
0x49: {  	[sflag:s12] =	ssyncset.done $0x0  }
0x4a: {  	[sflag:s12] =	ssyncadd.s32 $0xFFFFF800  }
0x4b: {  	[bflag:$0x0] =	sbarrier.arrive $0xFFFF;
	_ =	sdelay $0x1  }
0x4c: {  	[dreg:$0x19] =	wrdreg s14  }
0x4d: {  	s14 =	rddreg [dreg:$0x16]  }
0x4e: {  	[tilespmem:s3], [sflag:$0x3] =	stream.linear.gather [hbm4b:s14+s3], $0x800, $0x38;
	[tilespmem:$0x1D800] =	vst v63  }
0x4f: {  	_ =	swait.ge [sflag:s12], $0x800  }
0x50: {  	[sflag:s12] =	ssyncset.done $0x0  }
0x51: {  	s10 =	rddreg [dreg:$0x15];
	[sflag:s12] =	ssyncadd.s32 $0xFFFFF800  }
0x52: {  	[tilespmem:s15], [sflag:$0x3] =	stream.linear.gather [hbm4b:s10+s3], $0x800, $0x38;
	[tilespmem:$0x1D800] =	vst v63  }
0x53: {  	_ =	swait.ge [sflag:s12], $0x800  }
0x54: {  	[sflag:s12] =	ssyncset.done $0x0  }
0x55: {  	[sflag:s12] =	ssyncadd.s32 $0xFFFFF800  }
0x56: {  	[tilespmem:s17], [sflag:$0x1] =	stream.indirect.gather [hbm4b:s4+s16], $0x80, s3, s16, $0xb8;
	[tilespmem:$0x1D800] =	vst v63  }
0x57: {  	_ = 	snop  }
0x58: {  	[tilespmem:s18], [sflag:$0x2] =	stream.indirect.gather [hbm4b:s4+s16], $0x80, s16, s16, $0xb8;
	[tilespmem:$0x1D800] =	vst v63  }
0x59: {  	_ =	swait.ge [sflag:s19], $0x4000  }
0x5a: {  	[sflag:s19] =	ssyncset.done $0x0  }
0x5b: {  	[sflag:s19] =	ssyncadd.s32 $0xFFFFC000  }
0x5c: {  	[spmem:s2] =	stream.indirect.scatter.add.f32 [tilespmem:s17], [sflag:$0x3], $0x80, s15, s16, $0xb8;
	[tilespmem:$0x1D800] =	vst v63  }
0x5d: {  	_ =	swait.ge [sflag:s12], $0x4000  }
0x5e: {  	[sflag:s12] =	ssyncset.done $0x0  }
0x5f: {  	s5 =	rddreg [dreg:$0x4];
	[sflag:s12] =	ssyncadd.s32 $0xFFFFC000  }
0x60: {  	[tilespmem:s17], [sflag:$0x1] =	stream.indirect.gather [hbm4b:s4+s16], $0x80, s5, s16, $0xb8;
	[tilespmem:$0x1D800] =	vst v63  }
0x61: {  	_ =	swait.ge [sflag:s20], $0x4000  }
0x62: {  	[sflag:s20] =	ssyncset.done $0x0  }
0x63: {  	s9 =	rddreg [dreg:$0x5];
	[sflag:s20] =	ssyncadd.s32 $0xFFFFC000  }
0x64: {  	[spmem:s2] =	stream.indirect.scatter.add.f32 [tilespmem:s18], [sflag:$0x3], $0x80, s9, s16, $0xb8;
	[tilespmem:$0x1D800] =	vst v63  }
0x65: {  	_ =	swait.ge [sflag:s12], $0x4000  }
0x66: {  	[sflag:s12] =	ssyncset.done $0x0  }
0x67: {  	s9 =	rddreg [dreg:$0x6];
	[sflag:s12] =	ssyncadd.s32 $0xFFFFC000  }
0x68: {  	[tilespmem:s18], [sflag:$0x2] =	stream.indirect.gather [hbm4b:s4+s16], $0x80, s9, s16, $0xb8;
	[tilespmem:$0x1D800] =	vst v63  }
0x69: {  	_ =	swait.ge [sflag:s19], $0x4000  }
0x6a: {  	[sflag:s19] =	ssyncset.done $0x0  }
0x6b: {  	s9 =	rddreg [dreg:$0x7];
	[sflag:s19] =	ssyncadd.s32 $0xFFFFC000  }
0x6c: {  	[spmem:s2] =	stream.indirect.scatter.add.f32 [tilespmem:s17], [sflag:$0x3], $0x80, s9, s16, $0xb8;
	[tilespmem:$0x1D800] =	vst v63  }
0x6d: {  	_ =	swait.ge [sflag:s12], $0x4000  }
0x6e: {  	[sflag:s12] =	ssyncset.done $0x0  }
0x6f: {  	s9 =	rddreg [dreg:$0x8];
	[sflag:s12] =	ssyncadd.s32 $0xFFFFC000  }
0x70: {  	[tilespmem:s17], [sflag:$0x1] =	stream.indirect.gather [hbm4b:s4+s16], $0x80, s9, s16, $0xb8;
	[tilespmem:$0x1D800] =	vst v63  }
0x71: {  	_ =	swait.ge [sflag:s20], $0x4000  }
0x72: {  	[sflag:s20] =	ssyncset.done $0x0  }
0x73: {  	s9 =	rddreg [dreg:$0x9];
	[sflag:s20] =	ssyncadd.s32 $0xFFFFC000  }
0x74: {  	[spmem:s2] =	stream.indirect.scatter.add.f32 [tilespmem:s18], [sflag:$0x3], $0x80, s9, s16, $0xb8;
	[tilespmem:$0x1D800] =	vst v63  }
0x75: {  	_ =	swait.ge [sflag:s12], $0x4000  }
0x76: {  	[sflag:s12] =	ssyncset.done $0x0  }
0x77: {  	s9 =	rddreg [dreg:$0xa];
	[sflag:s12] =	ssyncadd.s32 $0xFFFFC000  }
0x78: {  	[tilespmem:s18], [sflag:$0x2] =	stream.indirect.gather [hbm4b:s4+s16], $0x80, s9, s16, $0xb8;
	[tilespmem:$0x1D800] =	vst v63  }
0x79: {  	_ =	swait.ge [sflag:s19], $0x4000  }
0x7a: {  	[sflag:s19] =	ssyncset.done $0x0  }
0x7b: {  	s9 =	rddreg [dreg:$0xb];
	[sflag:s19] =	ssyncadd.s32 $0xFFFFC000  }
0x7c: {  	[spmem:s2] =	stream.indirect.scatter.add.f32 [tilespmem:s17], [sflag:$0x3], $0x80, s9, s16, $0xb8;
	[tilespmem:$0x1D800] =	vst v63  }
0x7d: {  	_ =	swait.ge [sflag:s12], $0x4000  }
0x7e: {  	[sflag:s12] =	ssyncset.done $0x0  }
0x7f: {  	s9 =	rddreg [dreg:$0xc];
	[sflag:s12] =	ssyncadd.s32 $0xFFFFC000  }
0x80: {  	[tilespmem:s17], [sflag:$0x1] =	stream.indirect.gather [hbm4b:s4+s16], $0x80, s9, s16, $0xb8;
	[tilespmem:$0x1D800] =	vst v63  }
0x81: {  	_ =	swait.ge [sflag:s20], $0x4000  }
0x82: {  	[sflag:s20] =	ssyncset.done $0x0  }
0x83: {  	s9 =	rddreg [dreg:$0xd];
	[sflag:s20] =	ssyncadd.s32 $0xFFFFC000  }
0x84: {  	[spmem:s2] =	stream.indirect.scatter.add.f32 [tilespmem:s18], [sflag:$0x3], $0x80, s9, s16, $0xb8;
	[tilespmem:$0x1D800] =	vst v63  }
0x85: {  	_ =	swait.ge [sflag:s12], $0x4000  }
0x86: {  	[sflag:s12] =	ssyncset.done $0x0  }
0x87: {  	s9 =	rddreg [dreg:$0xe];
	[sflag:s12] =	ssyncadd.s32 $0xFFFFC000  }
0x88: {  	[tilespmem:s18], [sflag:$0x2] =	stream.indirect.gather [hbm4b:s4+s16], $0x80, s9, s16, $0xb8;
	[tilespmem:$0x1D800] =	vst v63  }
0x89: {  	_ =	swait.ge [sflag:s19], $0x4000  }
0x8a: {  	[sflag:s19] =	ssyncset.done $0x0  }
0x8b: {  	s9 =	rddreg [dreg:$0xf];
	[sflag:s19] =	ssyncadd.s32 $0xFFFFC000  }
0x8c: {  	[spmem:s2] =	stream.indirect.scatter.add.f32 [tilespmem:s17], [sflag:$0x3], $0x80, s9, s16, $0xb8;
	[tilespmem:$0x1D800] =	vst v63  }
0x8d: {  	_ =	swait.ge [sflag:s12], $0x4000  }
0x8e: {  	[sflag:s12] =	ssyncset.done $0x0  }
0x8f: {  	s9 =	rddreg [dreg:$0x10];
	[sflag:s12] =	ssyncadd.s32 $0xFFFFC000  }
0x90: {  	[tilespmem:s17], [sflag:$0x1] =	stream.indirect.gather [hbm4b:s4+s16], $0x80, s9, s16, $0xb8;
	[tilespmem:$0x1D800] =	vst v63  }
0x91: {  	_ =	swait.ge [sflag:s20], $0x4000  }
0x92: {  	[sflag:s20] =	ssyncset.done $0x0  }
0x93: {  	s9 =	rddreg [dreg:$0x11];
	[sflag:s20] =	ssyncadd.s32 $0xFFFFC000  }
0x94: {  	[spmem:s2] =	stream.indirect.scatter.add.f32 [tilespmem:s18], [sflag:$0x3], $0x80, s9, s16, $0xb8;
	[tilespmem:$0x1D800] =	vst v63  }
0x95: {  	_ =	swait.ge [sflag:s12], $0x4000  }
0x96: {  	[sflag:s12] =	ssyncset.done $0x0  }
0x97: {  	[sflag:s12] =	ssyncadd.s32 $0xFFFFC000  }
0x98: {  	[tilespmem:s18], [sflag:$0x2] =	stream.indirect.gather [hbm4b:s4+s16], $0x80, s21, s16, $0xb8;
	[tilespmem:$0x1D800] =	vst v63  }
0x99: {  	_ =	swait.ge [sflag:s19], $0x4000  }
0x9a: {  	[sflag:s19] =	ssyncset.done $0x0  }
0x9b: {  	[sflag:s19] =	ssyncadd.s32 $0xFFFFC000  }
0x9c: {  	[spmem:s2] =	stream.indirect.scatter.add.f32 [tilespmem:s17], [sflag:$0x3], $0x80, s22, s16, $0xb8;
	[tilespmem:$0x1D800] =	vst v63  }
0x9d: {  	_ =	swait.ge [sflag:s12], $0x4000  }
0x9e: {  	[sflag:s12] =	ssyncset.done $0x0  }
0x9f: {  	[sflag:s12] =	ssyncadd.s32 $0xFFFFC000  }
0xa0: {  	[tilespmem:s17], [sflag:$0x1] =	stream.indirect.gather [hbm4b:s4+s16], $0x80, s23, s16, $0xb8;
	[tilespmem:$0x1D800] =	vst v63  }
0xa1: {  	_ =	swait.ge [sflag:s20], $0x4000  }
0xa2: {  	[sflag:s20] =	ssyncset.done $0x0  }
0xa3: {  	[sflag:s20] =	ssyncadd.s32 $0xFFFFC000  }
0xa4: {  	[spmem:s2] =	stream.indirect.scatter.add.f32 [tilespmem:s18], [sflag:$0x3], $0x80, s24, s16, $0xb8;
	[tilespmem:$0x1D800] =	vst v63  }
0xa5: {  	_ =	swait.ge [sflag:s12], $0x4000  }
0xa6: {  	[sflag:s12] =	ssyncset.done $0x0  }
0xa7: {  	[sflag:s12] =	ssyncadd.s32 $0xFFFFC000  }
0xa8: {  	[tilespmem:s18], [sflag:$0x2] =	stream.indirect.gather [hbm4b:s4+s16], $0x80, s25, s16, $0xb8;
	[tilespmem:$0x1D800] =	vst v63  }
0xa9: {  	_ =	swait.ge [sflag:s19], $0x4000  }
0xaa: {  	[sflag:s19] =	ssyncset.done $0x0  }
0xab: {  	[sflag:s19] =	ssyncadd.s32 $0xFFFFC000  }
0xac: {  	[spmem:s2] =	stream.indirect.scatter.add.f32 [tilespmem:s17], [sflag:$0x3], $0x80, s26, s16, $0xb8;
	[tilespmem:$0x1D800] =	vst v63  }
0xad: {  	_ =	swait.ge [sflag:s12], $0x4000  }
0xae: {  	[sflag:s12] =	ssyncset.done $0x0  }
0xaf: {  	[sflag:s12] =	ssyncadd.s32 $0xFFFFC000  }
0xb0: {  	[tilespmem:s17], [sflag:$0x1] =	stream.indirect.gather [hbm4b:s4+s16], $0x80, s28, s16, $0xb8;
	[tilespmem:$0x1D800] =	vst v63  }
0xb1: {  	_ =	swait.ge [sflag:s20], $0x4000  }
0xb2: {  	[sflag:s20] =	ssyncset.done $0x0  }
0xb3: {  	[sflag:s20] =	ssyncadd.s32 $0xFFFFC000  }
0xb4: {  	[spmem:s2] =	stream.indirect.scatter.add.f32 [tilespmem:s18], [sflag:$0x3], $0x80, s29, s16, $0xb8;
	[tilespmem:$0x1D800] =	vst v63  }
0xb5: {  	_ =	swait.ge [sflag:s12], $0x4000  }
0xb6: {  	[sflag:s12] =	ssyncset.done $0x0  }
0xb7: {  	[sflag:s12] =	ssyncadd.s32 $0xFFFFC000  }
0xb8: {  	[tilespmem:s18], [sflag:$0x2] =	stream.indirect.gather [hbm4b:s4+s16], $0x80, s30, s16, $0xb8;
	[tilespmem:$0x1D800] =	vst v63  }
0xb9: {  	_ =	swait.ge [sflag:s19], $0x4000  }
0xba: {  	[sflag:s19] =	ssyncset.done $0x0  }
0xbb: {  	[sflag:s19] =	ssyncadd.s32 $0xFFFFC000  }
0xbc: {  	[spmem:s2] =	stream.indirect.scatter.add.f32 [tilespmem:s17], [sflag:$0x3], $0x80, s31, s16, $0xb8;
	[tilespmem:$0x1D800] =	vst v63  }
0xbd: {  	_ =	swait.ge [sflag:s12], $0x4000  }
0xbe: {  	[sflag:s12] =	ssyncset.done $0x0  }
0xbf: {  	[sflag:s12] =	ssyncadd.s32 $0xFFFFC000  }
0xc0: {  	[tilespmem:s17], [sflag:$0x1] =	stream.indirect.gather [hbm4b:s4+s16], $0x80, s1, s16, $0xb8;
	[tilespmem:$0x1D800] =	vst v63  }
0xc1: {  	_ =	swait.ge [sflag:s20], $0x4000  }
0xc2: {  	[sflag:s20] =	ssyncset.done $0x0  }
0xc3: {  	[sflag:s20] =	ssyncadd.s32 $0xFFFFC000  }
0xc4: {  	[spmem:s2] =	stream.indirect.scatter.add.f32 [tilespmem:s18], [sflag:$0x3], $0x80, s0, s16, $0xb8;
	[tilespmem:$0x1D800] =	vst v63  }
0xc5: {  	_ =	swait.ge [sflag:s12], $0x4000  }
0xc6: {  	[sflag:s12] =	ssyncset.done $0x0  }
0xc7: {  	[sflag:s12] =	ssyncadd.s32 $0xFFFFC000  }
0xc8: {  	[tilespmem:s18], [sflag:$0x2] =	stream.indirect.gather [hbm4b:s4+s16], $0x80, s7, s16, $0xb8;
	[tilespmem:$0x1D800] =	vst v63  }
0xc9: {  	_ =	swait.ge [sflag:s19], $0x4000  }
0xca: {  	[sflag:s19] =	ssyncset.done $0x0  }
0xcb: {  	[sflag:s19] =	ssyncadd.s32 $0xFFFFC000  }
0xcc: {  	[spmem:s2] =	stream.indirect.scatter.add.f32 [tilespmem:s17], [sflag:$0x3], $0x80, s8, s16, $0xb8;
	[tilespmem:$0x1D800] =	vst v63  }
0xcd: {  	_ =	swait.ge [sflag:s12], $0x4000  }
0xce: {  	[sflag:s12] =	ssyncset.done $0x0  }
0xcf: {  	[sflag:s12] =	ssyncadd.s32 $0xFFFFC000  }
0xd0: {  	_ =	swait.ge [sflag:s20], $0x4000  }
0xd1: {  	s9 =	rddreg [dreg:$0x12]  }
0xd2: {  	p1 =	sne.s32 s9, $0x1  }
.Ltmp5:
0xd3: {  	[sflag:s20] =	ssyncset.done $0x0;
	(pc) =	sbr.rel @!p1 .LBB2_8-.Ltmp5, $4  }
0xd4: {  	[sflag:s20] =	ssyncadd.s32 $0xFFFFC000  }
0xd5: {  	[spmem:s2] =	stream.indirect.scatter.add.f32 [tilespmem:s18], [sflag:$0x3], $0x80, s13, s16, $0xb8;
	[tilespmem:$0x1D800] =	vst v63  }
0xd6: {  	_ =	swait.ge [sflag:s12], $0x4000  }
0xd7: {  	s5 =	smov.u32 s14;
	s9 =	sadd.s32 $0xFFFFFFFF, s9;
	[sflag:s12] =	ssyncset.done $0x0  }
.LBB2_7:
0xd8: {  	[sflag:s12] =	ssyncadd.s32 $0xFFFFC000;
	s5 =	sadd.s32 $0x100, s5  }
0xd9: {  	[tilespmem:s3], [sflag:$0x3] =	stream.linear.gather [hbm4b:s5+s3], $0x800, $0x38;
	[tilespmem:$0x1D800] =	vst v63  }
0xda: {  	_ =	swait.ge [sflag:s12], $0x800  }
0xdb: {  	[sflag:s12] =	ssyncset.done $0x0  }
0xdc: {  	s10 =	sadd.s32 $0x100, s10;
	[sflag:s12] =	ssyncadd.s32 $0xFFFFF800  }
0xdd: {  	[tilespmem:s15], [sflag:$0x3] =	stream.linear.gather [hbm4b:s10+s3], $0x800, $0x38;
	[tilespmem:$0x1D800] =	vst v63  }
0xde: {  	_ =	swait.ge [sflag:s12], $0x800  }
0xdf: {  	[sflag:s12] =	ssyncset.done $0x0  }
0xe0: {  	[sflag:s12] =	ssyncadd.s32 $0xFFFFF800  }
0xe1: {  	[tilespmem:s17], [sflag:$0x1] =	stream.indirect.gather [hbm4b:s4+s16], $0x80, s3, s16, $0xb8;
	[tilespmem:$0x1D800] =	vst v63  }
0xe2: {  	_ = 	snop  }
0xe3: {  	[tilespmem:s18], [sflag:$0x2] =	stream.indirect.gather [hbm4b:s4+s16], $0x80, s16, s16, $0xb8;
	[tilespmem:$0x1D800] =	vst v63  }
0xe4: {  	_ =	swait.ge [sflag:s19], $0x4000  }
0xe5: {  	[sflag:s19] =	ssyncset.done $0x0  }
0xe6: {  	[sflag:s19] =	ssyncadd.s32 $0xFFFFC000  }
0xe7: {  	[spmem:s2] =	stream.indirect.scatter.add.f32 [tilespmem:s17], [sflag:$0x3], $0x80, s15, s16, $0xb8;
	[tilespmem:$0x1D800] =	vst v63  }
0xe8: {  	_ =	swait.ge [sflag:s12], $0x4000  }
0xe9: {  	[sflag:s12] =	ssyncset.done $0x0  }
0xea: {  	s14 =	rddreg [dreg:$0x4];
	[sflag:s12] =	ssyncadd.s32 $0xFFFFC000  }
0xeb: {  	[tilespmem:s17], [sflag:$0x1] =	stream.indirect.gather [hbm4b:s4+s16], $0x80, s14, s16, $0xb8;
	[tilespmem:$0x1D800] =	vst v63  }
0xec: {  	_ =	swait.ge [sflag:s20], $0x4000  }
0xed: {  	[sflag:s20] =	ssyncset.done $0x0  }
0xee: {  	s14 =	rddreg [dreg:$0x5];
	[sflag:s20] =	ssyncadd.s32 $0xFFFFC000  }
0xef: {  	[spmem:s2] =	stream.indirect.scatter.add.f32 [tilespmem:s18], [sflag:$0x3], $0x80, s14, s16, $0xb8;
	[tilespmem:$0x1D800] =	vst v63  }
0xf0: {  	_ =	swait.ge [sflag:s12], $0x4000  }
0xf1: {  	[sflag:s12] =	ssyncset.done $0x0  }
0xf2: {  	s14 =	rddreg [dreg:$0x6];
	[sflag:s12] =	ssyncadd.s32 $0xFFFFC000  }
0xf3: {  	[tilespmem:s18], [sflag:$0x2] =	stream.indirect.gather [hbm4b:s4+s16], $0x80, s14, s16, $0xb8;
	[tilespmem:$0x1D800] =	vst v63  }
0xf4: {  	_ =	swait.ge [sflag:s19], $0x4000  }
0xf5: {  	[sflag:s19] =	ssyncset.done $0x0  }
0xf6: {  	s14 =	rddreg [dreg:$0x7];
	[sflag:s19] =	ssyncadd.s32 $0xFFFFC000  }
0xf7: {  	[spmem:s2] =	stream.indirect.scatter.add.f32 [tilespmem:s17], [sflag:$0x3], $0x80, s14, s16, $0xb8;
	[tilespmem:$0x1D800] =	vst v63  }
0xf8: {  	_ =	swait.ge [sflag:s12], $0x4000  }
0xf9: {  	[sflag:s12] =	ssyncset.done $0x0  }
0xfa: {  	s14 =	rddreg [dreg:$0x8];
	[sflag:s12] =	ssyncadd.s32 $0xFFFFC000  }
0xfb: {  	[tilespmem:s17], [sflag:$0x1] =	stream.indirect.gather [hbm4b:s4+s16], $0x80, s14, s16, $0xb8;
	[tilespmem:$0x1D800] =	vst v63  }
0xfc: {  	_ =	swait.ge [sflag:s20], $0x4000  }
0xfd: {  	[sflag:s20] =	ssyncset.done $0x0  }
0xfe: {  	s14 =	rddreg [dreg:$0x9];
	[sflag:s20] =	ssyncadd.s32 $0xFFFFC000  }
0xff: {  	[spmem:s2] =	stream.indirect.scatter.add.f32 [tilespmem:s18], [sflag:$0x3], $0x80, s14, s16, $0xb8;
	[tilespmem:$0x1D800] =	vst v63  }
0x100: {  	_ =	swait.ge [sflag:s12], $0x4000  }
0x101: {  	[sflag:s12] =	ssyncset.done $0x0  }
0x102: {  	s14 =	rddreg [dreg:$0xa];
	[sflag:s12] =	ssyncadd.s32 $0xFFFFC000  }
0x103: {  	[tilespmem:s18], [sflag:$0x2] =	stream.indirect.gather [hbm4b:s4+s16], $0x80, s14, s16, $0xb8;
	[tilespmem:$0x1D800] =	vst v63  }
0x104: {  	_ =	swait.ge [sflag:s19], $0x4000  }
0x105: {  	[sflag:s19] =	ssyncset.done $0x0  }
0x106: {  	s14 =	rddreg [dreg:$0xb];
	[sflag:s19] =	ssyncadd.s32 $0xFFFFC000  }
0x107: {  	[spmem:s2] =	stream.indirect.scatter.add.f32 [tilespmem:s17], [sflag:$0x3], $0x80, s14, s16, $0xb8;
	[tilespmem:$0x1D800] =	vst v63  }
0x108: {  	_ =	swait.ge [sflag:s12], $0x4000  }
0x109: {  	[sflag:s12] =	ssyncset.done $0x0  }
0x10a: {  	s14 =	rddreg [dreg:$0xc];
	[sflag:s12] =	ssyncadd.s32 $0xFFFFC000  }
0x10b: {  	[tilespmem:s17], [sflag:$0x1] =	stream.indirect.gather [hbm4b:s4+s16], $0x80, s14, s16, $0xb8;
	[tilespmem:$0x1D800] =	vst v63  }
0x10c: {  	_ =	swait.ge [sflag:s20], $0x4000  }
0x10d: {  	[sflag:s20] =	ssyncset.done $0x0  }
0x10e: {  	s14 =	rddreg [dreg:$0xd];
	[sflag:s20] =	ssyncadd.s32 $0xFFFFC000  }
0x10f: {  	[spmem:s2] =	stream.indirect.scatter.add.f32 [tilespmem:s18], [sflag:$0x3], $0x80, s14, s16, $0xb8;
	[tilespmem:$0x1D800] =	vst v63  }
0x110: {  	_ =	swait.ge [sflag:s12], $0x4000  }
0x111: {  	[sflag:s12] =	ssyncset.done $0x0  }
0x112: {  	s14 =	rddreg [dreg:$0xe];
	[sflag:s12] =	ssyncadd.s32 $0xFFFFC000  }
0x113: {  	[tilespmem:s18], [sflag:$0x2] =	stream.indirect.gather [hbm4b:s4+s16], $0x80, s14, s16, $0xb8;
	[tilespmem:$0x1D800] =	vst v63  }
0x114: {  	_ =	swait.ge [sflag:s19], $0x4000  }
0x115: {  	[sflag:s19] =	ssyncset.done $0x0  }
0x116: {  	s14 =	rddreg [dreg:$0xf];
	[sflag:s19] =	ssyncadd.s32 $0xFFFFC000  }
0x117: {  	[spmem:s2] =	stream.indirect.scatter.add.f32 [tilespmem:s17], [sflag:$0x3], $0x80, s14, s16, $0xb8;
	[tilespmem:$0x1D800] =	vst v63  }
0x118: {  	_ =	swait.ge [sflag:s12], $0x4000  }
0x119: {  	[sflag:s12] =	ssyncset.done $0x0  }
0x11a: {  	s14 =	rddreg [dreg:$0x10];
	[sflag:s12] =	ssyncadd.s32 $0xFFFFC000  }
0x11b: {  	[tilespmem:s17], [sflag:$0x1] =	stream.indirect.gather [hbm4b:s4+s16], $0x80, s14, s16, $0xb8;
	[tilespmem:$0x1D800] =	vst v63  }
0x11c: {  	_ =	swait.ge [sflag:s20], $0x4000  }
0x11d: {  	[sflag:s20] =	ssyncset.done $0x0  }
0x11e: {  	s14 =	rddreg [dreg:$0x11];
	[sflag:s20] =	ssyncadd.s32 $0xFFFFC000  }
0x11f: {  	[spmem:s2] =	stream.indirect.scatter.add.f32 [tilespmem:s18], [sflag:$0x3], $0x80, s14, s16, $0xb8;
	[tilespmem:$0x1D800] =	vst v63  }
0x120: {  	_ =	swait.ge [sflag:s12], $0x4000  }
0x121: {  	[sflag:s12] =	ssyncset.done $0x0  }
0x122: {  	[sflag:s12] =	ssyncadd.s32 $0xFFFFC000  }
0x123: {  	[tilespmem:s18], [sflag:$0x2] =	stream.indirect.gather [hbm4b:s4+s16], $0x80, s21, s16, $0xb8;
	[tilespmem:$0x1D800] =	vst v63  }
0x124: {  	_ =	swait.ge [sflag:s19], $0x4000  }
0x125: {  	[sflag:s19] =	ssyncset.done $0x0  }
0x126: {  	[sflag:s19] =	ssyncadd.s32 $0xFFFFC000  }
0x127: {  	[spmem:s2] =	stream.indirect.scatter.add.f32 [tilespmem:s17], [sflag:$0x3], $0x80, s22, s16, $0xb8;
	[tilespmem:$0x1D800] =	vst v63  }
0x128: {  	_ =	swait.ge [sflag:s12], $0x4000  }
0x129: {  	[sflag:s12] =	ssyncset.done $0x0  }
0x12a: {  	[sflag:s12] =	ssyncadd.s32 $0xFFFFC000  }
0x12b: {  	[tilespmem:s17], [sflag:$0x1] =	stream.indirect.gather [hbm4b:s4+s16], $0x80, s23, s16, $0xb8;
	[tilespmem:$0x1D800] =	vst v63  }
0x12c: {  	_ =	swait.ge [sflag:s20], $0x4000  }
0x12d: {  	[sflag:s20] =	ssyncset.done $0x0  }
0x12e: {  	[sflag:s20] =	ssyncadd.s32 $0xFFFFC000  }
0x12f: {  	[spmem:s2] =	stream.indirect.scatter.add.f32 [tilespmem:s18], [sflag:$0x3], $0x80, s24, s16, $0xb8;
	[tilespmem:$0x1D800] =	vst v63  }
0x130: {  	_ =	swait.ge [sflag:s12], $0x4000  }
0x131: {  	[sflag:s12] =	ssyncset.done $0x0  }
0x132: {  	[sflag:s12] =	ssyncadd.s32 $0xFFFFC000  }
0x133: {  	[tilespmem:s18], [sflag:$0x2] =	stream.indirect.gather [hbm4b:s4+s16], $0x80, s25, s16, $0xb8;
	[tilespmem:$0x1D800] =	vst v63  }
0x134: {  	_ =	swait.ge [sflag:s19], $0x4000  }
0x135: {  	[sflag:s19] =	ssyncset.done $0x0  }
0x136: {  	[sflag:s19] =	ssyncadd.s32 $0xFFFFC000  }
0x137: {  	[spmem:s2] =	stream.indirect.scatter.add.f32 [tilespmem:s17], [sflag:$0x3], $0x80, s26, s16, $0xb8;
	[tilespmem:$0x1D800] =	vst v63  }
0x138: {  	_ =	swait.ge [sflag:s12], $0x4000  }
0x139: {  	[sflag:s12] =	ssyncset.done $0x0  }
0x13a: {  	[sflag:s12] =	ssyncadd.s32 $0xFFFFC000  }
0x13b: {  	[tilespmem:s17], [sflag:$0x1] =	stream.indirect.gather [hbm4b:s4+s16], $0x80, s28, s16, $0xb8;
	[tilespmem:$0x1D800] =	vst v63  }
0x13c: {  	_ =	swait.ge [sflag:s20], $0x4000  }
0x13d: {  	[sflag:s20] =	ssyncset.done $0x0  }
0x13e: {  	[sflag:s20] =	ssyncadd.s32 $0xFFFFC000  }
0x13f: {  	[spmem:s2] =	stream.indirect.scatter.add.f32 [tilespmem:s18], [sflag:$0x3], $0x80, s29, s16, $0xb8;
	[tilespmem:$0x1D800] =	vst v63  }
0x140: {  	_ =	swait.ge [sflag:s12], $0x4000  }
0x141: {  	[sflag:s12] =	ssyncset.done $0x0  }
0x142: {  	[sflag:s12] =	ssyncadd.s32 $0xFFFFC000  }
0x143: {  	[tilespmem:s18], [sflag:$0x2] =	stream.indirect.gather [hbm4b:s4+s16], $0x80, s30, s16, $0xb8;
	[tilespmem:$0x1D800] =	vst v63  }
0x144: {  	_ =	swait.ge [sflag:s19], $0x4000  }
0x145: {  	[sflag:s19] =	ssyncset.done $0x0  }
0x146: {  	[sflag:s19] =	ssyncadd.s32 $0xFFFFC000  }
0x147: {  	[spmem:s2] =	stream.indirect.scatter.add.f32 [tilespmem:s17], [sflag:$0x3], $0x80, s31, s16, $0xb8;
	[tilespmem:$0x1D800] =	vst v63  }
0x148: {  	_ =	swait.ge [sflag:s12], $0x4000  }
0x149: {  	[sflag:s12] =	ssyncset.done $0x0  }
0x14a: {  	[sflag:s12] =	ssyncadd.s32 $0xFFFFC000  }
0x14b: {  	[tilespmem:s17], [sflag:$0x1] =	stream.indirect.gather [hbm4b:s4+s16], $0x80, s1, s16, $0xb8;
	[tilespmem:$0x1D800] =	vst v63  }
0x14c: {  	_ =	swait.ge [sflag:s20], $0x4000  }
0x14d: {  	[sflag:s20] =	ssyncset.done $0x0  }
0x14e: {  	[sflag:s20] =	ssyncadd.s32 $0xFFFFC000  }
0x14f: {  	[spmem:s2] =	stream.indirect.scatter.add.f32 [tilespmem:s18], [sflag:$0x3], $0x80, s0, s16, $0xb8;
	[tilespmem:$0x1D800] =	vst v63  }
0x150: {  	_ =	swait.ge [sflag:s12], $0x4000  }
0x151: {  	[sflag:s12] =	ssyncset.done $0x0  }
0x152: {  	[sflag:s12] =	ssyncadd.s32 $0xFFFFC000  }
0x153: {  	[tilespmem:s18], [sflag:$0x2] =	stream.indirect.gather [hbm4b:s4+s16], $0x80, s7, s16, $0xb8;
	[tilespmem:$0x1D800] =	vst v63  }
0x154: {  	_ =	swait.ge [sflag:s19], $0x4000  }
0x155: {  	[sflag:s19] =	ssyncset.done $0x0  }
0x156: {  	[sflag:s19] =	ssyncadd.s32 $0xFFFFC000  }
0x157: {  	[spmem:s2] =	stream.indirect.scatter.add.f32 [tilespmem:s17], [sflag:$0x3], $0x80, s8, s16, $0xb8;
	[tilespmem:$0x1D800] =	vst v63  }
0x158: {  	_ =	swait.ge [sflag:s12], $0x4000  }
0x159: {  	[sflag:s12] =	ssyncset.done $0x0  }
0x15a: {  	[sflag:s12] =	ssyncadd.s32 $0xFFFFC000  }
0x15b: {  	p1 =	sne.s32 s9, $0x1;
	_ =	swait.ge [sflag:s20], $0x4000  }
.Ltmp6:
0x15c: {  	[sflag:s20] =	ssyncset.done $0x0;
	(pc) =	sbr.rel @p1 .LBB2_7-.Ltmp6, $4  }
0x15d: {  	[sflag:s20] =	ssyncadd.s32 $0xFFFFC000  }
0x15e: {  	[spmem:s2] =	stream.indirect.scatter.add.f32 [tilespmem:s18], [sflag:$0x3], $0x80, s13, s16, $0xb8;
	[tilespmem:$0x1D800] =	vst v63  }
0x15f: {  	_ =	swait.ge [sflag:s12], $0x4000  }
0x160: {  	s9 =	sadd.s32 $0xFFFFFFFF, s9;
	[sflag:s12] =	ssyncset.done $0x0  }
.Ltmp7:
0x161: {  	_ = 	snop;
	(pc) =	sbr.rel .LBB2_8-.Ltmp7, $1  }
0x162: {  	_ =	sdelay $0x3  }
.LBB2_10:
0x163: {  	_ =	sfence.sel $0x180000  }
0x164: {  	[bflag:$0x0] =	sbarrier.arrive $0xFFFF  }
0x165: {  	_ =	strace $0x9000004D  }
0x166: {  	s0 =	stileid.u32;
	[bflag:$0x2] =	sbarrier.arrive $0xFFFF  }
0x167: {  	p0 =	sne.s32 s0, $0x0;
	s0 =	rddreg [dreg:$0x3]  }
0x168: {  	s0 =	sadd.s32 @!p0 $0x100000, s0  }
0x169: {  	[sflag:s0] =	ssyncadd.tile.s32 @!p0 $0x1;
	_ =	shalt  }
.Lfunc_end2:
_tile_overlayer_lowered:
.L_overlay_start_2:
0x16a: {  	(tag) =	ssettag $0x2  }
0x16b: {  	s0 =	rddreg [dreg:$0x0];
	s2 =	stileid.u32  }
0x16c: {  	s1 =	rddreg [dreg:$0x1];
	p0 =	sne.s32 s2, $0x0  }
0x16d: {  	s3 =	rddreg [dreg:$0x2];
	[bflag:$0x3] =	sbarrier.arrive $0xFFFF;
	s2 =	simm.s32 @!p0 $0x1C03  }
0x16e: {  	[timem:s3], [sflag:s2] =	dma.local @!p0 [hbm:s0], s1  }
0x16f: {  	s0 =	simm.s32 @!p0 $0x3  }
0x170: {  	_ =	swait.ge @!p0 [sflag:s0], s1  }
0x171: {  	s1 =	ssub.s32 @!p0 $0x0, s1;
	[sflag:s0] =	ssyncset.done @!p0 $0x0  }
0x172: {  	[sflag:s0] =	ssyncadd.s32 @!p0 s1  }
0x173: {  	[bflag:$0x3] =	sbarrier.arrive $0xFFFF  }
0x174: {  	_ =	shalt  }

// kernel: kernel.21.cloned.1.call-start
scs
__scs_entry_jumppad:
0x0: {  	(pc) =	sbr.rel $0x88, $3  }
0x1: {  	(tag) =	ssettag $0x0;
	lr =	simm.s32 $0x1  }
0x2: {  	[smem:$0x3F95] =	sst lr;
	_ =	strace $0xD0000000  }
0x3: {  	_ = 	snop  }
0x4: {  	_ = 	snop  }
0x5: {  	_ = 	snop  }
0x6: {  	_ = 	snop  }
0x7: {  	_ = 	snop  }
__scs_overlays_trampoline_lowered:
0x8: {  	[smem:$0x3FA4] =	sst s0  }
0x9: {  	[smem:$0x3FA5] =	sst s1  }
0xa: {  	[smem:$0x3FA6] =	sst s2  }
0xb: {  	[smem:$0x3FA7] =	sst s3  }
0xc: {  	[smem:$0x3FA8] =	sst s4  }
0xd: {  	[smem:$0x3FA9] =	sst s5  }
0xe: {  	[smem:$0x3FAA] =	sst s6  }
0xf: {  	[smem:$0x3FAB] =	sst s7  }
0x10: {  	[smem:$0x3FAC] =	sst s8  }
0x11: {  	[smem:$0x3FAD] =	sst s9;
	s0 =	simm.s32 @!p0 $0x0  }
0x12: {  	s1 =	sld [smem:$0x3F93];
	s0 =	simm.s32 @p0 $0x1  }
0x13: {  	[smem:$0x3FAE] =	sst s0;
	s0 =	simm.s32 @!p1 $0x0  }
0x14: {  	s2 =	sld [smem:$0x3F92];
	s0 =	simm.s32 @p1 $0x1  }
0x15: {  	[smem:$0x3FAF] =	sst s0;
	s0 =	simm.s32 @!p2 $0x0  }
0x16: {  	s3 =	sld [smem:$0x3FDB];
	s0 =	simm.s32 @p2 $0x1  }
0x17: {  	s4 =	simm.s32 $0x1BF5;
	[smem:$0x3FB1] =	sst s0  }
0x18: {  	s0 =	sld [smem:$0x3F94];
	_ =	swait.ge [sflag:s4], $0x0  }
0x19: {  	s7 =	sld [smem:$0x3F95]  }
0x1a: {  	s8 =	sadd.s32 $0xFFFFE003, lr  }
0x1b: {  	s9 =	sadd.s32 $0xFFFFFEF7, lr;
	s5 =	simm.s32 $0xFFFFFFFF;
	p2 =	slt.u32 s8, $0xFFFFF086  }
0x1c: {  	p1 =	slt.u32 s9, $0xF7A;
	s5 =	simm.s32 @!p2 $0x0  }
0x1d: {  	s5 =	simm.s32 @p1 $0x1;
	p0 =	seq.s32 s7, s2  }
0x1e: {  	s7 =	smul.u32 @!p0 $0xF7A, s2;
	p2 =	seq.s32 @!p0 s5, $0x0  }
0x1f: {  	s9 =	smul.u32 $0xF7A, s1;
	s8 =	simm.s32 @!p0 $0x1BF5;
	p2 =	por !p2, p0  }
0x20: {  	[sflag:s8] =	ssyncset.s32 @!p0 $0xFFFFF086;
	s6 =	sadd.s32 @!p0 s3, s7;
	s7 =	simm.s32 @!p0 $0x108  }
0x21: {  	s3 =	sadd.s32 s3, s9;
	s6 =	sadd.s32 @!p0 $0x88, s6;
	s7 =	simm.s32 @p2 $0x1082  }
0x22: {  	[simem:s7], [sflag:s8] =	dma.local @!p0 [hbm:s6], $0xF7A  }
0x23: {  	s9 =	sor.u32 $0xD0000000, s2;
	s6 =	simm.s32 $0x108;
	_ =	swait.ge @!p0 [sflag:s8], $0x0  }
0x24: {  	s3 =	sadd.s32 $0x88, s3;
	s6 =	simm.s32 @!p1 $0x1082;
	[sflag:s4] =	ssyncset.s32 $0xFFFFF086  }
0x25: {  	[simem:s6], [sflag:s4] =	dma.local [hbm:s3], $0xF7A  }
0x26: {  	[smem:$0x3F95] =	sst s1;
	(tag) =	ssettag s2;
	_ =	strace s9  }
0x27: {  	s1 =	sld [smem:$0x3FA5]  }
0x28: {  	s2 =	sld [smem:$0x3FA6]  }
0x29: {  	s4 =	sld [smem:$0x3FA8]  }
0x2a: {  	p0 =	seq.s32 s5, $0x0;
	s5 =	sld [smem:$0x3FA9]  }
0x2b: {  	s6 =	sld [smem:$0x3FAA]  }
0x2c: {  	s7 =	sld [smem:$0x3FAB]  }
0x2d: {  	s3 =	simm.s32 $0x108;
	s8 =	sld [smem:$0x3FAC]  }
0x2e: {  	s3 =	simm.s32 @!p0 $0x1082;
	s9 =	sld [smem:$0x3FAD]  }
0x2f: {  	lr =	sadd.s32 s0, s3;
	s0 =	sld [smem:$0x3FA4]  }
0x30: {  	s3 =	sld [smem:$0x3FA7]  }
0x31: {  	[smem:$0x3FB0] =	sst s10  }
0x32: {  	s10 =	sld [smem:$0x3FAE];
	_ =	sdelay $0x3  }
0x33: {  	p0 =	seq.s32 s10, $0x1;
	s10 =	sld [smem:$0x3FB0];
	_ =	sdelay $0x3  }
0x34: {  	[smem:$0x3FB0] =	sst s10  }
0x35: {  	s10 =	sld [smem:$0x3FAF];
	_ =	sdelay $0x3  }
0x36: {  	p1 =	seq.s32 s10, $0x1;
	s10 =	sld [smem:$0x3FB0];
	_ =	sdelay $0x3  }
0x37: {  	[smem:$0x3FB0] =	sst s10  }
0x38: {  	s10 =	sld [smem:$0x3FB1]  }
0x39: {  	_ = 	snop;
	(pc) =	sbr.ind lr, $3  }
0x3a: {  	_ = 	snop  }
0x3b: {  	_ = 	snop  }
0x3c: {  	p2 =	seq.s32 s10, $0x1;
	s10 =	sld [smem:$0x3FB0]  }
0x3d: {  	_ =	shalt  }
0x3e: {  	_ =	shalt  }
0x3f: {  	_ =	shalt  }
0x40: {  	_ =	shalt  }
0x41: {  	_ =	shalt  }
0x42: {  	_ =	shalt  }
0x43: {  	_ =	shalt  }
0x44: {  	_ =	shalt  }
0x45: {  	_ =	shalt  }
0x46: {  	_ =	shalt  }
0x47: {  	_ =	shalt  }
0x48: {  	_ =	shalt  }
0x49: {  	_ =	shalt  }
0x4a: {  	_ =	shalt  }
0x4b: {  	_ =	shalt  }
0x4c: {  	_ =	shalt  }
0x4d: {  	_ =	shalt  }
0x4e: {  	_ =	shalt  }
0x4f: {  	_ =	shalt  }
0x50: {  	_ =	shalt  }
0x51: {  	_ =	shalt  }
0x52: {  	_ =	shalt  }
0x53: {  	_ =	shalt  }
0x54: {  	_ =	shalt  }
0x55: {  	_ =	shalt  }
0x56: {  	_ =	shalt  }
0x57: {  	_ =	shalt  }
0x58: {  	_ =	shalt  }
0x59: {  	_ =	shalt  }
0x5a: {  	_ =	shalt  }
0x5b: {  	_ =	shalt  }
0x5c: {  	_ =	shalt  }
0x5d: {  	_ =	shalt  }
0x5e: {  	_ =	shalt  }
0x5f: {  	_ =	shalt  }
0x60: {  	_ =	shalt  }
0x61: {  	_ =	shalt  }
0x62: {  	_ =	shalt  }
0x63: {  	_ =	shalt  }
0x64: {  	_ =	shalt  }
0x65: {  	_ =	shalt  }
0x66: {  	_ =	shalt  }
0x67: {  	_ =	shalt  }
0x68: {  	_ =	shalt  }
0x69: {  	_ =	shalt  }
0x6a: {  	_ =	shalt  }
0x6b: {  	_ =	shalt  }
0x6c: {  	_ =	shalt  }
0x6d: {  	_ =	shalt  }
0x6e: {  	_ =	shalt  }
0x6f: {  	_ =	shalt  }
0x70: {  	_ =	shalt  }
0x71: {  	_ =	shalt  }
0x72: {  	_ =	shalt  }
0x73: {  	_ =	shalt  }
0x74: {  	_ =	shalt  }
0x75: {  	_ =	shalt  }
0x76: {  	_ =	shalt  }
0x77: {  	_ =	shalt  }
0x78: {  	_ =	shalt  }
0x79: {  	_ =	shalt  }
0x7a: {  	_ =	shalt  }
0x7b: {  	_ =	shalt  }
0x7c: {  	_ =	shalt  }
0x7d: {  	_ =	shalt  }
0x7e: {  	_ =	shalt  }
0x7f: {  	_ =	shalt  }
0x80: {  	_ =	shalt  }
0x81: {  	_ =	shalt  }
0x82: {  	_ =	shalt  }
0x83: {  	_ =	shalt  }
0x84: {  	_ =	shalt  }
0x85: {  	_ =	shalt  }
0x86: {  	_ =	shalt  }
0x87: {  	_ =	shalt  }
.Lfunc_end0:
.L_simem_size_0:
called_computation.3_lowered:
.L_overlay_start_0:
0x88: {  	s2 =	sld [smem:$0x3FD9]  }
0x89: {  	s3 =	sld [smem:$0x3FFE];
	_ =	sdelay $0x1  }
0x8a: {  	s1 =	srdreg.scid  }
0x8b: {  	s0 =	sand.u32 $0x1, s1  }
0x8c: {  	s17 =	sshll.u32 s0, $0xA;
	s2 =	sadd.s32 s3, s2  }
0x8d: {  	s2 =	sadd.s32 s2, s17  }
0x8e: {  	[smem:$0x3FBC] =	sst s2  }
0x8f: {  	_ = 	snop  }
0x90: {  	s2 =	sld [smem:$0x3FD0];
	(tm) =	ssettm $0x1  }
0x91: {  	s18 =	sld [smem:$0x3FFB];
	_ =	sdelay $0x3  }
0x92: {  	_ =	strace s18  }
0x93: {  	s3 =	sld [smem:$0x3FFC];
	_ =	sdelay $0x3  }
0x94: {  	_ =	strace s3  }
0x95: {  	s3 =	sld [smem:$0x3FFD];
	_ =	sdelay $0x3  }
0x96: {  	_ =	strace s3  }
0x97: {  	_ =	strace $0x8FFFFFFF  }
0x98: {  	s19 =	sld [smem:$0x3FDB];
	_ =	sdelay $0x1  }
0x99: {  	s4 =	simm.s32 $_scs_section_size  }
0x9a: {  	s5 =	simm.s32 $_size__tile_overlayer_lowered;
	s6 =	simm.s32 $_tile_overlayer_lowered  }
0x9b: {  	s22 =	simm.s32 $0x1BFF;
	s21 =	sshll.u32 s6, $0x1;
	s3 =	sadd.s32 s4, s19  }
0x9c: {  	s7 =	simm.s32 $0x0;
	s20 =	sshll.u32 s5, $0x1;
	s5 =	sadd.s32 s21, s3  }
0x9d: {  	[timem:s7], [sflag:s22] =	dma.local [hbm:s5], s20  }
0x9e: {  	_ =	swait.ge [sflag:s22], s20  }
0x9f: {  	s4 =	ssub.s32 $0x0, s20;
	[sflag:s22] =	ssyncset.done $0x0  }
0xa0: {  	[sflag:s22] =	ssyncadd.s32 s4;
	_ =	sdelay $0x1  }
0xa1: {  	s23 =	simm.s32 $0x1B8B  }
0xa2: {  	_ =	swait.ge [sflag:s23], $0x1  }
0xa3: {  	[sflag:s23] =	ssyncset.done $0x0  }
0xa4: {  	s25 =	simm.s32 $0x1B8E;
	s24 =	sld [smem:$0x3FFE];
	[sflag:s23] =	ssyncadd.s32 $0xFFFFFFFF  }
0xa5: {  	s26 =	simm.s32 $execute0_lowered;
	[smem:$0x3FD2] =	sst s25  }
0xa6: {  	s5 =	sshll.u32 s26, $0x1;
	_ =	strace $0x8000004F;
	[dreg:$0x1] =	wrdreg $0xFFFFFFFF  }
0xa7: {  	s28 =	simm.s32 $_size_execute0_lowered;
	s3 =	sadd.s32 s3, s5;
	[dreg:$0x0] =	wrdreg $0x0  }
0xa8: {  	s5 =	sshll.u32 s28, $0x1;
	[dreg:$0x2] =	wrdreg s3  }
0xa9: {  	[dreg:$0x3] =	wrdreg s5  }
0xaa: {  	[dreg:$0x4] =	wrdreg $0xC0  }
0xab: {  	_ =	task [dreg:s7], $0x5FFFF  }
0xac: {  	[dreg:$0x1] =	wrdreg $0xFFFFFFFF  }
0xad: {  	[dreg:$0x0] =	wrdreg $0x60  }
0xae: {  	[dreg:$0x2] =	wrdreg s24  }
0xaf: {  	[dreg:$0x3] =	wrdreg s2  }
0xb0: {  	[dreg:$0x4] =	wrdreg $0x98000  }
0xb1: {  	[dreg:$0x5] =	wrdreg $0x9  }
0xb2: {  	_ =	task.clear_ibuf [dreg:s7], $0x6FFFF;
	_ =	strace $0x9000004F  }
0xb3: {  	s29 =	simm.s32 $0x9;
	_ =	strace $0x80000051  }
0xb4: {  	_ =	swait.ge [sflag:s29], $0x1  }
0xb5: {  	[sflag:s29] =	ssyncadd.s32 $0xFFFFFFFF  }
0xb6: {  	_ =	strace $0x90000051  }
0xb7: {  	_ =	sfence  }
0xb8: {  	s30 =	sld [smem:$0x0];
	_ =	sdelay $0x2  }
0xb9: {  	s31 =	sshll.u32 s1, $0xD;
	s1 =	sshrl.u32 s1, $0x2  }
0xba: {  	s3 =	sand.u32 $0x4000, s31;
	s1 =	sadd.s32 s1, s30  }
0xbb: {  	s0 =	sor.u32 s3, s0;
	s1 =	sshll.u32 s1, $0x11  }
0xbc: {  	s0 =	sor.u32 s1, s0  }
0xbd: {  	s0 =	sadd.s32 $0x8F2B, s0  }
0xbe: {  	[sflag:s0] =	ssyncadd.remote.s32 $0x1  }
0xbf: {  	_ =	sfence.sel $0xFFFF  }
0xc0: {  	[dreg:$0x0] =	wrdreg $0xFFFFFFFF;
	(pc) =	sbr.abs _section_cstart, $3  }
0xc1: {  	[dreg:$0x1] =	wrdreg $0xFFFFFFFF  }
0xc2: {  	_ =	task.clear_ibuf [dreg:s7], $0x2FFFF;
	_ =	strace $0x9FFFFFFF  }
0xc3: {  	(tm) =	ssettm $0x7FFFFFFF  }
tec
execute0_lowered:
.L_overlay_start_1:
0x0: {  	(tag) =	ssettag $0x1  }
0x1: {  	s0 =	srdreg.scid;
	s1 =	rddreg [dreg:$0x0]  }
0x2: {  	s13 =	stileid.u32;
	s7 =	rddreg [dreg:$0x1];
	s12 =	simm.s32 $0x180  }
0x3: {  	s14 =	simm.s32 $0x900;
	s15 =	simm.s32 $0x200;
	s16 =	simm.s32 $0x980  }
0x4: {  	s18 =	simm.s32 $0x280;
	s19 =	simm.s32 $0xA00;
	s21 =	simm.s32 $0x300  }
0x5: {  	s28 =	simm.s32 $0x600;
	s0 =	sand.u32 $0x1, s0;
	s9 =	smul.u32 $0x14000, s13  }
0x6: {  	s29 =	simm.s32 $0xD80;
	s23 =	smul.u32 $0x50000, s13;
	s5 =	sxor.u32 $0x1, s0  }
0x7: {  	s30 =	simm.s32 $0x680;
	s2 =	sshll.u32 s13, $0x4;
	s3 =	smul.u32 s5, s13  }
0x8: {  	s31 =	simm.s32 $0xE00;
	s4 =	sor.u32 $0x900, s2;
	s8 =	smul.u32 $0x140000, s0  }
0x9: {  	s2 =	rddreg [dreg:$0x2];
	s6 =	smul.u32 $0x4800, s3;
	s3 =	simm.s32 $0x0  }
0xa: {  	s17 =	sshll.u32 s13, $0x6;
	s5 =	smul.u32 $0x9, s5;
	[smem:$0x7FF] =	sst s3  }
0xb: {  	s24 =	ssub.s32 $0x2, s0;
	_ =	strace $0x80000050;
	[dreg:$0x6] =	wrdreg s12  }
0xc: {  	s4 =	smul.u32 s0, s4;
	s5 =	sadd.s32 s0, s5;
	[dreg:$0x7] =	wrdreg s14  }
0xd: {  	s25 =	sshrl.u32 s24, $0x1;
	s13 =	simm.s32 $0xF80;
	[dreg:$0x12] =	wrdreg s5  }
0xe: {  	s22 =	sadd.s32 s9, s8;
	s8 =	sshrl.u32 s23, $0x2;
	[dreg:$0x8] =	wrdreg s15  }
0xf: {  	s9 =	ssub.s32 s24, s25;
	s23 =	simm.s32 $0x380;
	[dreg:$0x9] =	wrdreg s16  }
0x10: {  	s24 =	simm.s32 $0xB00;
	s25 =	simm.s32 $0x400;
	[dreg:$0xa] =	wrdreg s18  }
0x11: {  	s4 =	sshll.u32 s4, $0x7;
	s0 =	simm.s32 $0xE80;
	[dreg:$0xb] =	wrdreg s19  }
0x12: {  	p0 =	seq.s32 s5, $0x0;
	s6 =	sadd.s32 s4, s6;
	[dreg:$0xc] =	wrdreg s21  }
0x13: {  	s4 =	sadd.s32 $0xDC00, s1;
	s12 =	simm.s32 $0x3;
	[dreg:$0xe] =	wrdreg s23  }
0x14: {  	s15 =	simm.s32 $0x800;
	s16 =	simm.s32 $0x80;
	[dreg:$0xf] =	wrdreg s24  }
0x15: {  	s18 =	simm.s32 $0x5000;
	s19 =	simm.s32 $0x1;
	[dreg:$0x10] =	wrdreg s25  }
0x16: {  	s21 =	simm.s32 $0x480;
	s23 =	simm.s32 $0x500;
	s24 =	simm.s32 $0xC80  }
0x17: {  	s25 =	simm.s32 $0x580;
	s10 =	sshrl.u32 s6, $0x3;
	s6 =	sshrl.u32 s22, $0x3  }
0x18: {  	s22 =	simm.s32 $0xA80;
	s11 =	sadd.s32 s10, s1;
	s1 =	sadd.s32 s6, s1  }
0x19: {  	s6 =	sadd.s32 s8, s2;
	s8 =	simm.s32 $0x100;
	[dreg:$0xd] =	wrdreg s22  }
0x1a: {  	s14 =	simm.s32 $0x0;
	s26 =	sadd.s32 $0x35C00, s1;
	[dreg:$0x4] =	wrdreg s8  }
0x1b: {  	s22 =	simm.s32 $0xC00;
	s1 =	smax.u32 s9, $0x1;
	[dreg:$0x13] =	wrdreg s26  }
0x1c: {  	s9 =	sadd.s32 s10, s7;
	s10 =	simm.s32 $0x880;
	[dreg:$0x14] =	wrdreg s1  }
0x1d: {  	s11 =	sadd.s32 $0x3C00, s11;
	s20 =	sshrl.u32 s6, $0x3;
	[dreg:$0x15] =	wrdreg s9  }
.Ltmp0:
0x1e: {  	s7 =	simm.s32 $0x780;
	[dreg:$0x16] =	wrdreg s11;
	(pc) =	sbr.rel .LBB2_1-.Ltmp0, $4  }
0x1f: {  	s8 =	simm.s32 $0xF00;
	[dreg:$0x5] =	wrdreg s10;
	s11 =	simm.s32 $0x9000  }
0x20: {  	s1 =	sor.u32 $0x1C03, s17;
	[dreg:$0x18] =	wrdreg s20;
	s17 =	simm.s32 $0x1000  }
0x21: {  	s26 =	simm.s32 $0xB80;
	s20 =	simm.s32 $0x2;
	[dreg:$0x17] =	wrdreg s1  }
0x22: {  	v0 =	vimm.f32 $0.0e+00;
	[dreg:$0x11] =	wrdreg s26;
	s26 =	simm.s32 $0xD00;
	s1 =	simm.s32 $0x700  }
.LBB2_8:
0x23: {  	[sflag:s12] =	ssyncadd.s32 $0xFFFFC000;
	s14 =	rddreg [dreg:$0x19]  }
.LBB2_9:
0x24: {  	[bflag:$0x0] =	sbarrier.arrive $0xFFFF  }
0x25: {  	s5 =	rddreg [dreg:$0x13]  }
0x26: {  	s9 =	rddreg [dreg:$0x17]  }
0x27: {  	s10 =	rddreg [dreg:$0x18]  }
0x28: {  	[hbm:s5], [sflag:s9] =	dma.local [spmem:s10], $0x2800  }
0x29: {  	_ =	swait.ge [sflag:s12], $0x2800  }
0x2a: {  	s14 =	sadd.s32 $0x1, s14;
	s10 =	rddreg [dreg:$0x14]  }
0x2b: {  	p1 =	sne.s32 s14, s10  }
.Ltmp1:
0x2c: {  	_ = 	snop;
	(pc) =	sbr.rel @!p1 .LBB2_10-.Ltmp1, $3  }
0x2d: {  	_ =	sdelay $0x1  }
0x2e: {  	[sflag:s12] =	ssyncset.done $0x0  }
0x2f: {  	[sflag:s12] =	ssyncadd.s32 $0xFFFFD800  }
.LBB2_1:
0x30: {  	s5 =	simm.s32 $0x0;
	s9 =	simm.s32 $0x200  }
.LBB2_2:
0x31: {  	p1 =	sne.s32 s9, $0x1E00;
	[tilespmem:s5+$0x9070] =	vst v0  }
0x32: {  	[tilespmem:s5+$0x9000] =	vst v0  }
0x33: {  	[tilespmem:s5+$0x9010] =	vst v0  }
.Ltmp2:
0x34: {  	[tilespmem:s5+$0x9020] =	vst v0;
	(pc) =	sbr.rel @p1 .LBB2_2-.Ltmp2, $4  }
0x35: {  	[tilespmem:s5+$0x9030] =	vst v0  }
0x36: {  	[tilespmem:s5+$0x9040] =	vst v0  }
0x37: {  	[tilespmem:s5+$0x9050] =	vst v0  }
0x38: {  	[tilespmem:s5+$0x9060] =	vst v0;
	s5 =	sshra.s32 s9, $0x2;
	s9 =	sadd.s32 $0x200, s9  }
0x39: {  	[tilespmem:s5+$0x9070] =	vst v0  }
0x3a: {  	[tilespmem:s5+$0x9000] =	vst v0  }
0x3b: {  	[tilespmem:s5+$0x9010] =	vst v0  }
0x3c: {  	[tilespmem:s5+$0x9020] =	vst v0  }
0x3d: {  	[tilespmem:s5+$0x9030] =	vst v0  }
0x3e: {  	[tilespmem:s5+$0x9040] =	vst v0  }
0x3f: {  	[tilespmem:s5+$0x9050] =	vst v0  }
0x40: {  	[tilespmem:s5+$0x9060] =	vst v0;
	s10 =	sadd.s32 $0x0, s6  }
0x41: {  	[spmem:s10] =	stream.linear.scatter [tilespmem:s11], [sflag:$0x3], $0x800, $0x38;
	[tilespmem:$0x1D800] =	vst v63  }
0x42: {  	s5 =	simm.s32 $0x2000;
	_ =	swait.ge [sflag:s12], $0x800  }
.LBB2_4:
0x43: {  	s9 =	sshra.s32 s5, $0x2;
	[sflag:s12] =	ssyncset.done $0x0;
	p1 =	sne.s32 s5, $0x4E000  }
.Ltmp3:
0x44: {  	s9 =	sadd.s32 s9, s6;
	[sflag:s12] =	ssyncadd.s32 $0xFFFFF800;
	(pc) =	sbr.rel @p1 .LBB2_4-.Ltmp3, $3  }
0x45: {  	[spmem:s9] =	stream.linear.scatter [tilespmem:s11], [sflag:$0x3], $0x800, $0x38;
	[tilespmem:$0x1D800] =	vst v63  }
0x46: {  	s5 =	sadd.s32 $0x2000, s5;
	_ =	sdelay $0x1  }
0x47: {  	_ =	swait.ge [sflag:s12], $0x800  }
.Ltmp4:
0x48: {  	(pc) =	sbr.rel @p0 .LBB2_9-.Ltmp4, $3  }
0x49: {  	[sflag:s12] =	ssyncset.done $0x0  }
0x4a: {  	[sflag:s12] =	ssyncadd.s32 $0xFFFFF800  }
0x4b: {  	[bflag:$0x0] =	sbarrier.arrive $0xFFFF;
	_ =	sdelay $0x1  }
0x4c: {  	[dreg:$0x19] =	wrdreg s14  }
0x4d: {  	s14 =	rddreg [dreg:$0x16]  }
0x4e: {  	[tilespmem:s3], [sflag:$0x3] =	stream.linear.gather [hbm4b:s14+s3], $0x800, $0x38;
	[tilespmem:$0x1D800] =	vst v63  }
0x4f: {  	_ =	swait.ge [sflag:s12], $0x800  }
0x50: {  	[sflag:s12] =	ssyncset.done $0x0  }
0x51: {  	s10 =	rddreg [dreg:$0x15];
	[sflag:s12] =	ssyncadd.s32 $0xFFFFF800  }
0x52: {  	[tilespmem:s15], [sflag:$0x3] =	stream.linear.gather [hbm4b:s10+s3], $0x800, $0x38;
	[tilespmem:$0x1D800] =	vst v63  }
0x53: {  	_ =	swait.ge [sflag:s12], $0x800  }
0x54: {  	[sflag:s12] =	ssyncset.done $0x0  }
0x55: {  	[sflag:s12] =	ssyncadd.s32 $0xFFFFF800  }
0x56: {  	[tilespmem:s17], [sflag:$0x1] =	stream.indirect.gather [hbm4b:s4+s16], $0x80, s3, s16, $0xb8;
	[tilespmem:$0x1D800] =	vst v63  }
0x57: {  	_ = 	snop  }
0x58: {  	[tilespmem:s18], [sflag:$0x2] =	stream.indirect.gather [hbm4b:s4+s16], $0x80, s16, s16, $0xb8;
	[tilespmem:$0x1D800] =	vst v63  }
0x59: {  	_ =	swait.ge [sflag:s19], $0x4000  }
0x5a: {  	[sflag:s19] =	ssyncset.done $0x0  }
0x5b: {  	[sflag:s19] =	ssyncadd.s32 $0xFFFFC000  }
0x5c: {  	[spmem:s2] =	stream.indirect.scatter.add.f32 [tilespmem:s17], [sflag:$0x3], $0x80, s15, s16, $0xb8;
	[tilespmem:$0x1D800] =	vst v63  }
0x5d: {  	_ =	swait.ge [sflag:s12], $0x4000  }
0x5e: {  	[sflag:s12] =	ssyncset.done $0x0  }
0x5f: {  	s5 =	rddreg [dreg:$0x4];
	[sflag:s12] =	ssyncadd.s32 $0xFFFFC000  }
0x60: {  	[tilespmem:s17], [sflag:$0x1] =	stream.indirect.gather [hbm4b:s4+s16], $0x80, s5, s16, $0xb8;
	[tilespmem:$0x1D800] =	vst v63  }
0x61: {  	_ =	swait.ge [sflag:s20], $0x4000  }
0x62: {  	[sflag:s20] =	ssyncset.done $0x0  }
0x63: {  	s9 =	rddreg [dreg:$0x5];
	[sflag:s20] =	ssyncadd.s32 $0xFFFFC000  }
0x64: {  	[spmem:s2] =	stream.indirect.scatter.add.f32 [tilespmem:s18], [sflag:$0x3], $0x80, s9, s16, $0xb8;
	[tilespmem:$0x1D800] =	vst v63  }
0x65: {  	_ =	swait.ge [sflag:s12], $0x4000  }
0x66: {  	[sflag:s12] =	ssyncset.done $0x0  }
0x67: {  	s9 =	rddreg [dreg:$0x6];
	[sflag:s12] =	ssyncadd.s32 $0xFFFFC000  }
0x68: {  	[tilespmem:s18], [sflag:$0x2] =	stream.indirect.gather [hbm4b:s4+s16], $0x80, s9, s16, $0xb8;
	[tilespmem:$0x1D800] =	vst v63  }
0x69: {  	_ =	swait.ge [sflag:s19], $0x4000  }
0x6a: {  	[sflag:s19] =	ssyncset.done $0x0  }
0x6b: {  	s9 =	rddreg [dreg:$0x7];
	[sflag:s19] =	ssyncadd.s32 $0xFFFFC000  }
0x6c: {  	[spmem:s2] =	stream.indirect.scatter.add.f32 [tilespmem:s17], [sflag:$0x3], $0x80, s9, s16, $0xb8;
	[tilespmem:$0x1D800] =	vst v63  }
0x6d: {  	_ =	swait.ge [sflag:s12], $0x4000  }
0x6e: {  	[sflag:s12] =	ssyncset.done $0x0  }
0x6f: {  	s9 =	rddreg [dreg:$0x8];
	[sflag:s12] =	ssyncadd.s32 $0xFFFFC000  }
0x70: {  	[tilespmem:s17], [sflag:$0x1] =	stream.indirect.gather [hbm4b:s4+s16], $0x80, s9, s16, $0xb8;
	[tilespmem:$0x1D800] =	vst v63  }
0x71: {  	_ =	swait.ge [sflag:s20], $0x4000  }
0x72: {  	[sflag:s20] =	ssyncset.done $0x0  }
0x73: {  	s9 =	rddreg [dreg:$0x9];
	[sflag:s20] =	ssyncadd.s32 $0xFFFFC000  }
0x74: {  	[spmem:s2] =	stream.indirect.scatter.add.f32 [tilespmem:s18], [sflag:$0x3], $0x80, s9, s16, $0xb8;
	[tilespmem:$0x1D800] =	vst v63  }
0x75: {  	_ =	swait.ge [sflag:s12], $0x4000  }
0x76: {  	[sflag:s12] =	ssyncset.done $0x0  }
0x77: {  	s9 =	rddreg [dreg:$0xa];
	[sflag:s12] =	ssyncadd.s32 $0xFFFFC000  }
0x78: {  	[tilespmem:s18], [sflag:$0x2] =	stream.indirect.gather [hbm4b:s4+s16], $0x80, s9, s16, $0xb8;
	[tilespmem:$0x1D800] =	vst v63  }
0x79: {  	_ =	swait.ge [sflag:s19], $0x4000  }
0x7a: {  	[sflag:s19] =	ssyncset.done $0x0  }
0x7b: {  	s9 =	rddreg [dreg:$0xb];
	[sflag:s19] =	ssyncadd.s32 $0xFFFFC000  }
0x7c: {  	[spmem:s2] =	stream.indirect.scatter.add.f32 [tilespmem:s17], [sflag:$0x3], $0x80, s9, s16, $0xb8;
	[tilespmem:$0x1D800] =	vst v63  }
0x7d: {  	_ =	swait.ge [sflag:s12], $0x4000  }
0x7e: {  	[sflag:s12] =	ssyncset.done $0x0  }
0x7f: {  	s9 =	rddreg [dreg:$0xc];
	[sflag:s12] =	ssyncadd.s32 $0xFFFFC000  }
0x80: {  	[tilespmem:s17], [sflag:$0x1] =	stream.indirect.gather [hbm4b:s4+s16], $0x80, s9, s16, $0xb8;
	[tilespmem:$0x1D800] =	vst v63  }
0x81: {  	_ =	swait.ge [sflag:s20], $0x4000  }
0x82: {  	[sflag:s20] =	ssyncset.done $0x0  }
0x83: {  	s9 =	rddreg [dreg:$0xd];
	[sflag:s20] =	ssyncadd.s32 $0xFFFFC000  }
0x84: {  	[spmem:s2] =	stream.indirect.scatter.add.f32 [tilespmem:s18], [sflag:$0x3], $0x80, s9, s16, $0xb8;
	[tilespmem:$0x1D800] =	vst v63  }
0x85: {  	_ =	swait.ge [sflag:s12], $0x4000  }
0x86: {  	[sflag:s12] =	ssyncset.done $0x0  }
0x87: {  	s9 =	rddreg [dreg:$0xe];
	[sflag:s12] =	ssyncadd.s32 $0xFFFFC000  }
0x88: {  	[tilespmem:s18], [sflag:$0x2] =	stream.indirect.gather [hbm4b:s4+s16], $0x80, s9, s16, $0xb8;
	[tilespmem:$0x1D800] =	vst v63  }
0x89: {  	_ =	swait.ge [sflag:s19], $0x4000  }
0x8a: {  	[sflag:s19] =	ssyncset.done $0x0  }
0x8b: {  	s9 =	rddreg [dreg:$0xf];
	[sflag:s19] =	ssyncadd.s32 $0xFFFFC000  }
0x8c: {  	[spmem:s2] =	stream.indirect.scatter.add.f32 [tilespmem:s17], [sflag:$0x3], $0x80, s9, s16, $0xb8;
	[tilespmem:$0x1D800] =	vst v63  }
0x8d: {  	_ =	swait.ge [sflag:s12], $0x4000  }
0x8e: {  	[sflag:s12] =	ssyncset.done $0x0  }
0x8f: {  	s9 =	rddreg [dreg:$0x10];
	[sflag:s12] =	ssyncadd.s32 $0xFFFFC000  }
0x90: {  	[tilespmem:s17], [sflag:$0x1] =	stream.indirect.gather [hbm4b:s4+s16], $0x80, s9, s16, $0xb8;
	[tilespmem:$0x1D800] =	vst v63  }
0x91: {  	_ =	swait.ge [sflag:s20], $0x4000  }
0x92: {  	[sflag:s20] =	ssyncset.done $0x0  }
0x93: {  	s9 =	rddreg [dreg:$0x11];
	[sflag:s20] =	ssyncadd.s32 $0xFFFFC000  }
0x94: {  	[spmem:s2] =	stream.indirect.scatter.add.f32 [tilespmem:s18], [sflag:$0x3], $0x80, s9, s16, $0xb8;
	[tilespmem:$0x1D800] =	vst v63  }
0x95: {  	_ =	swait.ge [sflag:s12], $0x4000  }
0x96: {  	[sflag:s12] =	ssyncset.done $0x0  }
0x97: {  	[sflag:s12] =	ssyncadd.s32 $0xFFFFC000  }
0x98: {  	[tilespmem:s18], [sflag:$0x2] =	stream.indirect.gather [hbm4b:s4+s16], $0x80, s21, s16, $0xb8;
	[tilespmem:$0x1D800] =	vst v63  }
0x99: {  	_ =	swait.ge [sflag:s19], $0x4000  }
0x9a: {  	[sflag:s19] =	ssyncset.done $0x0  }
0x9b: {  	[sflag:s19] =	ssyncadd.s32 $0xFFFFC000  }
0x9c: {  	[spmem:s2] =	stream.indirect.scatter.add.f32 [tilespmem:s17], [sflag:$0x3], $0x80, s22, s16, $0xb8;
	[tilespmem:$0x1D800] =	vst v63  }
0x9d: {  	_ =	swait.ge [sflag:s12], $0x4000  }
0x9e: {  	[sflag:s12] =	ssyncset.done $0x0  }
0x9f: {  	[sflag:s12] =	ssyncadd.s32 $0xFFFFC000  }
0xa0: {  	[tilespmem:s17], [sflag:$0x1] =	stream.indirect.gather [hbm4b:s4+s16], $0x80, s23, s16, $0xb8;
	[tilespmem:$0x1D800] =	vst v63  }
0xa1: {  	_ =	swait.ge [sflag:s20], $0x4000  }
0xa2: {  	[sflag:s20] =	ssyncset.done $0x0  }
0xa3: {  	[sflag:s20] =	ssyncadd.s32 $0xFFFFC000  }
0xa4: {  	[spmem:s2] =	stream.indirect.scatter.add.f32 [tilespmem:s18], [sflag:$0x3], $0x80, s24, s16, $0xb8;
	[tilespmem:$0x1D800] =	vst v63  }
0xa5: {  	_ =	swait.ge [sflag:s12], $0x4000  }
0xa6: {  	[sflag:s12] =	ssyncset.done $0x0  }
0xa7: {  	[sflag:s12] =	ssyncadd.s32 $0xFFFFC000  }
0xa8: {  	[tilespmem:s18], [sflag:$0x2] =	stream.indirect.gather [hbm4b:s4+s16], $0x80, s25, s16, $0xb8;
	[tilespmem:$0x1D800] =	vst v63  }
0xa9: {  	_ =	swait.ge [sflag:s19], $0x4000  }
0xaa: {  	[sflag:s19] =	ssyncset.done $0x0  }
0xab: {  	[sflag:s19] =	ssyncadd.s32 $0xFFFFC000  }
0xac: {  	[spmem:s2] =	stream.indirect.scatter.add.f32 [tilespmem:s17], [sflag:$0x3], $0x80, s26, s16, $0xb8;
	[tilespmem:$0x1D800] =	vst v63  }
0xad: {  	_ =	swait.ge [sflag:s12], $0x4000  }
0xae: {  	[sflag:s12] =	ssyncset.done $0x0  }
0xaf: {  	[sflag:s12] =	ssyncadd.s32 $0xFFFFC000  }
0xb0: {  	[tilespmem:s17], [sflag:$0x1] =	stream.indirect.gather [hbm4b:s4+s16], $0x80, s28, s16, $0xb8;
	[tilespmem:$0x1D800] =	vst v63  }
0xb1: {  	_ =	swait.ge [sflag:s20], $0x4000  }
0xb2: {  	[sflag:s20] =	ssyncset.done $0x0  }
0xb3: {  	[sflag:s20] =	ssyncadd.s32 $0xFFFFC000  }
0xb4: {  	[spmem:s2] =	stream.indirect.scatter.add.f32 [tilespmem:s18], [sflag:$0x3], $0x80, s29, s16, $0xb8;
	[tilespmem:$0x1D800] =	vst v63  }
0xb5: {  	_ =	swait.ge [sflag:s12], $0x4000  }
0xb6: {  	[sflag:s12] =	ssyncset.done $0x0  }
0xb7: {  	[sflag:s12] =	ssyncadd.s32 $0xFFFFC000  }
0xb8: {  	[tilespmem:s18], [sflag:$0x2] =	stream.indirect.gather [hbm4b:s4+s16], $0x80, s30, s16, $0xb8;
	[tilespmem:$0x1D800] =	vst v63  }
0xb9: {  	_ =	swait.ge [sflag:s19], $0x4000  }
0xba: {  	[sflag:s19] =	ssyncset.done $0x0  }
0xbb: {  	[sflag:s19] =	ssyncadd.s32 $0xFFFFC000  }
0xbc: {  	[spmem:s2] =	stream.indirect.scatter.add.f32 [tilespmem:s17], [sflag:$0x3], $0x80, s31, s16, $0xb8;
	[tilespmem:$0x1D800] =	vst v63  }
0xbd: {  	_ =	swait.ge [sflag:s12], $0x4000  }
0xbe: {  	[sflag:s12] =	ssyncset.done $0x0  }
0xbf: {  	[sflag:s12] =	ssyncadd.s32 $0xFFFFC000  }
0xc0: {  	[tilespmem:s17], [sflag:$0x1] =	stream.indirect.gather [hbm4b:s4+s16], $0x80, s1, s16, $0xb8;
	[tilespmem:$0x1D800] =	vst v63  }
0xc1: {  	_ =	swait.ge [sflag:s20], $0x4000  }
0xc2: {  	[sflag:s20] =	ssyncset.done $0x0  }
0xc3: {  	[sflag:s20] =	ssyncadd.s32 $0xFFFFC000  }
0xc4: {  	[spmem:s2] =	stream.indirect.scatter.add.f32 [tilespmem:s18], [sflag:$0x3], $0x80, s0, s16, $0xb8;
	[tilespmem:$0x1D800] =	vst v63  }
0xc5: {  	_ =	swait.ge [sflag:s12], $0x4000  }
0xc6: {  	[sflag:s12] =	ssyncset.done $0x0  }
0xc7: {  	[sflag:s12] =	ssyncadd.s32 $0xFFFFC000  }
0xc8: {  	[tilespmem:s18], [sflag:$0x2] =	stream.indirect.gather [hbm4b:s4+s16], $0x80, s7, s16, $0xb8;
	[tilespmem:$0x1D800] =	vst v63  }
0xc9: {  	_ =	swait.ge [sflag:s19], $0x4000  }
0xca: {  	[sflag:s19] =	ssyncset.done $0x0  }
0xcb: {  	[sflag:s19] =	ssyncadd.s32 $0xFFFFC000  }
0xcc: {  	[spmem:s2] =	stream.indirect.scatter.add.f32 [tilespmem:s17], [sflag:$0x3], $0x80, s8, s16, $0xb8;
	[tilespmem:$0x1D800] =	vst v63  }
0xcd: {  	_ =	swait.ge [sflag:s12], $0x4000  }
0xce: {  	[sflag:s12] =	ssyncset.done $0x0  }
0xcf: {  	[sflag:s12] =	ssyncadd.s32 $0xFFFFC000  }
0xd0: {  	_ =	swait.ge [sflag:s20], $0x4000  }
0xd1: {  	s9 =	rddreg [dreg:$0x12]  }
0xd2: {  	p1 =	sne.s32 s9, $0x1  }
.Ltmp5:
0xd3: {  	[sflag:s20] =	ssyncset.done $0x0;
	(pc) =	sbr.rel @!p1 .LBB2_8-.Ltmp5, $4  }
0xd4: {  	[sflag:s20] =	ssyncadd.s32 $0xFFFFC000  }
0xd5: {  	[spmem:s2] =	stream.indirect.scatter.add.f32 [tilespmem:s18], [sflag:$0x3], $0x80, s13, s16, $0xb8;
	[tilespmem:$0x1D800] =	vst v63  }
0xd6: {  	_ =	swait.ge [sflag:s12], $0x4000  }
0xd7: {  	s5 =	smov.u32 s14;
	s9 =	sadd.s32 $0xFFFFFFFF, s9;
	[sflag:s12] =	ssyncset.done $0x0  }
.LBB2_7:
0xd8: {  	[sflag:s12] =	ssyncadd.s32 $0xFFFFC000;
	s5 =	sadd.s32 $0x100, s5  }
0xd9: {  	[tilespmem:s3], [sflag:$0x3] =	stream.linear.gather [hbm4b:s5+s3], $0x800, $0x38;
	[tilespmem:$0x1D800] =	vst v63  }
0xda: {  	_ =	swait.ge [sflag:s12], $0x800  }
0xdb: {  	[sflag:s12] =	ssyncset.done $0x0  }
0xdc: {  	s10 =	sadd.s32 $0x100, s10;
	[sflag:s12] =	ssyncadd.s32 $0xFFFFF800  }
0xdd: {  	[tilespmem:s15], [sflag:$0x3] =	stream.linear.gather [hbm4b:s10+s3], $0x800, $0x38;
	[tilespmem:$0x1D800] =	vst v63  }
0xde: {  	_ =	swait.ge [sflag:s12], $0x800  }
0xdf: {  	[sflag:s12] =	ssyncset.done $0x0  }
0xe0: {  	[sflag:s12] =	ssyncadd.s32 $0xFFFFF800  }
0xe1: {  	[tilespmem:s17], [sflag:$0x1] =	stream.indirect.gather [hbm4b:s4+s16], $0x80, s3, s16, $0xb8;
	[tilespmem:$0x1D800] =	vst v63  }
0xe2: {  	_ = 	snop  }
0xe3: {  	[tilespmem:s18], [sflag:$0x2] =	stream.indirect.gather [hbm4b:s4+s16], $0x80, s16, s16, $0xb8;
	[tilespmem:$0x1D800] =	vst v63  }
0xe4: {  	_ =	swait.ge [sflag:s19], $0x4000  }
0xe5: {  	[sflag:s19] =	ssyncset.done $0x0  }
0xe6: {  	[sflag:s19] =	ssyncadd.s32 $0xFFFFC000  }
0xe7: {  	[spmem:s2] =	stream.indirect.scatter.add.f32 [tilespmem:s17], [sflag:$0x3], $0x80, s15, s16, $0xb8;
	[tilespmem:$0x1D800] =	vst v63  }
0xe8: {  	_ =	swait.ge [sflag:s12], $0x4000  }
0xe9: {  	[sflag:s12] =	ssyncset.done $0x0  }
0xea: {  	s14 =	rddreg [dreg:$0x4];
	[sflag:s12] =	ssyncadd.s32 $0xFFFFC000  }
0xeb: {  	[tilespmem:s17], [sflag:$0x1] =	stream.indirect.gather [hbm4b:s4+s16], $0x80, s14, s16, $0xb8;
	[tilespmem:$0x1D800] =	vst v63  }
0xec: {  	_ =	swait.ge [sflag:s20], $0x4000  }
0xed: {  	[sflag:s20] =	ssyncset.done $0x0  }
0xee: {  	s14 =	rddreg [dreg:$0x5];
	[sflag:s20] =	ssyncadd.s32 $0xFFFFC000  }
0xef: {  	[spmem:s2] =	stream.indirect.scatter.add.f32 [tilespmem:s18], [sflag:$0x3], $0x80, s14, s16, $0xb8;
	[tilespmem:$0x1D800] =	vst v63  }
0xf0: {  	_ =	swait.ge [sflag:s12], $0x4000  }
0xf1: {  	[sflag:s12] =	ssyncset.done $0x0  }
0xf2: {  	s14 =	rddreg [dreg:$0x6];
	[sflag:s12] =	ssyncadd.s32 $0xFFFFC000  }
0xf3: {  	[tilespmem:s18], [sflag:$0x2] =	stream.indirect.gather [hbm4b:s4+s16], $0x80, s14, s16, $0xb8;
	[tilespmem:$0x1D800] =	vst v63  }
0xf4: {  	_ =	swait.ge [sflag:s19], $0x4000  }
0xf5: {  	[sflag:s19] =	ssyncset.done $0x0  }
0xf6: {  	s14 =	rddreg [dreg:$0x7];
	[sflag:s19] =	ssyncadd.s32 $0xFFFFC000  }
0xf7: {  	[spmem:s2] =	stream.indirect.scatter.add.f32 [tilespmem:s17], [sflag:$0x3], $0x80, s14, s16, $0xb8;
	[tilespmem:$0x1D800] =	vst v63  }
0xf8: {  	_ =	swait.ge [sflag:s12], $0x4000  }
0xf9: {  	[sflag:s12] =	ssyncset.done $0x0  }
0xfa: {  	s14 =	rddreg [dreg:$0x8];
	[sflag:s12] =	ssyncadd.s32 $0xFFFFC000  }
0xfb: {  	[tilespmem:s17], [sflag:$0x1] =	stream.indirect.gather [hbm4b:s4+s16], $0x80, s14, s16, $0xb8;
	[tilespmem:$0x1D800] =	vst v63  }
0xfc: {  	_ =	swait.ge [sflag:s20], $0x4000  }
0xfd: {  	[sflag:s20] =	ssyncset.done $0x0  }
0xfe: {  	s14 =	rddreg [dreg:$0x9];
	[sflag:s20] =	ssyncadd.s32 $0xFFFFC000  }
0xff: {  	[spmem:s2] =	stream.indirect.scatter.add.f32 [tilespmem:s18], [sflag:$0x3], $0x80, s14, s16, $0xb8;
	[tilespmem:$0x1D800] =	vst v63  }
0x100: {  	_ =	swait.ge [sflag:s12], $0x4000  }
0x101: {  	[sflag:s12] =	ssyncset.done $0x0  }
0x102: {  	s14 =	rddreg [dreg:$0xa];
	[sflag:s12] =	ssyncadd.s32 $0xFFFFC000  }
0x103: {  	[tilespmem:s18], [sflag:$0x2] =	stream.indirect.gather [hbm4b:s4+s16], $0x80, s14, s16, $0xb8;
	[tilespmem:$0x1D800] =	vst v63  }
0x104: {  	_ =	swait.ge [sflag:s19], $0x4000  }
0x105: {  	[sflag:s19] =	ssyncset.done $0x0  }
0x106: {  	s14 =	rddreg [dreg:$0xb];
	[sflag:s19] =	ssyncadd.s32 $0xFFFFC000  }
0x107: {  	[spmem:s2] =	stream.indirect.scatter.add.f32 [tilespmem:s17], [sflag:$0x3], $0x80, s14, s16, $0xb8;
	[tilespmem:$0x1D800] =	vst v63  }
0x108: {  	_ =	swait.ge [sflag:s12], $0x4000  }
0x109: {  	[sflag:s12] =	ssyncset.done $0x0  }
0x10a: {  	s14 =	rddreg [dreg:$0xc];
	[sflag:s12] =	ssyncadd.s32 $0xFFFFC000  }
0x10b: {  	[tilespmem:s17], [sflag:$0x1] =	stream.indirect.gather [hbm4b:s4+s16], $0x80, s14, s16, $0xb8;
	[tilespmem:$0x1D800] =	vst v63  }
0x10c: {  	_ =	swait.ge [sflag:s20], $0x4000  }
0x10d: {  	[sflag:s20] =	ssyncset.done $0x0  }
0x10e: {  	s14 =	rddreg [dreg:$0xd];
	[sflag:s20] =	ssyncadd.s32 $0xFFFFC000  }
0x10f: {  	[spmem:s2] =	stream.indirect.scatter.add.f32 [tilespmem:s18], [sflag:$0x3], $0x80, s14, s16, $0xb8;
	[tilespmem:$0x1D800] =	vst v63  }
0x110: {  	_ =	swait.ge [sflag:s12], $0x4000  }
0x111: {  	[sflag:s12] =	ssyncset.done $0x0  }
0x112: {  	s14 =	rddreg [dreg:$0xe];
	[sflag:s12] =	ssyncadd.s32 $0xFFFFC000  }
0x113: {  	[tilespmem:s18], [sflag:$0x2] =	stream.indirect.gather [hbm4b:s4+s16], $0x80, s14, s16, $0xb8;
	[tilespmem:$0x1D800] =	vst v63  }
0x114: {  	_ =	swait.ge [sflag:s19], $0x4000  }
0x115: {  	[sflag:s19] =	ssyncset.done $0x0  }
0x116: {  	s14 =	rddreg [dreg:$0xf];
	[sflag:s19] =	ssyncadd.s32 $0xFFFFC000  }
0x117: {  	[spmem:s2] =	stream.indirect.scatter.add.f32 [tilespmem:s17], [sflag:$0x3], $0x80, s14, s16, $0xb8;
	[tilespmem:$0x1D800] =	vst v63  }
0x118: {  	_ =	swait.ge [sflag:s12], $0x4000  }
0x119: {  	[sflag:s12] =	ssyncset.done $0x0  }
0x11a: {  	s14 =	rddreg [dreg:$0x10];
	[sflag:s12] =	ssyncadd.s32 $0xFFFFC000  }
0x11b: {  	[tilespmem:s17], [sflag:$0x1] =	stream.indirect.gather [hbm4b:s4+s16], $0x80, s14, s16, $0xb8;
	[tilespmem:$0x1D800] =	vst v63  }
0x11c: {  	_ =	swait.ge [sflag:s20], $0x4000  }
0x11d: {  	[sflag:s20] =	ssyncset.done $0x0  }
0x11e: {  	s14 =	rddreg [dreg:$0x11];
	[sflag:s20] =	ssyncadd.s32 $0xFFFFC000  }
0x11f: {  	[spmem:s2] =	stream.indirect.scatter.add.f32 [tilespmem:s18], [sflag:$0x3], $0x80, s14, s16, $0xb8;
	[tilespmem:$0x1D800] =	vst v63  }
0x120: {  	_ =	swait.ge [sflag:s12], $0x4000  }
0x121: {  	[sflag:s12] =	ssyncset.done $0x0  }
0x122: {  	[sflag:s12] =	ssyncadd.s32 $0xFFFFC000  }
0x123: {  	[tilespmem:s18], [sflag:$0x2] =	stream.indirect.gather [hbm4b:s4+s16], $0x80, s21, s16, $0xb8;
	[tilespmem:$0x1D800] =	vst v63  }
0x124: {  	_ =	swait.ge [sflag:s19], $0x4000  }
0x125: {  	[sflag:s19] =	ssyncset.done $0x0  }
0x126: {  	[sflag:s19] =	ssyncadd.s32 $0xFFFFC000  }
0x127: {  	[spmem:s2] =	stream.indirect.scatter.add.f32 [tilespmem:s17], [sflag:$0x3], $0x80, s22, s16, $0xb8;
	[tilespmem:$0x1D800] =	vst v63  }
0x128: {  	_ =	swait.ge [sflag:s12], $0x4000  }
0x129: {  	[sflag:s12] =	ssyncset.done $0x0  }
0x12a: {  	[sflag:s12] =	ssyncadd.s32 $0xFFFFC000  }
0x12b: {  	[tilespmem:s17], [sflag:$0x1] =	stream.indirect.gather [hbm4b:s4+s16], $0x80, s23, s16, $0xb8;
	[tilespmem:$0x1D800] =	vst v63  }
0x12c: {  	_ =	swait.ge [sflag:s20], $0x4000  }
0x12d: {  	[sflag:s20] =	ssyncset.done $0x0  }
0x12e: {  	[sflag:s20] =	ssyncadd.s32 $0xFFFFC000  }
0x12f: {  	[spmem:s2] =	stream.indirect.scatter.add.f32 [tilespmem:s18], [sflag:$0x3], $0x80, s24, s16, $0xb8;
	[tilespmem:$0x1D800] =	vst v63  }
0x130: {  	_ =	swait.ge [sflag:s12], $0x4000  }
0x131: {  	[sflag:s12] =	ssyncset.done $0x0  }
0x132: {  	[sflag:s12] =	ssyncadd.s32 $0xFFFFC000  }
0x133: {  	[tilespmem:s18], [sflag:$0x2] =	stream.indirect.gather [hbm4b:s4+s16], $0x80, s25, s16, $0xb8;
	[tilespmem:$0x1D800] =	vst v63  }
0x134: {  	_ =	swait.ge [sflag:s19], $0x4000  }
0x135: {  	[sflag:s19] =	ssyncset.done $0x0  }
0x136: {  	[sflag:s19] =	ssyncadd.s32 $0xFFFFC000  }
0x137: {  	[spmem:s2] =	stream.indirect.scatter.add.f32 [tilespmem:s17], [sflag:$0x3], $0x80, s26, s16, $0xb8;
	[tilespmem:$0x1D800] =	vst v63  }
0x138: {  	_ =	swait.ge [sflag:s12], $0x4000  }
0x139: {  	[sflag:s12] =	ssyncset.done $0x0  }
0x13a: {  	[sflag:s12] =	ssyncadd.s32 $0xFFFFC000  }
0x13b: {  	[tilespmem:s17], [sflag:$0x1] =	stream.indirect.gather [hbm4b:s4+s16], $0x80, s28, s16, $0xb8;
	[tilespmem:$0x1D800] =	vst v63  }
0x13c: {  	_ =	swait.ge [sflag:s20], $0x4000  }
0x13d: {  	[sflag:s20] =	ssyncset.done $0x0  }
0x13e: {  	[sflag:s20] =	ssyncadd.s32 $0xFFFFC000  }
0x13f: {  	[spmem:s2] =	stream.indirect.scatter.add.f32 [tilespmem:s18], [sflag:$0x3], $0x80, s29, s16, $0xb8;
	[tilespmem:$0x1D800] =	vst v63  }
0x140: {  	_ =	swait.ge [sflag:s12], $0x4000  }
0x141: {  	[sflag:s12] =	ssyncset.done $0x0  }
0x142: {  	[sflag:s12] =	ssyncadd.s32 $0xFFFFC000  }
0x143: {  	[tilespmem:s18], [sflag:$0x2] =	stream.indirect.gather [hbm4b:s4+s16], $0x80, s30, s16, $0xb8;
	[tilespmem:$0x1D800] =	vst v63  }
0x144: {  	_ =	swait.ge [sflag:s19], $0x4000  }
0x145: {  	[sflag:s19] =	ssyncset.done $0x0  }
0x146: {  	[sflag:s19] =	ssyncadd.s32 $0xFFFFC000  }
0x147: {  	[spmem:s2] =	stream.indirect.scatter.add.f32 [tilespmem:s17], [sflag:$0x3], $0x80, s31, s16, $0xb8;
	[tilespmem:$0x1D800] =	vst v63  }
0x148: {  	_ =	swait.ge [sflag:s12], $0x4000  }
0x149: {  	[sflag:s12] =	ssyncset.done $0x0  }
0x14a: {  	[sflag:s12] =	ssyncadd.s32 $0xFFFFC000  }
0x14b: {  	[tilespmem:s17], [sflag:$0x1] =	stream.indirect.gather [hbm4b:s4+s16], $0x80, s1, s16, $0xb8;
	[tilespmem:$0x1D800] =	vst v63  }
0x14c: {  	_ =	swait.ge [sflag:s20], $0x4000  }
0x14d: {  	[sflag:s20] =	ssyncset.done $0x0  }
0x14e: {  	[sflag:s20] =	ssyncadd.s32 $0xFFFFC000  }
0x14f: {  	[spmem:s2] =	stream.indirect.scatter.add.f32 [tilespmem:s18], [sflag:$0x3], $0x80, s0, s16, $0xb8;
	[tilespmem:$0x1D800] =	vst v63  }
0x150: {  	_ =	swait.ge [sflag:s12], $0x4000  }
0x151: {  	[sflag:s12] =	ssyncset.done $0x0  }
0x152: {  	[sflag:s12] =	ssyncadd.s32 $0xFFFFC000  }
0x153: {  	[tilespmem:s18], [sflag:$0x2] =	stream.indirect.gather [hbm4b:s4+s16], $0x80, s7, s16, $0xb8;
	[tilespmem:$0x1D800] =	vst v63  }
0x154: {  	_ =	swait.ge [sflag:s19], $0x4000  }
0x155: {  	[sflag:s19] =	ssyncset.done $0x0  }
0x156: {  	[sflag:s19] =	ssyncadd.s32 $0xFFFFC000  }
0x157: {  	[spmem:s2] =	stream.indirect.scatter.add.f32 [tilespmem:s17], [sflag:$0x3], $0x80, s8, s16, $0xb8;
	[tilespmem:$0x1D800] =	vst v63  }
0x158: {  	_ =	swait.ge [sflag:s12], $0x4000  }
0x159: {  	[sflag:s12] =	ssyncset.done $0x0  }
0x15a: {  	[sflag:s12] =	ssyncadd.s32 $0xFFFFC000  }
0x15b: {  	p1 =	sne.s32 s9, $0x1;
	_ =	swait.ge [sflag:s20], $0x4000  }
.Ltmp6:
0x15c: {  	[sflag:s20] =	ssyncset.done $0x0;
	(pc) =	sbr.rel @p1 .LBB2_7-.Ltmp6, $4  }
0x15d: {  	[sflag:s20] =	ssyncadd.s32 $0xFFFFC000  }
0x15e: {  	[spmem:s2] =	stream.indirect.scatter.add.f32 [tilespmem:s18], [sflag:$0x3], $0x80, s13, s16, $0xb8;
	[tilespmem:$0x1D800] =	vst v63  }
0x15f: {  	_ =	swait.ge [sflag:s12], $0x4000  }
0x160: {  	s9 =	sadd.s32 $0xFFFFFFFF, s9;
	[sflag:s12] =	ssyncset.done $0x0  }
.Ltmp7:
0x161: {  	_ = 	snop;
	(pc) =	sbr.rel .LBB2_8-.Ltmp7, $1  }
0x162: {  	_ =	sdelay $0x3  }
.LBB2_10:
0x163: {  	_ =	sfence.sel $0x180000  }
0x164: {  	[bflag:$0x0] =	sbarrier.arrive $0xFFFF  }
0x165: {  	_ =	strace $0x90000050  }
0x166: {  	s0 =	stileid.u32;
	[bflag:$0x2] =	sbarrier.arrive $0xFFFF  }
0x167: {  	p0 =	sne.s32 s0, $0x0;
	s0 =	rddreg [dreg:$0x3]  }
0x168: {  	s0 =	sadd.s32 @!p0 $0x100000, s0  }
0x169: {  	[sflag:s0] =	ssyncadd.tile.s32 @!p0 $0x1;
	_ =	shalt  }
.Lfunc_end2:
_tile_overlayer_lowered:
.L_overlay_start_2:
0x16a: {  	(tag) =	ssettag $0x2  }
0x16b: {  	s0 =	rddreg [dreg:$0x0];
	s2 =	stileid.u32  }
0x16c: {  	s1 =	rddreg [dreg:$0x1];
	p0 =	sne.s32 s2, $0x0  }
0x16d: {  	s3 =	rddreg [dreg:$0x2];
	[bflag:$0x3] =	sbarrier.arrive $0xFFFF;
	s2 =	simm.s32 @!p0 $0x1C03  }
0x16e: {  	[timem:s3], [sflag:s2] =	dma.local @!p0 [hbm:s0], s1  }
0x16f: {  	s0 =	simm.s32 @!p0 $0x3  }
0x170: {  	_ =	swait.ge @!p0 [sflag:s0], s1  }
0x171: {  	s1 =	ssub.s32 @!p0 $0x0, s1;
	[sflag:s0] =	ssyncset.done @!p0 $0x0  }
0x172: {  	[sflag:s0] =	ssyncadd.s32 @!p0 s1  }
0x173: {  	[bflag:$0x3] =	sbarrier.arrive $0xFFFF  }
0x174: {  	_ =	shalt  }

</sc_bundles>
